<compile_context>
chip_gen: v7x
topology: tpu7x:2x2x1
jax: 0.10.2.dev20260603
libtpu: 0.0.44.dev20260713+nightly
codegen_flags: <defaults>
</compile_context>

<pallas_src>
import functools
import math

import jax
import jax.numpy as jnp
from jax import lax
from jax.experimental import pallas as pl
from jax.experimental.pallas import tpu as pltpu
from jax.experimental.pallas import tpu_sc as plsc

B, L = 4096, 200
D_HALF = 64
N = B * L
NSPLIT = 4
NH = N // NSPLIT
NC, NS = 2, 16
NW = NC * NS
PER_W = NH // NW
CHUNK = 128
N_CHUNKS = PER_W // CHUNK


def _sc_body(x_hbm, wf_hbm, phase_hbm, wf_out, b_out,
             idx_a, wf_a, b_a, idx_b, wf_b, b_b,
             sg_a, sw_a, sg_b, sw_b):
    wid = lax.axis_index("s") * NC + lax.axis_index("c")
    wbase = wid * PER_W

    sets = ((idx_a, wf_a, b_a, sg_a, sw_a),
            (idx_b, wf_b, b_b, sg_b, sw_b))

    def do_chunk(ci, idx_v, wf_v, b_v, sg, sw):
        base = wbase + ci * CHUNK
        @pl.when(ci >= 2)
        def _():
            pltpu.make_async_copy(
                wf_v, wf_out.at[pl.ds(base, CHUNK)], sw).wait()
            pltpu.make_async_copy(
                b_v, b_out.at[pl.ds(base, CHUNK), pl.ds(0, D_HALF)], sw).wait()

        pltpu.sync_copy(x_hbm.at[pl.ds(base, CHUNK)], idx_v)
        pltpu.async_copy(wf_hbm.at[idx_v], wf_v, sg)
        pltpu.async_copy(phase_hbm.at[idx_v], b_v, sg)
        pltpu.make_async_copy(wf_hbm.at[idx_v], wf_v, sg).wait()
        pltpu.make_async_copy(phase_hbm.at[idx_v], b_v, sg).wait()
        pltpu.async_copy(wf_v, wf_out.at[pl.ds(base, CHUNK)], sw)
        pltpu.async_copy(b_v, b_out.at[pl.ds(base, CHUNK), pl.ds(0, D_HALF)], sw)

    def pair_body(g, carry):
        do_chunk(2 * g, *sets[0])
        do_chunk(2 * g + 1, *sets[1])
        return carry

    lax.fori_loop(0, N_CHUNKS // 2, pair_body, 0, unroll=False)

    for (idx_v, wf_v, b_v, sg, sw) in sets:
        pltpu.make_async_copy(wf_v, wf_out.at[pl.ds(wbase, CHUNK)], sw).wait()
        pltpu.make_async_copy(
            b_v, b_out.at[pl.ds(wbase, CHUNK), pl.ds(0, D_HALF)], sw).wait()


@functools.cache
def _sc_gather():
    return pl.kernel(
        _sc_body,
        mesh=plsc.VectorSubcoreMesh(core_axis_name="c", subcore_axis_name="s"),
        compiler_params=pltpu.CompilerParams(use_tc_tiling_on_sc=False),
        out_type=[
            jax.ShapeDtypeStruct((NH, 2 * D_HALF), jnp.float32),
            jax.ShapeDtypeStruct((NH, 2 * D_HALF), jnp.float32),
        ],
        scratch_types=[
            pltpu.VMEM((CHUNK,), jnp.int32),
            pltpu.VMEM((CHUNK, 2 * D_HALF), jnp.float32),
            pltpu.VMEM((CHUNK, D_HALF), jnp.float32),
            pltpu.VMEM((CHUNK,), jnp.int32),
            pltpu.VMEM((CHUNK, 2 * D_HALF), jnp.float32),
            pltpu.VMEM((CHUNK, D_HALF), jnp.float32),
            pltpu.SemaphoreType.DMA, pltpu.SemaphoreType.DMA,
            pltpu.SemaphoreType.DMA, pltpu.SemaphoreType.DMA,
        ],
    )


ROWS_PER_BLK = 2048
BLKS_PER_STAGE = NH // ROWS_PER_BLK

_MAGIC = 12582912.0
_INV_PIO2 = 0.6366197723675814
_PIO2_HI = 1.57080078125
_PIO2_MID = -4.454455029158992e-06
_S1, _S2 = -0.16666667, 0.008332161
_C1, _C2, _C3 = -0.5, 0.041666418, -0.0013889048


def _sincos(ph):
    t = ph * _INV_PIO2
    n_big = t + _MAGIC
    nf = n_big - _MAGIC
    r = ph - nf * _PIO2_HI
    r = r - nf * _PIO2_MID
    r2 = r * r
    s = r + r * r2 * (_S1 + r2 * _S2)
    c = 1.0 + r2 * (_C1 + r2 * (_C2 + r2 * _C3))
    ni = lax.bitcast_convert_type(n_big, jnp.int32)
    swap = (ni & 1) == 1
    sinv = jnp.where(swap, c, s)
    cosv = jnp.where(swap, s, c)
    sgn_s = (ni & 2) << 30
    sgn_c = ((ni + 1) & 2) << 30
    sinv = lax.bitcast_convert_type(
        lax.bitcast_convert_type(sinv, jnp.int32) ^ sgn_s, jnp.float32)
    cosv = lax.bitcast_convert_type(
        lax.bitcast_convert_type(cosv, jnp.int32) ^ sgn_c, jnp.float32)
    return sinv, cosv


def _pos_col(i, sub):
    half = ROWS_PER_BLK // 2
    off = lax.rem(i * ROWS_PER_BLK + sub * half, L)
    v = lax.broadcasted_iota(jnp.int32, (half, 1), 0) + off
    q = (v * 5243) >> 20
    return (v - q * L + 1).astype(jnp.float32)


def _tc_trig_body(wf_ref, b_ref, out_ref):
    i = pl.program_id(0)
    half = ROWS_PER_BLK // 2
    lo, hi = pl.ds(0, half), pl.ds(half, half)
    ph_lo = _pos_col(i, 0) * wf_ref[lo, D_HALF:2 * D_HALF] + b_ref[lo, 0:D_HALF]
    ph_hi = _pos_col(i, 1) * wf_ref[hi, D_HALF:2 * D_HALF] + b_ref[hi, 0:D_HALF]
    ph = jnp.concatenate([ph_lo, ph_hi], axis=1)
    sinv, cosv = _sincos(ph)
    amp_lo = wf_ref[lo, 0:D_HALF]
    amp_hi = wf_ref[hi, 0:D_HALF]
    out_ref[lo, 0:D_HALF] = amp_lo * cosv[:, 0:D_HALF]
    out_ref[lo, D_HALF:2 * D_HALF] = amp_lo * sinv[:, 0:D_HALF]
    out_ref[hi, 0:D_HALF] = amp_hi * cosv[:, D_HALF:2 * D_HALF]
    out_ref[hi, D_HALF:2 * D_HALF] = amp_hi * sinv[:, D_HALF:2 * D_HALF]


def _tc_trig_body_alias(wf_ref, b_ref, _prev_ref, out_ref):
    _tc_trig_body(wf_ref, b_ref, out_ref)


def _tc_trig_first(wf, bx):
    return pl.pallas_call(
        _tc_trig_body,
        grid=(BLKS_PER_STAGE,),
        in_specs=[
            pl.BlockSpec((ROWS_PER_BLK, 2 * D_HALF), lambda i: (i, 0)),
            pl.BlockSpec((ROWS_PER_BLK, 2 * D_HALF), lambda i: (i, 0)),
        ],
        out_specs=pl.BlockSpec((ROWS_PER_BLK, 2 * D_HALF), lambda i: (i, 0)),
        out_shape=jax.ShapeDtypeStruct((N, 2 * D_HALF), jnp.float32),
    )(wf, bx)


def _tc_trig_stage(stage, wf, bx, prev):
    return pl.pallas_call(
        _tc_trig_body_alias,
        grid=(BLKS_PER_STAGE,),
        in_specs=[
            pl.BlockSpec((ROWS_PER_BLK, 2 * D_HALF), lambda i: (i, 0)),
            pl.BlockSpec((ROWS_PER_BLK, 2 * D_HALF), lambda i: (i, 0)),
            pl.BlockSpec(memory_space=pl.ANY),
        ],
        out_specs=pl.BlockSpec(
            (ROWS_PER_BLK, 2 * D_HALF),
            lambda i, stage=stage: (i + stage * BLKS_PER_STAGE, 0)),
        out_shape=jax.ShapeDtypeStruct((N, 2 * D_HALF), jnp.float32),
        input_output_aliases={2: 0},
    )(wf, bx, prev)


def kernel(x, word_table, freq_table, phase_table):
    x_flat = x.reshape(N)
    wf_tbl = jnp.concatenate([word_table, freq_table], axis=1)
    halves = []
    for s in range(NSPLIT):
        xs = lax.slice_in_dim(x_flat, s * NH, (s + 1) * NH)
        halves.append(_sc_gather()(xs, wf_tbl, phase_table))
    out = _tc_trig_first(*halves[0])
    for s in range(1, NSPLIT):
        out = _tc_trig_stage(s, *halves[s], out)
    return out.reshape(B, L, 2 * D_HALF)

# --- scband reference (transcript-rebuilt; emitter-appended) ---
"""Pipeline reference for scband-complex-embedding-31482110280422 (READ-ONLY COPY).

The authoritative reference and input builder live on the scoring server;
editing this copy changes nothing except your own understanding.
"""

import jax, jax.numpy as jnp
import numpy as np
import math

VOCAB = 100000
D_MODEL = 128
D_HALF = D_MODEL // 2
PAD_IDX = 0
B, L = 4096, 200


def setup_inputs(seed: int = 0) -> dict:
    key = jax.random.key(seed)
    k_x, k_w, k_f, k_p = jax.random.split(key, 4)
    x = jax.random.randint(k_x, (B, L), 0, VOCAB, dtype=jnp.int64 if jax.config.jax_enable_x64 else jnp.int32).astype(jnp.int32)
    word_table = jax.random.normal(k_w, (VOCAB, D_HALF), dtype=jnp.float32)
    freq_table = jax.random.normal(k_f, (VOCAB, D_HALF), dtype=jnp.float32)
    phase_table = jax.random.normal(k_p, (VOCAB, D_HALF), dtype=jnp.float32)
    # padding_idx rows are zero in torch nn.Embedding
    word_table = word_table.at[PAD_IDX].set(0.0)
    freq_table = freq_table.at[PAD_IDX].set(0.0)
    phase_table = phase_table.at[PAD_IDX].set(0.0)
    return {"x": x, "word_table": word_table, "freq_table": freq_table, "phase_table": phase_table}


def reference(x, word_table, freq_table, phase_table):
    # forward of ComplexEmbedding (eval mode: dropout = identity)
    b, length = x.shape
    amp = jnp.take(word_table, x, axis=0)            # [B, L, D/2]
    freq = jnp.take(freq_table, x, axis=0)           # [B, L, D/2]
    # module re-assigns init_phase_emb.weight = weight % 2*pi before lookup
    phase_mod = phase_table % (2.0 * math.pi)
    dim_bias = jnp.take(phase_mod, x, axis=0)        # [B, L, D/2]
    pos = jnp.arange(1, length + 1, dtype=jnp.float32)  # [L]
    pos = pos[None, :, None]                          # [1, L, 1], broadcast over B and D/2
    out_phase = pos * freq + dim_bias
    out_real = amp * jnp.cos(out_phase)
    out_im = amp * jnp.sin(out_phase)
    return jnp.concatenate([out_real, out_im], axis=-1)  # [B, L, D]

if __name__ == "__main__":
    import jax
    _d = setup_inputs()
    print(jax.jit(kernel)(*tuple(_d.values())))

</pallas_src>

<mosaic_0001>
#map = affine_map<(d0, d1) -> (0)>
#map1 = affine_map<(d0, d1) -> (0, 0)>
module attributes {stable_mosaic.version = 14 : i64} {
  func.func @_sc_body(%arg0: i32, %arg1: i32, %arg2: memref<204800xi32, #tpu.memory_space<hbm>>, %arg3: memref<100000x128xf32, #tpu.memory_space<hbm>>, %arg4: memref<100000x64xf32, #tpu.memory_space<hbm>>, %arg5: memref<204800x128xf32, #tpu.memory_space<hbm>>, %arg6: memref<204800x128xf32, #tpu.memory_space<hbm>>, %arg7: memref<128xi32, #tpu.memory_space<vmem>>, %arg8: memref<128x128xf32, #tpu.memory_space<vmem>>, %arg9: memref<128x64xf32, #tpu.memory_space<vmem>>, %arg10: memref<128xi32, #tpu.memory_space<vmem>>, %arg11: memref<128x128xf32, #tpu.memory_space<vmem>>, %arg12: memref<128x64xf32, #tpu.memory_space<vmem>>, %arg13: memref<!tpu.dma_semaphore, #tpu.memory_space<semaphore_mem>>, %arg14: memref<!tpu.dma_semaphore, #tpu.memory_space<semaphore_mem>>, %arg15: memref<!tpu.dma_semaphore, #tpu.memory_space<semaphore_mem>>, %arg16: memref<!tpu.dma_semaphore, #tpu.memory_space<semaphore_mem>>) attributes {dimension_semantics = [#tpu.dimension_semantics<core_parallel>, #tpu.dimension_semantics<subcore_parallel>], iteration_bounds = array<i64: 2, 16>, scalar_prefetch = 0 : i64, scratch_operands = 10 : i64, tpu.core_type = #tpu.core_type<sc_vector_subcore>, window_params = [{transform_indices = #map}, {transform_indices = #map1}, {transform_indices = #map1}, {transform_indices = #map1}, {transform_indices = #map1}]} {
    %mul3A = arith.constant 2 : i32
    %mul3A_0 = arith.muli %arg1, %mul3A : i32
    %add3A = arith.addi %mul3A_0, %arg0 : i32
    %mul3A_1 = arith.constant 6400 : i32
    %mul3A_2 = arith.muli %add3A, %mul3A_1 : i32
    %scan3A = arith.constant 0 : i32
    %scan3A_3 = arith.constant 0 : i32
    %scan3A_4 = arith.constant 25 : i32
    %scan3A_5 = arith.addi %scan3A_3, %scan3A_4 : i32
    %scan3A_6 = arith.constant 1 : i32
    scf.for %scan3A_23 = %scan3A_3 to %scan3A_5 step %scan3A_6  : i32 {
      %mul3A_24 = arith.constant 2 : i32
      %mul3A_25 = arith.muli %mul3A_24, %scan3A_23 : i32
      %mul3A_26 = arith.constant 128 : i32
      %mul3A_27 = arith.muli %mul3A_25, %mul3A_26 : i32
      %add3A_28 = arith.addi %mul3A_2, %mul3A_27 : i32
      %ge3A = arith.constant 2 : i32
      %ge3A_29 = arith.cmpi sge, %mul3A_25, %ge3A : i32
      %convert_element_type3A = arith.extui %ge3A_29 : i1 to i32
      %cond3A = arith.constant 0 : i32
      %cond3A_30 = arith.cmpi ne, %convert_element_type3A, %cond3A : i32
      scf.if %cond3A_30 {
        %dma_wait3A_82 = arith.constant 0 : i32
        %dma_wait3A_83 = tpu.memref_slice %arg5[%add3A_28, %dma_wait3A_82] : memref<204800x128xf32, #tpu.memory_space<hbm>> -> memref<128x128xf32, #tpu.memory_space<hbm>>
        %dma_wait3A_84 = arith.constant 0 : i32
        %dma_wait3A_85 = tpu.memref_slice %arg5[%add3A_28, %dma_wait3A_84] : memref<204800x128xf32, #tpu.memory_space<hbm>> -> memref<128x128xf32, #tpu.memory_space<hbm>>
        tpu.wait_dma2 semaphore(%arg14 : memref<!tpu.dma_semaphore, #tpu.memory_space<semaphore_mem>>) src(%arg8 : memref<128x128xf32, #tpu.memory_space<vmem>>) dst(%dma_wait3A_85 : memref<128x128xf32, #tpu.memory_space<hbm>>)
        %dma_wait3A_86 = arith.constant 0 : i32
        %dma_wait3A_87 = tpu.memref_slice %arg6[%add3A_28, %dma_wait3A_86] : memref<204800x128xf32, #tpu.memory_space<hbm>> -> memref<128x64xf32, #tpu.memory_space<hbm>>
        %dma_wait3A_88 = arith.constant 0 : i32
        %dma_wait3A_89 = tpu.memref_slice %arg6[%add3A_28, %dma_wait3A_88] : memref<204800x128xf32, #tpu.memory_space<hbm>> -> memref<128x64xf32, #tpu.memory_space<hbm>>
        tpu.wait_dma2 semaphore(%arg14 : memref<!tpu.dma_semaphore, #tpu.memory_space<semaphore_mem>>) src(%arg9 : memref<128x64xf32, #tpu.memory_space<vmem>>) dst(%dma_wait3A_89 : memref<128x64xf32, #tpu.memory_space<hbm>>)
      } else {
      }
      "tpu.region"() ({
        %run_scoped3A = tpu.sem_alloc : memref<!tpu.dma_semaphore, #tpu.memory_space<semaphore_mem>>
        %dma_start3A_82 = tpu.memref_slice %arg2[%add3A_28] : memref<204800xi32, #tpu.memory_space<hbm>> -> memref<128xi32, #tpu.memory_space<hbm>>
        %dma_start3A_83 = tpu.memref_slice %arg2[%add3A_28] : memref<204800xi32, #tpu.memory_space<hbm>> -> memref<128xi32, #tpu.memory_space<hbm>>
        tpu.enqueue_dma source(%dma_start3A_83 : memref<128xi32, #tpu.memory_space<hbm>>) target(%arg7 : memref<128xi32, #tpu.memory_space<vmem>>) target_semaphore(%run_scoped3A : memref<!tpu.dma_semaphore, #tpu.memory_space<semaphore_mem>>)
        %dma_wait3A_84 = tpu.memref_slice %arg2[%add3A_28] : memref<204800xi32, #tpu.memory_space<hbm>> -> memref<128xi32, #tpu.memory_space<hbm>>
        %dma_wait3A_85 = tpu.memref_slice %arg2[%add3A_28] : memref<204800xi32, #tpu.memory_space<hbm>> -> memref<128xi32, #tpu.memory_space<hbm>>
        tpu.wait_dma2 semaphore(%run_scoped3A : memref<!tpu.dma_semaphore, #tpu.memory_space<semaphore_mem>>) src(%dma_wait3A_85 : memref<128xi32, #tpu.memory_space<hbm>>) dst(%arg7 : memref<128xi32, #tpu.memory_space<vmem>>)
        tpu.yield
      }) : () -> ()
      %dma_start3A = arith.constant 0 : i32
      %dma_start3A_31 = arith.constant 0 : i32
      %dma_start3A_32 = tpu.memref_slice %arg3[%dma_start3A, %dma_start3A_31] : memref<100000x128xf32, #tpu.memory_space<hbm>> -> memref<100000x128xf32, #tpu.memory_space<hbm>>
      tpu.enqueue_indirect_dma source(%dma_start3A_32 : memref<100000x128xf32, #tpu.memory_space<hbm>>) target(%arg8 : memref<128x128xf32, #tpu.memory_space<vmem>>) offsets(%arg7 : memref<128xi32, #tpu.memory_space<vmem>>) semaphore(%arg13 : memref<!tpu.dma_semaphore, #tpu.memory_space<semaphore_mem>>)
      %dma_start3A_33 = arith.constant 0 : i32
      %dma_start3A_34 = arith.constant 0 : i32
      %dma_start3A_35 = tpu.memref_slice %arg4[%dma_start3A_33, %dma_start3A_34] : memref<100000x64xf32, #tpu.memory_space<hbm>> -> memref<100000x64xf32, #tpu.memory_space<hbm>>
      tpu.enqueue_indirect_dma source(%dma_start3A_35 : memref<100000x64xf32, #tpu.memory_space<hbm>>) target(%arg9 : memref<128x64xf32, #tpu.memory_space<vmem>>) offsets(%arg7 : memref<128xi32, #tpu.memory_space<vmem>>) semaphore(%arg13 : memref<!tpu.dma_semaphore, #tpu.memory_space<semaphore_mem>>)
      %dma_wait3A_36 = arith.constant 0 : i32
      %dma_wait3A_37 = arith.constant 0 : i32
      %dma_wait3A_38 = tpu.memref_slice %arg3[%dma_wait3A_36, %dma_wait3A_37] : memref<100000x128xf32, #tpu.memory_space<hbm>> -> memref<100000x128xf32, #tpu.memory_space<hbm>>
      tpu.wait_indirect_dma semaphore(%arg13 : memref<!tpu.dma_semaphore, #tpu.memory_space<semaphore_mem>>) src(%dma_wait3A_38 : memref<100000x128xf32, #tpu.memory_space<hbm>>) dst(%arg8 : memref<128x128xf32, #tpu.memory_space<vmem>>)
      %dma_wait3A_39 = arith.constant 0 : i32
      %dma_wait3A_40 = arith.constant 0 : i32
      %dma_wait3A_41 = tpu.memref_slice %arg4[%dma_wait3A_39, %dma_wait3A_40] : memref<100000x64xf32, #tpu.memory_space<hbm>> -> memref<100000x64xf32, #tpu.memory_space<hbm>>
      tpu.wait_indirect_dma semaphore(%arg13 : memref<!tpu.dma_semaphore, #tpu.memory_space<semaphore_mem>>) src(%dma_wait3A_41 : memref<100000x64xf32, #tpu.memory_space<hbm>>) dst(%arg9 : memref<128x64xf32, #tpu.memory_space<vmem>>)
      %dma_start3A_42 = arith.constant 0 : i32
      %dma_start3A_43 = tpu.memref_slice %arg5[%add3A_28, %dma_start3A_42] : memref<204800x128xf32, #tpu.memory_space<hbm>> -> memref<128x128xf32, #tpu.memory_space<hbm>>
      %dma_start3A_44 = arith.constant 0 : i32
      %dma_start3A_45 = tpu.memref_slice %arg5[%add3A_28, %dma_start3A_44] : memref<204800x128xf32, #tpu.memory_space<hbm>> -> memref<128x128xf32, #tpu.memory_space<hbm>>
      tpu.enqueue_dma source(%arg8 : memref<128x128xf32, #tpu.memory_space<vmem>>) target(%dma_start3A_45 : memref<128x128xf32, #tpu.memory_space<hbm>>) target_semaphore(%arg14 : memref<!tpu.dma_semaphore, #tpu.memory_space<semaphore_mem>>)
      %dma_start3A_46 = arith.constant 0 : i32
      %dma_start3A_47 = tpu.memref_slice %arg6[%add3A_28, %dma_start3A_46] : memref<204800x128xf32, #tpu.memory_space<hbm>> -> memref<128x64xf32, #tpu.memory_space<hbm>>
      %dma_start3A_48 = arith.constant 0 : i32
      %dma_start3A_49 = tpu.memref_slice %arg6[%add3A_28, %dma_start3A_48] : memref<204800x128xf32, #tpu.memory_space<hbm>> -> memref<128x64xf32, #tpu.memory_space<hbm>>
      tpu.enqueue_dma source(%arg9 : memref<128x64xf32, #tpu.memory_space<vmem>>) target(%dma_start3A_49 : memref<128x64xf32, #tpu.memory_space<hbm>>) target_semaphore(%arg14 : memref<!tpu.dma_semaphore, #tpu.memory_space<semaphore_mem>>)
      %mul3A_50 = arith.constant 2 : i32
      %mul3A_51 = arith.muli %mul3A_50, %scan3A_23 : i32
      %add3A_52 = arith.constant 1 : i32
      %add3A_53 = arith.addi %mul3A_51, %add3A_52 : i32
      %mul3A_54 = arith.constant 128 : i32
      %mul3A_55 = arith.muli %add3A_53, %mul3A_54 : i32
      %add3A_56 = arith.addi %mul3A_2, %mul3A_55 : i32
      %ge3A_57 = arith.constant 2 : i32
      %ge3A_58 = arith.cmpi sge, %add3A_53, %ge3A_57 : i32
      %convert_element_type3A_59 = arith.extui %ge3A_58 : i1 to i32
      %cond3A_60 = arith.constant 0 : i32
      %cond3A_61 = arith.cmpi ne, %convert_element_type3A_59, %cond3A_60 : i32
      scf.if %cond3A_61 {
        %dma_wait3A_82 = arith.constant 0 : i32
        %dma_wait3A_83 = tpu.memref_slice %arg5[%add3A_56, %dma_wait3A_82] : memref<204800x128xf32, #tpu.memory_space<hbm>> -> memref<128x128xf32, #tpu.memory_space<hbm>>
        %dma_wait3A_84 = arith.constant 0 : i32
        %dma_wait3A_85 = tpu.memref_slice %arg5[%add3A_56, %dma_wait3A_84] : memref<204800x128xf32, #tpu.memory_space<hbm>> -> memref<128x128xf32, #tpu.memory_space<hbm>>
        tpu.wait_dma2 semaphore(%arg16 : memref<!tpu.dma_semaphore, #tpu.memory_space<semaphore_mem>>) src(%arg11 : memref<128x128xf32, #tpu.memory_space<vmem>>) dst(%dma_wait3A_85 : memref<128x128xf32, #tpu.memory_space<hbm>>)
        %dma_wait3A_86 = arith.constant 0 : i32
        %dma_wait3A_87 = tpu.memref_slice %arg6[%add3A_56, %dma_wait3A_86] : memref<204800x128xf32, #tpu.memory_space<hbm>> -> memref<128x64xf32, #tpu.memory_space<hbm>>
        %dma_wait3A_88 = arith.constant 0 : i32
        %dma_wait3A_89 = tpu.memref_slice %arg6[%add3A_56, %dma_wait3A_88] : memref<204800x128xf32, #tpu.memory_space<hbm>> -> memref<128x64xf32, #tpu.memory_space<hbm>>
        tpu.wait_dma2 semaphore(%arg16 : memref<!tpu.dma_semaphore, #tpu.memory_space<semaphore_mem>>) src(%arg12 : memref<128x64xf32, #tpu.memory_space<vmem>>) dst(%dma_wait3A_89 : memref<128x64xf32, #tpu.memory_space<hbm>>)
      } else {
      }
      "tpu.region"() ({
        %run_scoped3A = tpu.sem_alloc : memref<!tpu.dma_semaphore, #tpu.memory_space<semaphore_mem>>
        %dma_start3A_82 = tpu.memref_slice %arg2[%add3A_56] : memref<204800xi32, #tpu.memory_space<hbm>> -> memref<128xi32, #tpu.memory_space<hbm>>
        %dma_start3A_83 = tpu.memref_slice %arg2[%add3A_56] : memref<204800xi32, #tpu.memory_space<hbm>> -> memref<128xi32, #tpu.memory_space<hbm>>
        tpu.enqueue_dma source(%dma_start3A_83 : memref<128xi32, #tpu.memory_space<hbm>>) target(%arg10 : memref<128xi32, #tpu.memory_space<vmem>>) target_semaphore(%run_scoped3A : memref<!tpu.dma_semaphore, #tpu.memory_space<semaphore_mem>>)
        %dma_wait3A_84 = tpu.memref_slice %arg2[%add3A_56] : memref<204800xi32, #tpu.memory_space<hbm>> -> memref<128xi32, #tpu.memory_space<hbm>>
        %dma_wait3A_85 = tpu.memref_slice %arg2[%add3A_56] : memref<204800xi32, #tpu.memory_space<hbm>> -> memref<128xi32, #tpu.memory_space<hbm>>
        tpu.wait_dma2 semaphore(%run_scoped3A : memref<!tpu.dma_semaphore, #tpu.memory_space<semaphore_mem>>) src(%dma_wait3A_85 : memref<128xi32, #tpu.memory_space<hbm>>) dst(%arg10 : memref<128xi32, #tpu.memory_space<vmem>>)
        tpu.yield
      }) : () -> ()
      %dma_start3A_62 = arith.constant 0 : i32
      %dma_start3A_63 = arith.constant 0 : i32
      %dma_start3A_64 = tpu.memref_slice %arg3[%dma_start3A_62, %dma_start3A_63] : memref<100000x128xf32, #tpu.memory_space<hbm>> -> memref<100000x128xf32, #tpu.memory_space<hbm>>
      tpu.enqueue_indirect_dma source(%dma_start3A_64 : memref<100000x128xf32, #tpu.memory_space<hbm>>) target(%arg11 : memref<128x128xf32, #tpu.memory_space<vmem>>) offsets(%arg10 : memref<128xi32, #tpu.memory_space<vmem>>) semaphore(%arg15 : memref<!tpu.dma_semaphore, #tpu.memory_space<semaphore_mem>>)
      %dma_start3A_65 = arith.constant 0 : i32
      %dma_start3A_66 = arith.constant 0 : i32
      %dma_start3A_67 = tpu.memref_slice %arg4[%dma_start3A_65, %dma_start3A_66] : memref<100000x64xf32, #tpu.memory_space<hbm>> -> memref<100000x64xf32, #tpu.memory_space<hbm>>
      tpu.enqueue_indirect_dma source(%dma_start3A_67 : memref<100000x64xf32, #tpu.memory_space<hbm>>) target(%arg12 : memref<128x64xf32, #tpu.memory_space<vmem>>) offsets(%arg10 : memref<128xi32, #tpu.memory_space<vmem>>) semaphore(%arg15 : memref<!tpu.dma_semaphore, #tpu.memory_space<semaphore_mem>>)
      %dma_wait3A_68 = arith.constant 0 : i32
      %dma_wait3A_69 = arith.constant 0 : i32
      %dma_wait3A_70 = tpu.memref_slice %arg3[%dma_wait3A_68, %dma_wait3A_69] : memref<100000x128xf32, #tpu.memory_space<hbm>> -> memref<100000x128xf32, #tpu.memory_space<hbm>>
      tpu.wait_indirect_dma semaphore(%arg15 : memref<!tpu.dma_semaphore, #tpu.memory_space<semaphore_mem>>) src(%dma_wait3A_70 : memref<100000x128xf32, #tpu.memory_space<hbm>>) dst(%arg11 : memref<128x128xf32, #tpu.memory_space<vmem>>)
      %dma_wait3A_71 = arith.constant 0 : i32
      %dma_wait3A_72 = arith.constant 0 : i32
      %dma_wait3A_73 = tpu.memref_slice %arg4[%dma_wait3A_71, %dma_wait3A_72] : memref<100000x64xf32, #tpu.memory_space<hbm>> -> memref<100000x64xf32, #tpu.memory_space<hbm>>
      tpu.wait_indirect_dma semaphore(%arg15 : memref<!tpu.dma_semaphore, #tpu.memory_space<semaphore_mem>>) src(%dma_wait3A_73 : memref<100000x64xf32, #tpu.memory_space<hbm>>) dst(%arg12 : memref<128x64xf32, #tpu.memory_space<vmem>>)
      %dma_start3A_74 = arith.constant 0 : i32
      %dma_start3A_75 = tpu.memref_slice %arg5[%add3A_56, %dma_start3A_74] : memref<204800x128xf32, #tpu.memory_space<hbm>> -> memref<128x128xf32, #tpu.memory_space<hbm>>
      %dma_start3A_76 = arith.constant 0 : i32
      %dma_start3A_77 = tpu.memref_slice %arg5[%add3A_56, %dma_start3A_76] : memref<204800x128xf32, #tpu.memory_space<hbm>> -> memref<128x128xf32, #tpu.memory_space<hbm>>
      tpu.enqueue_dma source(%arg11 : memref<128x128xf32, #tpu.memory_space<vmem>>) target(%dma_start3A_77 : memref<128x128xf32, #tpu.memory_space<hbm>>) target_semaphore(%arg16 : memref<!tpu.dma_semaphore, #tpu.memory_space<semaphore_mem>>)
      %dma_start3A_78 = arith.constant 0 : i32
      %dma_start3A_79 = tpu.memref_slice %arg6[%add3A_56, %dma_start3A_78] : memref<204800x128xf32, #tpu.memory_space<hbm>> -> memref<128x64xf32, #tpu.memory_space<hbm>>
      %dma_start3A_80 = arith.constant 0 : i32
      %dma_start3A_81 = tpu.memref_slice %arg6[%add3A_56, %dma_start3A_80] : memref<204800x128xf32, #tpu.memory_space<hbm>> -> memref<128x64xf32, #tpu.memory_space<hbm>>
      tpu.enqueue_dma source(%arg12 : memref<128x64xf32, #tpu.memory_space<vmem>>) target(%dma_start3A_81 : memref<128x64xf32, #tpu.memory_space<hbm>>) target_semaphore(%arg16 : memref<!tpu.dma_semaphore, #tpu.memory_space<semaphore_mem>>)
    }
    %scan3A_7 = arith.constant 25 : i32
    %dma_wait3A = arith.constant 0 : i32
    %dma_wait3A_8 = tpu.memref_slice %arg5[%mul3A_2, %dma_wait3A] : memref<204800x128xf32, #tpu.memory_space<hbm>> -> memref<128x128xf32, #tpu.memory_space<hbm>>
    %dma_wait3A_9 = arith.constant 0 : i32
    %dma_wait3A_10 = tpu.memref_slice %arg5[%mul3A_2, %dma_wait3A_9] : memref<204800x128xf32, #tpu.memory_space<hbm>> -> memref<128x128xf32, #tpu.memory_space<hbm>>
    tpu.wait_dma2 semaphore(%arg14 : memref<!tpu.dma_semaphore, #tpu.memory_space<semaphore_mem>>) src(%arg8 : memref<128x128xf32, #tpu.memory_space<vmem>>) dst(%dma_wait3A_10 : memref<128x128xf32, #tpu.memory_space<hbm>>)
    %dma_wait3A_11 = arith.constant 0 : i32
    %dma_wait3A_12 = tpu.memref_slice %arg6[%mul3A_2, %dma_wait3A_11] : memref<204800x128xf32, #tpu.memory_space<hbm>> -> memref<128x64xf32, #tpu.memory_space<hbm>>
    %dma_wait3A_13 = arith.constant 0 : i32
    %dma_wait3A_14 = tpu.memref_slice %arg6[%mul3A_2, %dma_wait3A_13] : memref<204800x128xf32, #tpu.memory_space<hbm>> -> memref<128x64xf32, #tpu.memory_space<hbm>>
    tpu.wait_dma2 semaphore(%arg14 : memref<!tpu.dma_semaphore, #tpu.memory_space<semaphore_mem>>) src(%arg9 : memref<128x64xf32, #tpu.memory_space<vmem>>) dst(%dma_wait3A_14 : memref<128x64xf32, #tpu.memory_space<hbm>>)
    %dma_wait3A_15 = arith.constant 0 : i32
    %dma_wait3A_16 = tpu.memref_slice %arg5[%mul3A_2, %dma_wait3A_15] : memref<204800x128xf32, #tpu.memory_space<hbm>> -> memref<128x128xf32, #tpu.memory_space<hbm>>
    %dma_wait3A_17 = arith.constant 0 : i32
    %dma_wait3A_18 = tpu.memref_slice %arg5[%mul3A_2, %dma_wait3A_17] : memref<204800x128xf32, #tpu.memory_space<hbm>> -> memref<128x128xf32, #tpu.memory_space<hbm>>
    tpu.wait_dma2 semaphore(%arg16 : memref<!tpu.dma_semaphore, #tpu.memory_space<semaphore_mem>>) src(%arg11 : memref<128x128xf32, #tpu.memory_space<vmem>>) dst(%dma_wait3A_18 : memref<128x128xf32, #tpu.memory_space<hbm>>)
    %dma_wait3A_19 = arith.constant 0 : i32
    %dma_wait3A_20 = tpu.memref_slice %arg6[%mul3A_2, %dma_wait3A_19] : memref<204800x128xf32, #tpu.memory_space<hbm>> -> memref<128x64xf32, #tpu.memory_space<hbm>>
    %dma_wait3A_21 = arith.constant 0 : i32
    %dma_wait3A_22 = tpu.memref_slice %arg6[%mul3A_2, %dma_wait3A_21] : memref<204800x128xf32, #tpu.memory_space<hbm>> -> memref<128x64xf32, #tpu.memory_space<hbm>>
    tpu.wait_dma2 semaphore(%arg16 : memref<!tpu.dma_semaphore, #tpu.memory_space<semaphore_mem>>) src(%arg12 : memref<128x64xf32, #tpu.memory_space<vmem>>) dst(%dma_wait3A_22 : memref<128x64xf32, #tpu.memory_space<hbm>>)
    return
  }
}

#map = affine_map<(d0, d1) -> (0)>
#map1 = affine_map<(d0, d1) -> (0, 0)>
module attributes {stable_mosaic.version = 14 : i64} {
  func.func @_sc_body(%arg0: i32, %arg1: i32, %arg2: memref<204800xi32, #tpu.memory_space<hbm>>, %arg3: memref<100000x128xf32, #tpu.memory_space<hbm>>, %arg4: memref<100000x64xf32, #tpu.memory_space<hbm>>, %arg5: memref<204800x128xf32, #tpu.memory_space<hbm>>, %arg6: memref<204800x128xf32, #tpu.memory_space<hbm>>, %arg7: memref<128xi32, #tpu.memory_space<vmem>>, %arg8: memref<128x128xf32, #tpu.memory_space<vmem>>, %arg9: memref<128x64xf32, #tpu.memory_space<vmem>>, %arg10: memref<128xi32, #tpu.memory_space<vmem>>, %arg11: memref<128x128xf32, #tpu.memory_space<vmem>>, %arg12: memref<128x64xf32, #tpu.memory_space<vmem>>, %arg13: memref<!tpu.dma_semaphore, #tpu.memory_space<semaphore_mem>>, %arg14: memref<!tpu.dma_semaphore, #tpu.memory_space<semaphore_mem>>, %arg15: memref<!tpu.dma_semaphore, #tpu.memory_space<semaphore_mem>>, %arg16: memref<!tpu.dma_semaphore, #tpu.memory_space<semaphore_mem>>) attributes {dimension_semantics = [#tpu.dimension_semantics<core_parallel>, #tpu.dimension_semantics<subcore_parallel>], iteration_bounds = array<i64: 2, 16>, scalar_prefetch = 0 : i64, scratch_operands = 10 : i64, tpu.core_type = #tpu.core_type<sc_vector_subcore>, window_params = [{transform_indices = #map}, {transform_indices = #map1}, {transform_indices = #map1}, {transform_indices = #map1}, {transform_indices = #map1}]} {
    %mul3A = arith.constant 2 : i32
    %mul3A_0 = arith.muli %arg1, %mul3A : i32
    %add3A = arith.addi %mul3A_0, %arg0 : i32
    %mul3A_1 = arith.constant 6400 : i32
    %mul3A_2 = arith.muli %add3A, %mul3A_1 : i32
    %scan3A = arith.constant 0 : i32
    %scan3A_3 = arith.constant 0 : i32
    %scan3A_4 = arith.constant 25 : i32
    %scan3A_5 = arith.addi %scan3A_3, %scan3A_4 : i32
    %scan3A_6 = arith.constant 1 : i32
    scf.for %scan3A_23 = %scan3A_3 to %scan3A_5 step %scan3A_6  : i32 {
      %mul3A_24 = arith.constant 2 : i32
      %mul3A_25 = arith.muli %mul3A_24, %scan3A_23 : i32
      %mul3A_26 = arith.constant 128 : i32
      %mul3A_27 = arith.muli %mul3A_25, %mul3A_26 : i32
      %add3A_28 = arith.addi %mul3A_2, %mul3A_27 : i32
      %ge3A = arith.constant 2 : i32
      %ge3A_29 = arith.cmpi sge, %mul3A_25, %ge3A : i32
      %convert_element_type3A = arith.extui %ge3A_29 : i1 to i32
      %cond3A = arith.constant 0 : i32
      %cond3A_30 = arith.cmpi ne, %convert_element_type3A, %cond3A : i32
      scf.if %cond3A_30 {
        %dma_wait3A_82 = arith.constant 0 : i32
        %dma_wait3A_83 = tpu.memref_slice %arg5[%add3A_28, %dma_wait3A_82] : memref<204800x128xf32, #tpu.memory_space<hbm>> -> memref<128x128xf32, #tpu.memory_space<hbm>>
        %dma_wait3A_84 = arith.constant 0 : i32
        %dma_wait3A_85 = tpu.memref_slice %arg5[%add3A_28, %dma_wait3A_84] : memref<204800x128xf32, #tpu.memory_space<hbm>> -> memref<128x128xf32, #tpu.memory_space<hbm>>
        tpu.wait_dma2 semaphore(%arg14 : memref<!tpu.dma_semaphore, #tpu.memory_space<semaphore_mem>>) src(%arg8 : memref<128x128xf32, #tpu.memory_space<vmem>>) dst(%dma_wait3A_85 : memref<128x128xf32, #tpu.memory_space<hbm>>)
        %dma_wait3A_86 = arith.constant 0 : i32
        %dma_wait3A_87 = tpu.memref_slice %arg6[%add3A_28, %dma_wait3A_86] : memref<204800x128xf32, #tpu.memory_space<hbm>> -> memref<128x64xf32, #tpu.memory_space<hbm>>
        %dma_wait3A_88 = arith.constant 0 : i32
        %dma_wait3A_89 = tpu.memref_slice %arg6[%add3A_28, %dma_wait3A_88] : memref<204800x128xf32, #tpu.memory_space<hbm>> -> memref<128x64xf32, #tpu.memory_space<hbm>>
        tpu.wait_dma2 semaphore(%arg14 : memref<!tpu.dma_semaphore, #tpu.memory_space<semaphore_mem>>) src(%arg9 : memref<128x64xf32, #tpu.memory_space<vmem>>) dst(%dma_wait3A_89 : memref<128x64xf32, #tpu.memory_space<hbm>>)
      } else {
      }
      "tpu.region"() ({
        %run_scoped3A = tpu.sem_alloc : memref<!tpu.dma_semaphore, #tpu.memory_space<semaphore_mem>>
        %dma_start3A_82 = tpu.memref_slice %arg2[%add3A_28] : memref<204800xi32, #tpu.memory_space<hbm>> -> memref<128xi32, #tpu.memory_space<hbm>>
        %dma_start3A_83 = tpu.memref_slice %arg2[%add3A_28] : memref<204800xi32, #tpu.memory_space<hbm>> -> memref<128xi32, #tpu.memory_space<hbm>>
        tpu.enqueue_dma source(%dma_start3A_83 : memref<128xi32, #tpu.memory_space<hbm>>) target(%arg7 : memref<128xi32, #tpu.memory_space<vmem>>) target_semaphore(%run_scoped3A : memref<!tpu.dma_semaphore, #tpu.memory_space<semaphore_mem>>)
        %dma_wait3A_84 = tpu.memref_slice %arg2[%add3A_28] : memref<204800xi32, #tpu.memory_space<hbm>> -> memref<128xi32, #tpu.memory_space<hbm>>
        %dma_wait3A_85 = tpu.memref_slice %arg2[%add3A_28] : memref<204800xi32, #tpu.memory_space<hbm>> -> memref<128xi32, #tpu.memory_space<hbm>>
        tpu.wait_dma2 semaphore(%run_scoped3A : memref<!tpu.dma_semaphore, #tpu.memory_space<semaphore_mem>>) src(%dma_wait3A_85 : memref<128xi32, #tpu.memory_space<hbm>>) dst(%arg7 : memref<128xi32, #tpu.memory_space<vmem>>)
        tpu.yield
      }) : () -> ()
      %dma_start3A = arith.constant 0 : i32
      %dma_start3A_31 = arith.constant 0 : i32
      %dma_start3A_32 = tpu.memref_slice %arg3[%dma_start3A, %dma_start3A_31] : memref<100000x128xf32, #tpu.memory_space<hbm>> -> memref<100000x128xf32, #tpu.memory_space<hbm>>
      tpu.enqueue_indirect_dma source(%dma_start3A_32 : memref<100000x128xf32, #tpu.memory_space<hbm>>) target(%arg8 : memref<128x128xf32, #tpu.memory_space<vmem>>) offsets(%arg7 : memref<128xi32, #tpu.memory_space<vmem>>) semaphore(%arg13 : memref<!tpu.dma_semaphore, #tpu.memory_space<semaphore_mem>>)
      %dma_start3A_33 = arith.constant 0 : i32
      %dma_start3A_34 = arith.constant 0 : i32
      %dma_start3A_35 = tpu.memref_slice %arg4[%dma_start3A_33, %dma_start3A_34] : memref<100000x64xf32, #tpu.memory_space<hbm>> -> memref<100000x64xf32, #tpu.memory_space<hbm>>
      tpu.enqueue_indirect_dma source(%dma_start3A_35 : memref<100000x64xf32, #tpu.memory_space<hbm>>) target(%arg9 : memref<128x64xf32, #tpu.memory_space<vmem>>) offsets(%arg7 : memref<128xi32, #tpu.memory_space<vmem>>) semaphore(%arg13 : memref<!tpu.dma_semaphore, #tpu.memory_space<semaphore_mem>>)
      %dma_wait3A_36 = arith.constant 0 : i32
      %dma_wait3A_37 = arith.constant 0 : i32
      %dma_wait3A_38 = tpu.memref_slice %arg3[%dma_wait3A_36, %dma_wait3A_37] : memref<100000x128xf32, #tpu.memory_space<hbm>> -> memref<100000x128xf32, #tpu.memory_space<hbm>>
      tpu.wait_indirect_dma semaphore(%arg13 : memref<!tpu.dma_semaphore, #tpu.memory_space<semaphore_mem>>) src(%dma_wait3A_38 : memref<100000x128xf32, #tpu.memory_space<hbm>>) dst(%arg8 : memref<128x128xf32, #tpu.memory_space<vmem>>)
      %dma_wait3A_39 = arith.constant 0 : i32
      %dma_wait3A_40 = arith.constant 0 : i32
      %dma_wait3A_41 = tpu.memref_slice %arg4[%dma_wait3A_39, %dma_wait3A_40] : memref<100000x64xf32, #tpu.memory_space<hbm>> -> memref<100000x64xf32, #tpu.memory_space<hbm>>
      tpu.wait_indirect_dma semaphore(%arg13 : memref<!tpu.dma_semaphore, #tpu.memory_space<semaphore_mem>>) src(%dma_wait3A_41 : memref<100000x64xf32, #tpu.memory_space<hbm>>) dst(%arg9 : memref<128x64xf32, #tpu.memory_space<vmem>>)
      %dma_start3A_42 = arith.constant 0 : i32
      %dma_start3A_43 = tpu.memref_slice %arg5[%add3A_28, %dma_start3A_42] : memref<204800x128xf32, #tpu.memory_space<hbm>> -> memref<128x128xf32, #tpu.memory_space<hbm>>
      %dma_start3A_44 = arith.constant 0 : i32
      %dma_start3A_45 = tpu.memref_slice %arg5[%add3A_28, %dma_start3A_44] : memref<204800x128xf32, #tpu.memory_space<hbm>> -> memref<128x128xf32, #tpu.memory_space<hbm>>
      tpu.enqueue_dma source(%arg8 : memref<128x128xf32, #tpu.memory_space<vmem>>) target(%dma_start3A_45 : memref<128x128xf32, #tpu.memory_space<hbm>>) target_semaphore(%arg14 : memref<!tpu.dma_semaphore, #tpu.memory_space<semaphore_mem>>)
      %dma_start3A_46 = arith.constant 0 : i32
      %dma_start3A_47 = tpu.memref_slice %arg6[%add3A_28, %dma_start3A_46] : memref<204800x128xf32, #tpu.memory_space<hbm>> -> memref<128x64xf32, #tpu.memory_space<hbm>>
      %dma_start3A_48 = arith.constant 0 : i32
      %dma_start3A_49 = tpu.memref_slice %arg6[%add3A_28, %dma_start3A_48] : memref<204800x128xf32, #tpu.memory_space<hbm>> -> memref<128x64xf32, #tpu.memory_space<hbm>>
      tpu.enqueue_dma source(%arg9 : memref<128x64xf32, #tpu.memory_space<vmem>>) target(%dma_start3A_49 : memref<128x64xf32, #tpu.memory_space<hbm>>) target_semaphore(%arg14 : memref<!tpu.dma_semaphore, #tpu.memory_space<semaphore_mem>>)
      %mul3A_50 = arith.constant 2 : i32
      %mul3A_51 = arith.muli %mul3A_50, %scan3A_23 : i32
      %add3A_52 = arith.constant 1 : i32
      %add3A_53 = arith.addi %mul3A_51, %add3A_52 : i32
      %mul3A_54 = arith.constant 128 : i32
      %mul3A_55 = arith.muli %add3A_53, %mul3A_54 : i32
      %add3A_56 = arith.addi %mul3A_2, %mul3A_55 : i32
      %ge3A_57 = arith.constant 2 : i32
      %ge3A_58 = arith.cmpi sge, %add3A_53, %ge3A_57 : i32
      %convert_element_type3A_59 = arith.extui %ge3A_58 : i1 to i32
      %cond3A_60 = arith.constant 0 : i32
      %cond3A_61 = arith.cmpi ne, %convert_element_type3A_59, %cond3A_60 : i32
      scf.if %cond3A_61 {
        %dma_wait3A_82 = arith.constant 0 : i32
        %dma_wait3A_83 = tpu.memref_slice %arg5[%add3A_56, %dma_wait3A_82] : memref<204800x128xf32, #tpu.memory_space<hbm>> -> memref<128x128xf32, #tpu.memory_space<hbm>>
        %dma_wait3A_84 = arith.constant 0 : i32
        %dma_wait3A_85 = tpu.memref_slice %arg5[%add3A_56, %dma_wait3A_84] : memref<204800x128xf32, #tpu.memory_space<hbm>> -> memref<128x128xf32, #tpu.memory_space<hbm>>
        tpu.wait_dma2 semaphore(%arg16 : memref<!tpu.dma_semaphore, #tpu.memory_space<semaphore_mem>>) src(%arg11 : memref<128x128xf32, #tpu.memory_space<vmem>>) dst(%dma_wait3A_85 : memref<128x128xf32, #tpu.memory_space<hbm>>)
        %dma_wait3A_86 = arith.constant 0 : i32
        %dma_wait3A_87 = tpu.memref_slice %arg6[%add3A_56, %dma_wait3A_86] : memref<204800x128xf32, #tpu.memory_space<hbm>> -> memref<128x64xf32, #tpu.memory_space<hbm>>
        %dma_wait3A_88 = arith.constant 0 : i32
        %dma_wait3A_89 = tpu.memref_slice %arg6[%add3A_56, %dma_wait3A_88] : memref<204800x128xf32, #tpu.memory_space<hbm>> -> memref<128x64xf32, #tpu.memory_space<hbm>>
        tpu.wait_dma2 semaphore(%arg16 : memref<!tpu.dma_semaphore, #tpu.memory_space<semaphore_mem>>) src(%arg12 : memref<128x64xf32, #tpu.memory_space<vmem>>) dst(%dma_wait3A_89 : memref<128x64xf32, #tpu.memory_space<hbm>>)
      } else {
      }
      "tpu.region"() ({
        %run_scoped3A = tpu.sem_alloc : memref<!tpu.dma_semaphore, #tpu.memory_space<semaphore_mem>>
        %dma_start3A_82 = tpu.memref_slice %arg2[%add3A_56] : memref<204800xi32, #tpu.memory_space<hbm>> -> memref<128xi32, #tpu.memory_space<hbm>>
        %dma_start3A_83 = tpu.memref_slice %arg2[%add3A_56] : memref<204800xi32, #tpu.memory_space<hbm>> -> memref<128xi32, #tpu.memory_space<hbm>>
        tpu.enqueue_dma source(%dma_start3A_83 : memref<128xi32, #tpu.memory_space<hbm>>) target(%arg10 : memref<128xi32, #tpu.memory_space<vmem>>) target_semaphore(%run_scoped3A : memref<!tpu.dma_semaphore, #tpu.memory_space<semaphore_mem>>)
        %dma_wait3A_84 = tpu.memref_slice %arg2[%add3A_56] : memref<204800xi32, #tpu.memory_space<hbm>> -> memref<128xi32, #tpu.memory_space<hbm>>
        %dma_wait3A_85 = tpu.memref_slice %arg2[%add3A_56] : memref<204800xi32, #tpu.memory_space<hbm>> -> memref<128xi32, #tpu.memory_space<hbm>>
        tpu.wait_dma2 semaphore(%run_scoped3A : memref<!tpu.dma_semaphore, #tpu.memory_space<semaphore_mem>>) src(%dma_wait3A_85 : memref<128xi32, #tpu.memory_space<hbm>>) dst(%arg10 : memref<128xi32, #tpu.memory_space<vmem>>)
        tpu.yield
      }) : () -> ()
      %dma_start3A_62 = arith.constant 0 : i32
      %dma_start3A_63 = arith.constant 0 : i32
      %dma_start3A_64 = tpu.memref_slice %arg3[%dma_start3A_62, %dma_start3A_63] : memref<100000x128xf32, #tpu.memory_space<hbm>> -> memref<100000x128xf32, #tpu.memory_space<hbm>>
      tpu.enqueue_indirect_dma source(%dma_start3A_64 : memref<100000x128xf32, #tpu.memory_space<hbm>>) target(%arg11 : memref<128x128xf32, #tpu.memory_space<vmem>>) offsets(%arg10 : memref<128xi32, #tpu.memory_space<vmem>>) semaphore(%arg15 : memref<!tpu.dma_semaphore, #tpu.memory_space<semaphore_mem>>)
      %dma_start3A_65 = arith.constant 0 : i32
      %dma_start3A_66 = arith.constant 0 : i32
      %dma_start3A_67 = tpu.memref_slice %arg4[%dma_start3A_65, %dma_start3A_66] : memref<100000x64xf32, #tpu.memory_space<hbm>> -> memref<100000x64xf32, #tpu.memory_space<hbm>>
      tpu.enqueue_indirect_dma source(%dma_start3A_67 : memref<100000x64xf32, #tpu.memory_space<hbm>>) target(%arg12 : memref<128x64xf32, #tpu.memory_space<vmem>>) offsets(%arg10 : memref<128xi32, #tpu.memory_space<vmem>>) semaphore(%arg15 : memref<!tpu.dma_semaphore, #tpu.memory_space<semaphore_mem>>)
      %dma_wait3A_68 = arith.constant 0 : i32
      %dma_wait3A_69 = arith.constant 0 : i32
      %dma_wait3A_70 = tpu.memref_slice %arg3[%dma_wait3A_68, %dma_wait3A_69] : memref<100000x128xf32, #tpu.memory_space<hbm>> -> memref<100000x128xf32, #tpu.memory_space<hbm>>
      tpu.wait_indirect_dma semaphore(%arg15 : memref<!tpu.dma_semaphore, #tpu.memory_space<semaphore_mem>>) src(%dma_wait3A_70 : memref<100000x128xf32, #tpu.memory_space<hbm>>) dst(%arg11 : memref<128x128xf32, #tpu.memory_space<vmem>>)
      %dma_wait3A_71 = arith.constant 0 : i32
      %dma_wait3A_72 = arith.constant 0 : i32
      %dma_wait3A_73 = tpu.memref_slice %arg4[%dma_wait3A_71, %dma_wait3A_72] : memref<100000x64xf32, #tpu.memory_space<hbm>> -> memref<100000x64xf32, #tpu.memory_space<hbm>>
      tpu.wait_indirect_dma semaphore(%arg15 : memref<!tpu.dma_semaphore, #tpu.memory_space<semaphore_mem>>) src(%dma_wait3A_73 : memref<100000x64xf32, #tpu.memory_space<hbm>>) dst(%arg12 : memref<128x64xf32, #tpu.memory_space<vmem>>)
      %dma_start3A_74 = arith.constant 0 : i32
      %dma_start3A_75 = tpu.memref_slice %arg5[%add3A_56, %dma_start3A_74] : memref<204800x128xf32, #tpu.memory_space<hbm>> -> memref<128x128xf32, #tpu.memory_space<hbm>>
      %dma_start3A_76 = arith.constant 0 : i32
      %dma_start3A_77 = tpu.memref_slice %arg5[%add3A_56, %dma_start3A_76] : memref<204800x128xf32, #tpu.memory_space<hbm>> -> memref<128x128xf32, #tpu.memory_space<hbm>>
      tpu.enqueue_dma source(%arg11 : memref<128x128xf32, #tpu.memory_space<vmem>>) target(%dma_start3A_77 : memref<128x128xf32, #tpu.memory_space<hbm>>) target_semaphore(%arg16 : memref<!tpu.dma_semaphore, #tpu.memory_space<semaphore_mem>>)
      %dma_start3A_78 = arith.constant 0 : i32
      %dma_start3A_79 = tpu.memref_slice %arg6[%add3A_56, %dma_start3A_78] : memref<204800x128xf32, #tpu.memory_space<hbm>> -> memref<128x64xf32, #tpu.memory_space<hbm>>
      %dma_start3A_80 = arith.constant 0 : i32
      %dma_start3A_81 = tpu.memref_slice %arg6[%add3A_56, %dma_start3A_80] : memref<204800x128xf32, #tpu.memory_space<hbm>> -> memref<128x64xf32, #tpu.memory_space<hbm>>
      tpu.enqueue_dma source(%arg12 : memref<128x64xf32, #tpu.memory_space<vmem>>) target(%dma_start3A_81 : memref<128x64xf32, #tpu.memory_space<hbm>>) target_semaphore(%arg16 : memref<!tpu.dma_semaphore, #tpu.memory_space<semaphore_mem>>)
    }
    %scan3A_7 = arith.constant 25 : i32
    %dma_wait3A = arith.constant 0 : i32
    %dma_wait3A_8 = tpu.memref_slice %arg5[%mul3A_2, %dma_wait3A] : memref<204800x128xf32, #tpu.memory_space<hbm>> -> memref<128x128xf32, #tpu.memory_space<hbm>>
    %dma_wait3A_9 = arith.constant 0 : i32
    %dma_wait3A_10 = tpu.memref_slice %arg5[%mul3A_2, %dma_wait3A_9] : memref<204800x128xf32, #tpu.memory_space<hbm>> -> memref<128x128xf32, #tpu.memory_space<hbm>>
    tpu.wait_dma2 semaphore(%arg14 : memref<!tpu.dma_semaphore, #tpu.memory_space<semaphore_mem>>) src(%arg8 : memref<128x128xf32, #tpu.memory_space<vmem>>) dst(%dma_wait3A_10 : memref<128x128xf32, #tpu.memory_space<hbm>>)
    %dma_wait3A_11 = arith.constant 0 : i32
    %dma_wait3A_12 = tpu.memref_slice %arg6[%mul3A_2, %dma_wait3A_11] : memref<204800x128xf32, #tpu.memory_space<hbm>> -> memref<128x64xf32, #tpu.memory_space<hbm>>
    %dma_wait3A_13 = arith.constant 0 : i32
    %dma_wait3A_14 = tpu.memref_slice %arg6[%mul3A_2, %dma_wait3A_13] : memref<204800x128xf32, #tpu.memory_space<hbm>> -> memref<128x64xf32, #tpu.memory_space<hbm>>
    tpu.wait_dma2 semaphore(%arg14 : memref<!tpu.dma_semaphore, #tpu.memory_space<semaphore_mem>>) src(%arg9 : memref<128x64xf32, #tpu.memory_space<vmem>>) dst(%dma_wait3A_14 : memref<128x64xf32, #tpu.memory_space<hbm>>)
    %dma_wait3A_15 = arith.constant 0 : i32
    %dma_wait3A_16 = tpu.memref_slice %arg5[%mul3A_2, %dma_wait3A_15] : memref<204800x128xf32, #tpu.memory_space<hbm>> -> memref<128x128xf32, #tpu.memory_space<hbm>>
    %dma_wait3A_17 = arith.constant 0 : i32
    %dma_wait3A_18 = tpu.memref_slice %arg5[%mul3A_2, %dma_wait3A_17] : memref<204800x128xf32, #tpu.memory_space<hbm>> -> memref<128x128xf32, #tpu.memory_space<hbm>>
    tpu.wait_dma2 semaphore(%arg16 : memref<!tpu.dma_semaphore, #tpu.memory_space<semaphore_mem>>) src(%arg11 : memref<128x128xf32, #tpu.memory_space<vmem>>) dst(%dma_wait3A_18 : memref<128x128xf32, #tpu.memory_space<hbm>>)
    %dma_wait3A_19 = arith.constant 0 : i32
    %dma_wait3A_20 = tpu.memref_slice %arg6[%mul3A_2, %dma_wait3A_19] : memref<204800x128xf32, #tpu.memory_space<hbm>> -> memref<128x64xf32, #tpu.memory_space<hbm>>
    %dma_wait3A_21 = arith.constant 0 : i32
    %dma_wait3A_22 = tpu.memref_slice %arg6[%mul3A_2, %dma_wait3A_21] : memref<204800x128xf32, #tpu.memory_space<hbm>> -> memref<128x64xf32, #tpu.memory_space<hbm>>
    tpu.wait_dma2 semaphore(%arg16 : memref<!tpu.dma_semaphore, #tpu.memory_space<semaphore_mem>>) src(%arg12 : memref<128x64xf32, #tpu.memory_space<vmem>>) dst(%dma_wait3A_22 : memref<128x64xf32, #tpu.memory_space<hbm>>)
    return
  }
}

#map = affine_map<(d0, d1) -> (0)>
#map1 = affine_map<(d0, d1) -> (0, 0)>
module attributes {stable_mosaic.version = 14 : i64} {
  func.func @_sc_body(%arg0: i32, %arg1: i32, %arg2: memref<204800xi32, #tpu.memory_space<hbm>>, %arg3: memref<100000x128xf32, #tpu.memory_space<hbm>>, %arg4: memref<100000x64xf32, #tpu.memory_space<hbm>>, %arg5: memref<204800x128xf32, #tpu.memory_space<hbm>>, %arg6: memref<204800x128xf32, #tpu.memory_space<hbm>>, %arg7: memref<128xi32, #tpu.memory_space<vmem>>, %arg8: memref<128x128xf32, #tpu.memory_space<vmem>>, %arg9: memref<128x64xf32, #tpu.memory_space<vmem>>, %arg10: memref<128xi32, #tpu.memory_space<vmem>>, %arg11: memref<128x128xf32, #tpu.memory_space<vmem>>, %arg12: memref<128x64xf32, #tpu.memory_space<vmem>>, %arg13: memref<!tpu.dma_semaphore, #tpu.memory_space<semaphore_mem>>, %arg14: memref<!tpu.dma_semaphore, #tpu.memory_space<semaphore_mem>>, %arg15: memref<!tpu.dma_semaphore, #tpu.memory_space<semaphore_mem>>, %arg16: memref<!tpu.dma_semaphore, #tpu.memory_space<semaphore_mem>>) attributes {dimension_semantics = [#tpu.dimension_semantics<core_parallel>, #tpu.dimension_semantics<subcore_parallel>], iteration_bounds = array<i64: 2, 16>, scalar_prefetch = 0 : i64, scratch_operands = 10 : i64, tpu.core_type = #tpu.core_type<sc_vector_subcore>, window_params = [{transform_indices = #map}, {transform_indices = #map1}, {transform_indices = #map1}, {transform_indices = #map1}, {transform_indices = #map1}]} {
    %mul3A = arith.constant 2 : i32
    %mul3A_0 = arith.muli %arg1, %mul3A : i32
    %add3A = arith.addi %mul3A_0, %arg0 : i32
    %mul3A_1 = arith.constant 6400 : i32
    %mul3A_2 = arith.muli %add3A, %mul3A_1 : i32
    %scan3A = arith.constant 0 : i32
    %scan3A_3 = arith.constant 0 : i32
    %scan3A_4 = arith.constant 25 : i32
    %scan3A_5 = arith.addi %scan3A_3, %scan3A_4 : i32
    %scan3A_6 = arith.constant 1 : i32
    scf.for %scan3A_23 = %scan3A_3 to %scan3A_5 step %scan3A_6  : i32 {
      %mul3A_24 = arith.constant 2 : i32
      %mul3A_25 = arith.muli %mul3A_24, %scan3A_23 : i32
      %mul3A_26 = arith.constant 128 : i32
      %mul3A_27 = arith.muli %mul3A_25, %mul3A_26 : i32
      %add3A_28 = arith.addi %mul3A_2, %mul3A_27 : i32
      %ge3A = arith.constant 2 : i32
      %ge3A_29 = arith.cmpi sge, %mul3A_25, %ge3A : i32
      %convert_element_type3A = arith.extui %ge3A_29 : i1 to i32
      %cond3A = arith.constant 0 : i32
      %cond3A_30 = arith.cmpi ne, %convert_element_type3A, %cond3A : i32
      scf.if %cond3A_30 {
        %dma_wait3A_82 = arith.constant 0 : i32
        %dma_wait3A_83 = tpu.memref_slice %arg5[%add3A_28, %dma_wait3A_82] : memref<204800x128xf32, #tpu.memory_space<hbm>> -> memref<128x128xf32, #tpu.memory_space<hbm>>
        %dma_wait3A_84 = arith.constant 0 : i32
        %dma_wait3A_85 = tpu.memref_slice %arg5[%add3A_28, %dma_wait3A_84] : memref<204800x128xf32, #tpu.memory_space<hbm>> -> memref<128x128xf32, #tpu.memory_space<hbm>>
        tpu.wait_dma2 semaphore(%arg14 : memref<!tpu.dma_semaphore, #tpu.memory_space<semaphore_mem>>) src(%arg8 : memref<128x128xf32, #tpu.memory_space<vmem>>) dst(%dma_wait3A_85 : memref<128x128xf32, #tpu.memory_space<hbm>>)
        %dma_wait3A_86 = arith.constant 0 : i32
        %dma_wait3A_87 = tpu.memref_slice %arg6[%add3A_28, %dma_wait3A_86] : memref<204800x128xf32, #tpu.memory_space<hbm>> -> memref<128x64xf32, #tpu.memory_space<hbm>>
        %dma_wait3A_88 = arith.constant 0 : i32
        %dma_wait3A_89 = tpu.memref_slice %arg6[%add3A_28, %dma_wait3A_88] : memref<204800x128xf32, #tpu.memory_space<hbm>> -> memref<128x64xf32, #tpu.memory_space<hbm>>
        tpu.wait_dma2 semaphore(%arg14 : memref<!tpu.dma_semaphore, #tpu.memory_space<semaphore_mem>>) src(%arg9 : memref<128x64xf32, #tpu.memory_space<vmem>>) dst(%dma_wait3A_89 : memref<128x64xf32, #tpu.memory_space<hbm>>)
      } else {
      }
      "tpu.region"() ({
        %run_scoped3A = tpu.sem_alloc : memref<!tpu.dma_semaphore, #tpu.memory_space<semaphore_mem>>
        %dma_start3A_82 = tpu.memref_slice %arg2[%add3A_28] : memref<204800xi32, #tpu.memory_space<hbm>> -> memref<128xi32, #tpu.memory_space<hbm>>
        %dma_start3A_83 = tpu.memref_slice %arg2[%add3A_28] : memref<204800xi32, #tpu.memory_space<hbm>> -> memref<128xi32, #tpu.memory_space<hbm>>
        tpu.enqueue_dma source(%dma_start3A_83 : memref<128xi32, #tpu.memory_space<hbm>>) target(%arg7 : memref<128xi32, #tpu.memory_space<vmem>>) target_semaphore(%run_scoped3A : memref<!tpu.dma_semaphore, #tpu.memory_space<semaphore_mem>>)
        %dma_wait3A_84 = tpu.memref_slice %arg2[%add3A_28] : memref<204800xi32, #tpu.memory_space<hbm>> -> memref<128xi32, #tpu.memory_space<hbm>>
        %dma_wait3A_85 = tpu.memref_slice %arg2[%add3A_28] : memref<204800xi32, #tpu.memory_space<hbm>> -> memref<128xi32, #tpu.memory_space<hbm>>
        tpu.wait_dma2 semaphore(%run_scoped3A : memref<!tpu.dma_semaphore, #tpu.memory_space<semaphore_mem>>) src(%dma_wait3A_85 : memref<128xi32, #tpu.memory_space<hbm>>) dst(%arg7 : memref<128xi32, #tpu.memory_space<vmem>>)
        tpu.yield
      }) : () -> ()
      %dma_start3A = arith.constant 0 : i32
      %dma_start3A_31 = arith.constant 0 : i32
      %dma_start3A_32 = tpu.memref_slice %arg3[%dma_start3A, %dma_start3A_31] : memref<100000x128xf32, #tpu.memory_space<hbm>> -> memref<100000x128xf32, #tpu.memory_space<hbm>>
      tpu.enqueue_indirect_dma source(%dma_start3A_32 : memref<100000x128xf32, #tpu.memory_space<hbm>>) target(%arg8 : memref<128x128xf32, #tpu.memory_space<vmem>>) offsets(%arg7 : memref<128xi32, #tpu.memory_space<vmem>>) semaphore(%arg13 : memref<!tpu.dma_semaphore, #tpu.memory_space<semaphore_mem>>)
      %dma_start3A_33 = arith.constant 0 : i32
      %dma_start3A_34 = arith.constant 0 : i32
      %dma_start3A_35 = tpu.memref_slice %arg4[%dma_start3A_33, %dma_start3A_34] : memref<100000x64xf32, #tpu.memory_space<hbm>> -> memref<100000x64xf32, #tpu.memory_space<hbm>>
      tpu.enqueue_indirect_dma source(%dma_start3A_35 : memref<100000x64xf32, #tpu.memory_space<hbm>>) target(%arg9 : memref<128x64xf32, #tpu.memory_space<vmem>>) offsets(%arg7 : memref<128xi32, #tpu.memory_space<vmem>>) semaphore(%arg13 : memref<!tpu.dma_semaphore, #tpu.memory_space<semaphore_mem>>)
      %dma_wait3A_36 = arith.constant 0 : i32
      %dma_wait3A_37 = arith.constant 0 : i32
      %dma_wait3A_38 = tpu.memref_slice %arg3[%dma_wait3A_36, %dma_wait3A_37] : memref<100000x128xf32, #tpu.memory_space<hbm>> -> memref<100000x128xf32, #tpu.memory_space<hbm>>
      tpu.wait_indirect_dma semaphore(%arg13 : memref<!tpu.dma_semaphore, #tpu.memory_space<semaphore_mem>>) src(%dma_wait3A_38 : memref<100000x128xf32, #tpu.memory_space<hbm>>) dst(%arg8 : memref<128x128xf32, #tpu.memory_space<vmem>>)
      %dma_wait3A_39 = arith.constant 0 : i32
      %dma_wait3A_40 = arith.constant 0 : i32
      %dma_wait3A_41 = tpu.memref_slice %arg4[%dma_wait3A_39, %dma_wait3A_40] : memref<100000x64xf32, #tpu.memory_space<hbm>> -> memref<100000x64xf32, #tpu.memory_space<hbm>>
      tpu.wait_indirect_dma semaphore(%arg13 : memref<!tpu.dma_semaphore, #tpu.memory_space<semaphore_mem>>) src(%dma_wait3A_41 : memref<100000x64xf32, #tpu.memory_space<hbm>>) dst(%arg9 : memref<128x64xf32, #tpu.memory_space<vmem>>)
      %dma_start3A_42 = arith.constant 0 : i32
      %dma_start3A_43 = tpu.memref_slice %arg5[%add3A_28, %dma_start3A_42] : memref<204800x128xf32, #tpu.memory_space<hbm>> -> memref<128x128xf32, #tpu.memory_space<hbm>>
      %dma_start3A_44 = arith.constant 0 : i32
      %dma_start3A_45 = tpu.memref_slice %arg5[%add3A_28, %dma_start3A_44] : memref<204800x128xf32, #tpu.memory_space<hbm>> -> memref<128x128xf32, #tpu.memory_space<hbm>>
      tpu.enqueue_dma source(%arg8 : memref<128x128xf32, #tpu.memory_space<vmem>>) target(%dma_start3A_45 : memref<128x128xf32, #tpu.memory_space<hbm>>) target_semaphore(%arg14 : memref<!tpu.dma_semaphore, #tpu.memory_space<semaphore_mem>>)
      %dma_start3A_46 = arith.constant 0 : i32
      %dma_start3A_47 = tpu.memref_slice %arg6[%add3A_28, %dma_start3A_46] : memref<204800x128xf32, #tpu.memory_space<hbm>> -> memref<128x64xf32, #tpu.memory_space<hbm>>
      %dma_start3A_48 = arith.constant 0 : i32
      %dma_start3A_49 = tpu.memref_slice %arg6[%add3A_28, %dma_start3A_48] : memref<204800x128xf32, #tpu.memory_space<hbm>> -> memref<128x64xf32, #tpu.memory_space<hbm>>
      tpu.enqueue_dma source(%arg9 : memref<128x64xf32, #tpu.memory_space<vmem>>) target(%dma_start3A_49 : memref<128x64xf32, #tpu.memory_space<hbm>>) target_semaphore(%arg14 : memref<!tpu.dma_semaphore, #tpu.memory_space<semaphore_mem>>)
      %mul3A_50 = arith.constant 2 : i32
      %mul3A_51 = arith.muli %mul3A_50, %scan3A_23 : i32
      %add3A_52 = arith.constant 1 : i32
      %add3A_53 = arith.addi %mul3A_51, %add3A_52 : i32
      %mul3A_54 = arith.constant 128 : i32
      %mul3A_55 = arith.muli %add3A_53, %mul3A_54 : i32
      %add3A_56 = arith.addi %mul3A_2, %mul3A_55 : i32
      %ge3A_57 = arith.constant 2 : i32
      %ge3A_58 = arith.cmpi sge, %add3A_53, %ge3A_57 : i32
      %convert_element_type3A_59 = arith.extui %ge3A_58 : i1 to i32
      %cond3A_60 = arith.constant 0 : i32
      %cond3A_61 = arith.cmpi ne, %convert_element_type3A_59, %cond3A_60 : i32
      scf.if %cond3A_61 {
        %dma_wait3A_82 = arith.constant 0 : i32
        %dma_wait3A_83 = tpu.memref_slice %arg5[%add3A_56, %dma_wait3A_82] : memref<204800x128xf32, #tpu.memory_space<hbm>> -> memref<128x128xf32, #tpu.memory_space<hbm>>
        %dma_wait3A_84 = arith.constant 0 : i32
        %dma_wait3A_85 = tpu.memref_slice %arg5[%add3A_56, %dma_wait3A_84] : memref<204800x128xf32, #tpu.memory_space<hbm>> -> memref<128x128xf32, #tpu.memory_space<hbm>>
        tpu.wait_dma2 semaphore(%arg16 : memref<!tpu.dma_semaphore, #tpu.memory_space<semaphore_mem>>) src(%arg11 : memref<128x128xf32, #tpu.memory_space<vmem>>) dst(%dma_wait3A_85 : memref<128x128xf32, #tpu.memory_space<hbm>>)
        %dma_wait3A_86 = arith.constant 0 : i32
        %dma_wait3A_87 = tpu.memref_slice %arg6[%add3A_56, %dma_wait3A_86] : memref<204800x128xf32, #tpu.memory_space<hbm>> -> memref<128x64xf32, #tpu.memory_space<hbm>>
        %dma_wait3A_88 = arith.constant 0 : i32
        %dma_wait3A_89 = tpu.memref_slice %arg6[%add3A_56, %dma_wait3A_88] : memref<204800x128xf32, #tpu.memory_space<hbm>> -> memref<128x64xf32, #tpu.memory_space<hbm>>
        tpu.wait_dma2 semaphore(%arg16 : memref<!tpu.dma_semaphore, #tpu.memory_space<semaphore_mem>>) src(%arg12 : memref<128x64xf32, #tpu.memory_space<vmem>>) dst(%dma_wait3A_89 : memref<128x64xf32, #tpu.memory_space<hbm>>)
      } else {
      }
      "tpu.region"() ({
        %run_scoped3A = tpu.sem_alloc : memref<!tpu.dma_semaphore, #tpu.memory_space<semaphore_mem>>
        %dma_start3A_82 = tpu.memref_slice %arg2[%add3A_56] : memref<204800xi32, #tpu.memory_space<hbm>> -> memref<128xi32, #tpu.memory_space<hbm>>
        %dma_start3A_83 = tpu.memref_slice %arg2[%add3A_56] : memref<204800xi32, #tpu.memory_space<hbm>> -> memref<128xi32, #tpu.memory_space<hbm>>
        tpu.enqueue_dma source(%dma_start3A_83 : memref<128xi32, #tpu.memory_space<hbm>>) target(%arg10 : memref<128xi32, #tpu.memory_space<vmem>>) target_semaphore(%run_scoped3A : memref<!tpu.dma_semaphore, #tpu.memory_space<semaphore_mem>>)
        %dma_wait3A_84 = tpu.memref_slice %arg2[%add3A_56] : memref<204800xi32, #tpu.memory_space<hbm>> -> memref<128xi32, #tpu.memory_space<hbm>>
        %dma_wait3A_85 = tpu.memref_slice %arg2[%add3A_56] : memref<204800xi32, #tpu.memory_space<hbm>> -> memref<128xi32, #tpu.memory_space<hbm>>
        tpu.wait_dma2 semaphore(%run_scoped3A : memref<!tpu.dma_semaphore, #tpu.memory_space<semaphore_mem>>) src(%dma_wait3A_85 : memref<128xi32, #tpu.memory_space<hbm>>) dst(%arg10 : memref<128xi32, #tpu.memory_space<vmem>>)
        tpu.yield
      }) : () -> ()
      %dma_start3A_62 = arith.constant 0 : i32
      %dma_start3A_63 = arith.constant 0 : i32
      %dma_start3A_64 = tpu.memref_slice %arg3[%dma_start3A_62, %dma_start3A_63] : memref<100000x128xf32, #tpu.memory_space<hbm>> -> memref<100000x128xf32, #tpu.memory_space<hbm>>
      tpu.enqueue_indirect_dma source(%dma_start3A_64 : memref<100000x128xf32, #tpu.memory_space<hbm>>) target(%arg11 : memref<128x128xf32, #tpu.memory_space<vmem>>) offsets(%arg10 : memref<128xi32, #tpu.memory_space<vmem>>) semaphore(%arg15 : memref<!tpu.dma_semaphore, #tpu.memory_space<semaphore_mem>>)
      %dma_start3A_65 = arith.constant 0 : i32
      %dma_start3A_66 = arith.constant 0 : i32
      %dma_start3A_67 = tpu.memref_slice %arg4[%dma_start3A_65, %dma_start3A_66] : memref<100000x64xf32, #tpu.memory_space<hbm>> -> memref<100000x64xf32, #tpu.memory_space<hbm>>
      tpu.enqueue_indirect_dma source(%dma_start3A_67 : memref<100000x64xf32, #tpu.memory_space<hbm>>) target(%arg12 : memref<128x64xf32, #tpu.memory_space<vmem>>) offsets(%arg10 : memref<128xi32, #tpu.memory_space<vmem>>) semaphore(%arg15 : memref<!tpu.dma_semaphore, #tpu.memory_space<semaphore_mem>>)
      %dma_wait3A_68 = arith.constant 0 : i32
      %dma_wait3A_69 = arith.constant 0 : i32
      %dma_wait3A_70 = tpu.memref_slice %arg3[%dma_wait3A_68, %dma_wait3A_69] : memref<100000x128xf32, #tpu.memory_space<hbm>> -> memref<100000x128xf32, #tpu.memory_space<hbm>>
      tpu.wait_indirect_dma semaphore(%arg15 : memref<!tpu.dma_semaphore, #tpu.memory_space<semaphore_mem>>) src(%dma_wait3A_70 : memref<100000x128xf32, #tpu.memory_space<hbm>>) dst(%arg11 : memref<128x128xf32, #tpu.memory_space<vmem>>)
      %dma_wait3A_71 = arith.constant 0 : i32
      %dma_wait3A_72 = arith.constant 0 : i32
      %dma_wait3A_73 = tpu.memref_slice %arg4[%dma_wait3A_71, %dma_wait3A_72] : memref<100000x64xf32, #tpu.memory_space<hbm>> -> memref<100000x64xf32, #tpu.memory_space<hbm>>
      tpu.wait_indirect_dma semaphore(%arg15 : memref<!tpu.dma_semaphore, #tpu.memory_space<semaphore_mem>>) src(%dma_wait3A_73 : memref<100000x64xf32, #tpu.memory_space<hbm>>) dst(%arg12 : memref<128x64xf32, #tpu.memory_space<vmem>>)
      %dma_start3A_74 = arith.constant 0 : i32
      %dma_start3A_75 = tpu.memref_slice %arg5[%add3A_56, %dma_start3A_74] : memref<204800x128xf32, #tpu.memory_space<hbm>> -> memref<128x128xf32, #tpu.memory_space<hbm>>
      %dma_start3A_76 = arith.constant 0 : i32
      %dma_start3A_77 = tpu.memref_slice %arg5[%add3A_56, %dma_start3A_76] : memref<204800x128xf32, #tpu.memory_space<hbm>> -> memref<128x128xf32, #tpu.memory_space<hbm>>
      tpu.enqueue_dma source(%arg11 : memref<128x128xf32, #tpu.memory_space<vmem>>) target(%dma_start3A_77 : memref<128x128xf32, #tpu.memory_space<hbm>>) target_semaphore(%arg16 : memref<!tpu.dma_semaphore, #tpu.memory_space<semaphore_mem>>)
      %dma_start3A_78 = arith.constant 0 : i32
      %dma_start3A_79 = tpu.memref_slice %arg6[%add3A_56, %dma_start3A_78] : memref<204800x128xf32, #tpu.memory_space<hbm>> -> memref<128x64xf32, #tpu.memory_space<hbm>>
      %dma_start3A_80 = arith.constant 0 : i32
      %dma_start3A_81 = tpu.memref_slice %arg6[%add3A_56, %dma_start3A_80] : memref<204800x128xf32, #tpu.memory_space<hbm>> -> memref<128x64xf32, #tpu.memory_space<hbm>>
      tpu.enqueue_dma source(%arg12 : memref<128x64xf32, #tpu.memory_space<vmem>>) target(%dma_start3A_81 : memref<128x64xf32, #tpu.memory_space<hbm>>) target_semaphore(%arg16 : memref<!tpu.dma_semaphore, #tpu.memory_space<semaphore_mem>>)
    }
    %scan3A_7 = arith.constant 25 : i32
    %dma_wait3A = arith.constant 0 : i32
    %dma_wait3A_8 = tpu.memref_slice %arg5[%mul3A_2, %dma_wait3A] : memref<204800x128xf32, #tpu.memory_space<hbm>> -> memref<128x128xf32, #tpu.memory_space<hbm>>
    %dma_wait3A_9 = arith.constant 0 : i32
    %dma_wait3A_10 = tpu.memref_slice %arg5[%mul3A_2, %dma_wait3A_9] : memref<204800x128xf32, #tpu.memory_space<hbm>> -> memref<128x128xf32, #tpu.memory_space<hbm>>
    tpu.wait_dma2 semaphore(%arg14 : memref<!tpu.dma_semaphore, #tpu.memory_space<semaphore_mem>>) src(%arg8 : memref<128x128xf32, #tpu.memory_space<vmem>>) dst(%dma_wait3A_10 : memref<128x128xf32, #tpu.memory_space<hbm>>)
    %dma_wait3A_11 = arith.constant 0 : i32
    %dma_wait3A_12 = tpu.memref_slice %arg6[%mul3A_2, %dma_wait3A_11] : memref<204800x128xf32, #tpu.memory_space<hbm>> -> memref<128x64xf32, #tpu.memory_space<hbm>>
    %dma_wait3A_13 = arith.constant 0 : i32
    %dma_wait3A_14 = tpu.memref_slice %arg6[%mul3A_2, %dma_wait3A_13] : memref<204800x128xf32, #tpu.memory_space<hbm>> -> memref<128x64xf32, #tpu.memory_space<hbm>>
    tpu.wait_dma2 semaphore(%arg14 : memref<!tpu.dma_semaphore, #tpu.memory_space<semaphore_mem>>) src(%arg9 : memref<128x64xf32, #tpu.memory_space<vmem>>) dst(%dma_wait3A_14 : memref<128x64xf32, #tpu.memory_space<hbm>>)
    %dma_wait3A_15 = arith.constant 0 : i32
    %dma_wait3A_16 = tpu.memref_slice %arg5[%mul3A_2, %dma_wait3A_15] : memref<204800x128xf32, #tpu.memory_space<hbm>> -> memref<128x128xf32, #tpu.memory_space<hbm>>
    %dma_wait3A_17 = arith.constant 0 : i32
    %dma_wait3A_18 = tpu.memref_slice %arg5[%mul3A_2, %dma_wait3A_17] : memref<204800x128xf32, #tpu.memory_space<hbm>> -> memref<128x128xf32, #tpu.memory_space<hbm>>
    tpu.wait_dma2 semaphore(%arg16 : memref<!tpu.dma_semaphore, #tpu.memory_space<semaphore_mem>>) src(%arg11 : memref<128x128xf32, #tpu.memory_space<vmem>>) dst(%dma_wait3A_18 : memref<128x128xf32, #tpu.memory_space<hbm>>)
    %dma_wait3A_19 = arith.constant 0 : i32
    %dma_wait3A_20 = tpu.memref_slice %arg6[%mul3A_2, %dma_wait3A_19] : memref<204800x128xf32, #tpu.memory_space<hbm>> -> memref<128x64xf32, #tpu.memory_space<hbm>>
    %dma_wait3A_21 = arith.constant 0 : i32
    %dma_wait3A_22 = tpu.memref_slice %arg6[%mul3A_2, %dma_wait3A_21] : memref<204800x128xf32, #tpu.memory_space<hbm>> -> memref<128x64xf32, #tpu.memory_space<hbm>>
    tpu.wait_dma2 semaphore(%arg16 : memref<!tpu.dma_semaphore, #tpu.memory_space<semaphore_mem>>) src(%arg12 : memref<128x64xf32, #tpu.memory_space<vmem>>) dst(%dma_wait3A_22 : memref<128x64xf32, #tpu.memory_space<hbm>>)
    return
  }
}

#map = affine_map<(d0, d1) -> (0)>
#map1 = affine_map<(d0, d1) -> (0, 0)>
module attributes {stable_mosaic.version = 14 : i64} {
  func.func @_sc_body(%arg0: i32, %arg1: i32, %arg2: memref<204800xi32, #tpu.memory_space<hbm>>, %arg3: memref<100000x128xf32, #tpu.memory_space<hbm>>, %arg4: memref<100000x64xf32, #tpu.memory_space<hbm>>, %arg5: memref<204800x128xf32, #tpu.memory_space<hbm>>, %arg6: memref<204800x128xf32, #tpu.memory_space<hbm>>, %arg7: memref<128xi32, #tpu.memory_space<vmem>>, %arg8: memref<128x128xf32, #tpu.memory_space<vmem>>, %arg9: memref<128x64xf32, #tpu.memory_space<vmem>>, %arg10: memref<128xi32, #tpu.memory_space<vmem>>, %arg11: memref<128x128xf32, #tpu.memory_space<vmem>>, %arg12: memref<128x64xf32, #tpu.memory_space<vmem>>, %arg13: memref<!tpu.dma_semaphore, #tpu.memory_space<semaphore_mem>>, %arg14: memref<!tpu.dma_semaphore, #tpu.memory_space<semaphore_mem>>, %arg15: memref<!tpu.dma_semaphore, #tpu.memory_space<semaphore_mem>>, %arg16: memref<!tpu.dma_semaphore, #tpu.memory_space<semaphore_mem>>) attributes {dimension_semantics = [#tpu.dimension_semantics<core_parallel>, #tpu.dimension_semantics<subcore_parallel>], iteration_bounds = array<i64: 2, 16>, scalar_prefetch = 0 : i64, scratch_operands = 10 : i64, tpu.core_type = #tpu.core_type<sc_vector_subcore>, window_params = [{transform_indices = #map}, {transform_indices = #map1}, {transform_indices = #map1}, {transform_indices = #map1}, {transform_indices = #map1}]} {
    %mul3A = arith.constant 2 : i32
    %mul3A_0 = arith.muli %arg1, %mul3A : i32
    %add3A = arith.addi %mul3A_0, %arg0 : i32
    %mul3A_1 = arith.constant 6400 : i32
    %mul3A_2 = arith.muli %add3A, %mul3A_1 : i32
    %scan3A = arith.constant 0 : i32
    %scan3A_3 = arith.constant 0 : i32
    %scan3A_4 = arith.constant 25 : i32
    %scan3A_5 = arith.addi %scan3A_3, %scan3A_4 : i32
    %scan3A_6 = arith.constant 1 : i32
    scf.for %scan3A_23 = %scan3A_3 to %scan3A_5 step %scan3A_6  : i32 {
      %mul3A_24 = arith.constant 2 : i32
      %mul3A_25 = arith.muli %mul3A_24, %scan3A_23 : i32
      %mul3A_26 = arith.constant 128 : i32
      %mul3A_27 = arith.muli %mul3A_25, %mul3A_26 : i32
      %add3A_28 = arith.addi %mul3A_2, %mul3A_27 : i32
      %ge3A = arith.constant 2 : i32
      %ge3A_29 = arith.cmpi sge, %mul3A_25, %ge3A : i32
      %convert_element_type3A = arith.extui %ge3A_29 : i1 to i32
      %cond3A = arith.constant 0 : i32
      %cond3A_30 = arith.cmpi ne, %convert_element_type3A, %cond3A : i32
      scf.if %cond3A_30 {
        %dma_wait3A_82 = arith.constant 0 : i32
        %dma_wait3A_83 = tpu.memref_slice %arg5[%add3A_28, %dma_wait3A_82] : memref<204800x128xf32, #tpu.memory_space<hbm>> -> memref<128x128xf32, #tpu.memory_space<hbm>>
        %dma_wait3A_84 = arith.constant 0 : i32
        %dma_wait3A_85 = tpu.memref_slice %arg5[%add3A_28, %dma_wait3A_84] : memref<204800x128xf32, #tpu.memory_space<hbm>> -> memref<128x128xf32, #tpu.memory_space<hbm>>
        tpu.wait_dma2 semaphore(%arg14 : memref<!tpu.dma_semaphore, #tpu.memory_space<semaphore_mem>>) src(%arg8 : memref<128x128xf32, #tpu.memory_space<vmem>>) dst(%dma_wait3A_85 : memref<128x128xf32, #tpu.memory_space<hbm>>)
        %dma_wait3A_86 = arith.constant 0 : i32
        %dma_wait3A_87 = tpu.memref_slice %arg6[%add3A_28, %dma_wait3A_86] : memref<204800x128xf32, #tpu.memory_space<hbm>> -> memref<128x64xf32, #tpu.memory_space<hbm>>
        %dma_wait3A_88 = arith.constant 0 : i32
        %dma_wait3A_89 = tpu.memref_slice %arg6[%add3A_28, %dma_wait3A_88] : memref<204800x128xf32, #tpu.memory_space<hbm>> -> memref<128x64xf32, #tpu.memory_space<hbm>>
        tpu.wait_dma2 semaphore(%arg14 : memref<!tpu.dma_semaphore, #tpu.memory_space<semaphore_mem>>) src(%arg9 : memref<128x64xf32, #tpu.memory_space<vmem>>) dst(%dma_wait3A_89 : memref<128x64xf32, #tpu.memory_space<hbm>>)
      } else {
      }
      "tpu.region"() ({
        %run_scoped3A = tpu.sem_alloc : memref<!tpu.dma_semaphore, #tpu.memory_space<semaphore_mem>>
        %dma_start3A_82 = tpu.memref_slice %arg2[%add3A_28] : memref<204800xi32, #tpu.memory_space<hbm>> -> memref<128xi32, #tpu.memory_space<hbm>>
        %dma_start3A_83 = tpu.memref_slice %arg2[%add3A_28] : memref<204800xi32, #tpu.memory_space<hbm>> -> memref<128xi32, #tpu.memory_space<hbm>>
        tpu.enqueue_dma source(%dma_start3A_83 : memref<128xi32, #tpu.memory_space<hbm>>) target(%arg7 : memref<128xi32, #tpu.memory_space<vmem>>) target_semaphore(%run_scoped3A : memref<!tpu.dma_semaphore, #tpu.memory_space<semaphore_mem>>)
        %dma_wait3A_84 = tpu.memref_slice %arg2[%add3A_28] : memref<204800xi32, #tpu.memory_space<hbm>> -> memref<128xi32, #tpu.memory_space<hbm>>
        %dma_wait3A_85 = tpu.memref_slice %arg2[%add3A_28] : memref<204800xi32, #tpu.memory_space<hbm>> -> memref<128xi32, #tpu.memory_space<hbm>>
        tpu.wait_dma2 semaphore(%run_scoped3A : memref<!tpu.dma_semaphore, #tpu.memory_space<semaphore_mem>>) src(%dma_wait3A_85 : memref<128xi32, #tpu.memory_space<hbm>>) dst(%arg7 : memref<128xi32, #tpu.memory_space<vmem>>)
        tpu.yield
      }) : () -> ()
      %dma_start3A = arith.constant 0 : i32
      %dma_start3A_31 = arith.constant 0 : i32
      %dma_start3A_32 = tpu.memref_slice %arg3[%dma_start3A, %dma_start3A_31] : memref<100000x128xf32, #tpu.memory_space<hbm>> -> memref<100000x128xf32, #tpu.memory_space<hbm>>
      tpu.enqueue_indirect_dma source(%dma_start3A_32 : memref<100000x128xf32, #tpu.memory_space<hbm>>) target(%arg8 : memref<128x128xf32, #tpu.memory_space<vmem>>) offsets(%arg7 : memref<128xi32, #tpu.memory_space<vmem>>) semaphore(%arg13 : memref<!tpu.dma_semaphore, #tpu.memory_space<semaphore_mem>>)
      %dma_start3A_33 = arith.constant 0 : i32
      %dma_start3A_34 = arith.constant 0 : i32
      %dma_start3A_35 = tpu.memref_slice %arg4[%dma_start3A_33, %dma_start3A_34] : memref<100000x64xf32, #tpu.memory_space<hbm>> -> memref<100000x64xf32, #tpu.memory_space<hbm>>
      tpu.enqueue_indirect_dma source(%dma_start3A_35 : memref<100000x64xf32, #tpu.memory_space<hbm>>) target(%arg9 : memref<128x64xf32, #tpu.memory_space<vmem>>) offsets(%arg7 : memref<128xi32, #tpu.memory_space<vmem>>) semaphore(%arg13 : memref<!tpu.dma_semaphore, #tpu.memory_space<semaphore_mem>>)
      %dma_wait3A_36 = arith.constant 0 : i32
      %dma_wait3A_37 = arith.constant 0 : i32
      %dma_wait3A_38 = tpu.memref_slice %arg3[%dma_wait3A_36, %dma_wait3A_37] : memref<100000x128xf32, #tpu.memory_space<hbm>> -> memref<100000x128xf32, #tpu.memory_space<hbm>>
      tpu.wait_indirect_dma semaphore(%arg13 : memref<!tpu.dma_semaphore, #tpu.memory_space<semaphore_mem>>) src(%dma_wait3A_38 : memref<100000x128xf32, #tpu.memory_space<hbm>>) dst(%arg8 : memref<128x128xf32, #tpu.memory_space<vmem>>)
      %dma_wait3A_39 = arith.constant 0 : i32
      %dma_wait3A_40 = arith.constant 0 : i32
      %dma_wait3A_41 = tpu.memref_slice %arg4[%dma_wait3A_39, %dma_wait3A_40] : memref<100000x64xf32, #tpu.memory_space<hbm>> -> memref<100000x64xf32, #tpu.memory_space<hbm>>
      tpu.wait_indirect_dma semaphore(%arg13 : memref<!tpu.dma_semaphore, #tpu.memory_space<semaphore_mem>>) src(%dma_wait3A_41 : memref<100000x64xf32, #tpu.memory_space<hbm>>) dst(%arg9 : memref<128x64xf32, #tpu.memory_space<vmem>>)
      %dma_start3A_42 = arith.constant 0 : i32
      %dma_start3A_43 = tpu.memref_slice %arg5[%add3A_28, %dma_start3A_42] : memref<204800x128xf32, #tpu.memory_space<hbm>> -> memref<128x128xf32, #tpu.memory_space<hbm>>
      %dma_start3A_44 = arith.constant 0 : i32
      %dma_start3A_45 = tpu.memref_slice %arg5[%add3A_28, %dma_start3A_44] : memref<204800x128xf32, #tpu.memory_space<hbm>> -> memref<128x128xf32, #tpu.memory_space<hbm>>
      tpu.enqueue_dma source(%arg8 : memref<128x128xf32, #tpu.memory_space<vmem>>) target(%dma_start3A_45 : memref<128x128xf32, #tpu.memory_space<hbm>>) target_semaphore(%arg14 : memref<!tpu.dma_semaphore, #tpu.memory_space<semaphore_mem>>)
      %dma_start3A_46 = arith.constant 0 : i32
      %dma_start3A_47 = tpu.memref_slice %arg6[%add3A_28, %dma_start3A_46] : memref<204800x128xf32, #tpu.memory_space<hbm>> -> memref<128x64xf32, #tpu.memory_space<hbm>>
      %dma_start3A_48 = arith.constant 0 : i32
      %dma_start3A_49 = tpu.memref_slice %arg6[%add3A_28, %dma_start3A_48] : memref<204800x128xf32, #tpu.memory_space<hbm>> -> memref<128x64xf32, #tpu.memory_space<hbm>>
      tpu.enqueue_dma source(%arg9 : memref<128x64xf32, #tpu.memory_space<vmem>>) target(%dma_start3A_49 : memref<128x64xf32, #tpu.memory_space<hbm>>) target_semaphore(%arg14 : memref<!tpu.dma_semaphore, #tpu.memory_space<semaphore_mem>>)
      %mul3A_50 = arith.constant 2 : i32
      %mul3A_51 = arith.muli %mul3A_50, %scan3A_23 : i32
      %add3A_52 = arith.constant 1 : i32
      %add3A_53 = arith.addi %mul3A_51, %add3A_52 : i32
      %mul3A_54 = arith.constant 128 : i32
      %mul3A_55 = arith.muli %add3A_53, %mul3A_54 : i32
      %add3A_56 = arith.addi %mul3A_2, %mul3A_55 : i32
      %ge3A_57 = arith.constant 2 : i32
      %ge3A_58 = arith.cmpi sge, %add3A_53, %ge3A_57 : i32
      %convert_element_type3A_59 = arith.extui %ge3A_58 : i1 to i32
      %cond3A_60 = arith.constant 0 : i32
      %cond3A_61 = arith.cmpi ne, %convert_element_type3A_59, %cond3A_60 : i32
      scf.if %cond3A_61 {
        %dma_wait3A_82 = arith.constant 0 : i32
        %dma_wait3A_83 = tpu.memref_slice %arg5[%add3A_56, %dma_wait3A_82] : memref<204800x128xf32, #tpu.memory_space<hbm>> -> memref<128x128xf32, #tpu.memory_space<hbm>>
        %dma_wait3A_84 = arith.constant 0 : i32
        %dma_wait3A_85 = tpu.memref_slice %arg5[%add3A_56, %dma_wait3A_84] : memref<204800x128xf32, #tpu.memory_space<hbm>> -> memref<128x128xf32, #tpu.memory_space<hbm>>
        tpu.wait_dma2 semaphore(%arg16 : memref<!tpu.dma_semaphore, #tpu.memory_space<semaphore_mem>>) src(%arg11 : memref<128x128xf32, #tpu.memory_space<vmem>>) dst(%dma_wait3A_85 : memref<128x128xf32, #tpu.memory_space<hbm>>)
        %dma_wait3A_86 = arith.constant 0 : i32
        %dma_wait3A_87 = tpu.memref_slice %arg6[%add3A_56, %dma_wait3A_86] : memref<204800x128xf32, #tpu.memory_space<hbm>> -> memref<128x64xf32, #tpu.memory_space<hbm>>
        %dma_wait3A_88 = arith.constant 0 : i32
        %dma_wait3A_89 = tpu.memref_slice %arg6[%add3A_56, %dma_wait3A_88] : memref<204800x128xf32, #tpu.memory_space<hbm>> -> memref<128x64xf32, #tpu.memory_space<hbm>>
        tpu.wait_dma2 semaphore(%arg16 : memref<!tpu.dma_semaphore, #tpu.memory_space<semaphore_mem>>) src(%arg12 : memref<128x64xf32, #tpu.memory_space<vmem>>) dst(%dma_wait3A_89 : memref<128x64xf32, #tpu.memory_space<hbm>>)
      } else {
      }
      "tpu.region"() ({
        %run_scoped3A = tpu.sem_alloc : memref<!tpu.dma_semaphore, #tpu.memory_space<semaphore_mem>>
        %dma_start3A_82 = tpu.memref_slice %arg2[%add3A_56] : memref<204800xi32, #tpu.memory_space<hbm>> -> memref<128xi32, #tpu.memory_space<hbm>>
        %dma_start3A_83 = tpu.memref_slice %arg2[%add3A_56] : memref<204800xi32, #tpu.memory_space<hbm>> -> memref<128xi32, #tpu.memory_space<hbm>>
        tpu.enqueue_dma source(%dma_start3A_83 : memref<128xi32, #tpu.memory_space<hbm>>) target(%arg10 : memref<128xi32, #tpu.memory_space<vmem>>) target_semaphore(%run_scoped3A : memref<!tpu.dma_semaphore, #tpu.memory_space<semaphore_mem>>)
        %dma_wait3A_84 = tpu.memref_slice %arg2[%add3A_56] : memref<204800xi32, #tpu.memory_space<hbm>> -> memref<128xi32, #tpu.memory_space<hbm>>
        %dma_wait3A_85 = tpu.memref_slice %arg2[%add3A_56] : memref<204800xi32, #tpu.memory_space<hbm>> -> memref<128xi32, #tpu.memory_space<hbm>>
        tpu.wait_dma2 semaphore(%run_scoped3A : memref<!tpu.dma_semaphore, #tpu.memory_space<semaphore_mem>>) src(%dma_wait3A_85 : memref<128xi32, #tpu.memory_space<hbm>>) dst(%arg10 : memref<128xi32, #tpu.memory_space<vmem>>)
        tpu.yield
      }) : () -> ()
      %dma_start3A_62 = arith.constant 0 : i32
      %dma_start3A_63 = arith.constant 0 : i32
      %dma_start3A_64 = tpu.memref_slice %arg3[%dma_start3A_62, %dma_start3A_63] : memref<100000x128xf32, #tpu.memory_space<hbm>> -> memref<100000x128xf32, #tpu.memory_space<hbm>>
      tpu.enqueue_indirect_dma source(%dma_start3A_64 : memref<100000x128xf32, #tpu.memory_space<hbm>>) target(%arg11 : memref<128x128xf32, #tpu.memory_space<vmem>>) offsets(%arg10 : memref<128xi32, #tpu.memory_space<vmem>>) semaphore(%arg15 : memref<!tpu.dma_semaphore, #tpu.memory_space<semaphore_mem>>)
      %dma_start3A_65 = arith.constant 0 : i32
      %dma_start3A_66 = arith.constant 0 : i32
      %dma_start3A_67 = tpu.memref_slice %arg4[%dma_start3A_65, %dma_start3A_66] : memref<100000x64xf32, #tpu.memory_space<hbm>> -> memref<100000x64xf32, #tpu.memory_space<hbm>>
      tpu.enqueue_indirect_dma source(%dma_start3A_67 : memref<100000x64xf32, #tpu.memory_space<hbm>>) target(%arg12 : memref<128x64xf32, #tpu.memory_space<vmem>>) offsets(%arg10 : memref<128xi32, #tpu.memory_space<vmem>>) semaphore(%arg15 : memref<!tpu.dma_semaphore, #tpu.memory_space<semaphore_mem>>)
      %dma_wait3A_68 = arith.constant 0 : i32
      %dma_wait3A_69 = arith.constant 0 : i32
      %dma_wait3A_70 = tpu.memref_slice %arg3[%dma_wait3A_68, %dma_wait3A_69] : memref<100000x128xf32, #tpu.memory_space<hbm>> -> memref<100000x128xf32, #tpu.memory_space<hbm>>
      tpu.wait_indirect_dma semaphore(%arg15 : memref<!tpu.dma_semaphore, #tpu.memory_space<semaphore_mem>>) src(%dma_wait3A_70 : memref<100000x128xf32, #tpu.memory_space<hbm>>) dst(%arg11 : memref<128x128xf32, #tpu.memory_space<vmem>>)
      %dma_wait3A_71 = arith.constant 0 : i32
      %dma_wait3A_72 = arith.constant 0 : i32
      %dma_wait3A_73 = tpu.memref_slice %arg4[%dma_wait3A_71, %dma_wait3A_72] : memref<100000x64xf32, #tpu.memory_space<hbm>> -> memref<100000x64xf32, #tpu.memory_space<hbm>>
      tpu.wait_indirect_dma semaphore(%arg15 : memref<!tpu.dma_semaphore, #tpu.memory_space<semaphore_mem>>) src(%dma_wait3A_73 : memref<100000x64xf32, #tpu.memory_space<hbm>>) dst(%arg12 : memref<128x64xf32, #tpu.memory_space<vmem>>)
      %dma_start3A_74 = arith.constant 0 : i32
      %dma_start3A_75 = tpu.memref_slice %arg5[%add3A_56, %dma_start3A_74] : memref<204800x128xf32, #tpu.memory_space<hbm>> -> memref<128x128xf32, #tpu.memory_space<hbm>>
      %dma_start3A_76 = arith.constant 0 : i32
      %dma_start3A_77 = tpu.memref_slice %arg5[%add3A_56, %dma_start3A_76] : memref<204800x128xf32, #tpu.memory_space<hbm>> -> memref<128x128xf32, #tpu.memory_space<hbm>>
      tpu.enqueue_dma source(%arg11 : memref<128x128xf32, #tpu.memory_space<vmem>>) target(%dma_start3A_77 : memref<128x128xf32, #tpu.memory_space<hbm>>) target_semaphore(%arg16 : memref<!tpu.dma_semaphore, #tpu.memory_space<semaphore_mem>>)
      %dma_start3A_78 = arith.constant 0 : i32
      %dma_start3A_79 = tpu.memref_slice %arg6[%add3A_56, %dma_start3A_78] : memref<204800x128xf32, #tpu.memory_space<hbm>> -> memref<128x64xf32, #tpu.memory_space<hbm>>
      %dma_start3A_80 = arith.constant 0 : i32
      %dma_start3A_81 = tpu.memref_slice %arg6[%add3A_56, %dma_start3A_80] : memref<204800x128xf32, #tpu.memory_space<hbm>> -> memref<128x64xf32, #tpu.memory_space<hbm>>
      tpu.enqueue_dma source(%arg12 : memref<128x64xf32, #tpu.memory_space<vmem>>) target(%dma_start3A_81 : memref<128x64xf32, #tpu.memory_space<hbm>>) target_semaphore(%arg16 : memref<!tpu.dma_semaphore, #tpu.memory_space<semaphore_mem>>)
    }
    %scan3A_7 = arith.constant 25 : i32
    %dma_wait3A = arith.constant 0 : i32
    %dma_wait3A_8 = tpu.memref_slice %arg5[%mul3A_2, %dma_wait3A] : memref<204800x128xf32, #tpu.memory_space<hbm>> -> memref<128x128xf32, #tpu.memory_space<hbm>>
    %dma_wait3A_9 = arith.constant 0 : i32
    %dma_wait3A_10 = tpu.memref_slice %arg5[%mul3A_2, %dma_wait3A_9] : memref<204800x128xf32, #tpu.memory_space<hbm>> -> memref<128x128xf32, #tpu.memory_space<hbm>>
    tpu.wait_dma2 semaphore(%arg14 : memref<!tpu.dma_semaphore, #tpu.memory_space<semaphore_mem>>) src(%arg8 : memref<128x128xf32, #tpu.memory_space<vmem>>) dst(%dma_wait3A_10 : memref<128x128xf32, #tpu.memory_space<hbm>>)
    %dma_wait3A_11 = arith.constant 0 : i32
    %dma_wait3A_12 = tpu.memref_slice %arg6[%mul3A_2, %dma_wait3A_11] : memref<204800x128xf32, #tpu.memory_space<hbm>> -> memref<128x64xf32, #tpu.memory_space<hbm>>
    %dma_wait3A_13 = arith.constant 0 : i32
    %dma_wait3A_14 = tpu.memref_slice %arg6[%mul3A_2, %dma_wait3A_13] : memref<204800x128xf32, #tpu.memory_space<hbm>> -> memref<128x64xf32, #tpu.memory_space<hbm>>
    tpu.wait_dma2 semaphore(%arg14 : memref<!tpu.dma_semaphore, #tpu.memory_space<semaphore_mem>>) src(%arg9 : memref<128x64xf32, #tpu.memory_space<vmem>>) dst(%dma_wait3A_14 : memref<128x64xf32, #tpu.memory_space<hbm>>)
    %dma_wait3A_15 = arith.constant 0 : i32
    %dma_wait3A_16 = tpu.memref_slice %arg5[%mul3A_2, %dma_wait3A_15] : memref<204800x128xf32, #tpu.memory_space<hbm>> -> memref<128x128xf32, #tpu.memory_space<hbm>>
    %dma_wait3A_17 = arith.constant 0 : i32
    %dma_wait3A_18 = tpu.memref_slice %arg5[%mul3A_2, %dma_wait3A_17] : memref<204800x128xf32, #tpu.memory_space<hbm>> -> memref<128x128xf32, #tpu.memory_space<hbm>>
    tpu.wait_dma2 semaphore(%arg16 : memref<!tpu.dma_semaphore, #tpu.memory_space<semaphore_mem>>) src(%arg11 : memref<128x128xf32, #tpu.memory_space<vmem>>) dst(%dma_wait3A_18 : memref<128x128xf32, #tpu.memory_space<hbm>>)
    %dma_wait3A_19 = arith.constant 0 : i32
    %dma_wait3A_20 = tpu.memref_slice %arg6[%mul3A_2, %dma_wait3A_19] : memref<204800x128xf32, #tpu.memory_space<hbm>> -> memref<128x64xf32, #tpu.memory_space<hbm>>
    %dma_wait3A_21 = arith.constant 0 : i32
    %dma_wait3A_22 = tpu.memref_slice %arg6[%mul3A_2, %dma_wait3A_21] : memref<204800x128xf32, #tpu.memory_space<hbm>> -> memref<128x64xf32, #tpu.memory_space<hbm>>
    tpu.wait_dma2 semaphore(%arg16 : memref<!tpu.dma_semaphore, #tpu.memory_space<semaphore_mem>>) src(%arg12 : memref<128x64xf32, #tpu.memory_space<vmem>>) dst(%dma_wait3A_22 : memref<128x64xf32, #tpu.memory_space<hbm>>)
    return
  }
}

module attributes {stable_mosaic.version = 14 : i64} {
  func.func @_tc_trig_body(%arg0: i32, %arg1: memref<2048x128xf32, #tpu.memory_space<vmem>>, %arg2: memref<2048x128xf32, #tpu.memory_space<vmem>>, %arg3: memref<2048x128xf32, #tpu.memory_space<vmem>>) attributes {dimension_semantics = [#tpu.dimension_semantics<arbitrary>], iteration_bounds = array<i64: 100>, scalar_prefetch = 0 : i64, scratch_operands = 0 : i64, tpu.core_type = #tpu.core_type<tc>, window_params = [{transform_indices = @transform_0, window_bounds = array<i64: 2048, 128>}, {transform_indices = @transform_1, window_bounds = array<i64: 2048, 128>}, {transform_indices = @transform_2, window_bounds = array<i64: 2048, 128>}]} {
    %mul3A = arith.constant 2048 : i32
    %mul3A_0 = arith.muli %arg0, %mul3A : i32
    %add3A = arith.constant 0 : i32
    %add3A_1 = arith.addi %mul3A_0, %add3A : i32
    %rem3A = arith.constant 200 : i32
    %rem3A_2 = arith.remsi %add3A_1, %rem3A : i32
    %iota3A = tpu.iota {dimensions = array<i32: 0>} : vector<1024x1xi32>
    %add3A_3 = vector.broadcast %rem3A_2 : i32 to vector<1024x1xi32>
    %add3A_4 = arith.addi %iota3A, %add3A_3 : vector<1024x1xi32>
    %mul3A_5 = arith.constant 5243 : i32
    %mul3A_6 = vector.broadcast %mul3A_5 : i32 to vector<1024x1xi32>
    %mul3A_7 = arith.muli %add3A_4, %mul3A_6 : vector<1024x1xi32>
    %shift_right_arithmetic3A = arith.constant 20 : i32
    %shift_right_arithmetic3A_8 = vector.broadcast %shift_right_arithmetic3A : i32 to vector<1024x1xi32>
    %shift_right_arithmetic3A_9 = arith.shrsi %mul3A_7, %shift_right_arithmetic3A_8 : vector<1024x1xi32>
    %mul3A_10 = arith.constant 200 : i32
    %mul3A_11 = vector.broadcast %mul3A_10 : i32 to vector<1024x1xi32>
    %mul3A_12 = arith.muli %shift_right_arithmetic3A_9, %mul3A_11 : vector<1024x1xi32>
    %sub3A = arith.subi %add3A_4, %mul3A_12 : vector<1024x1xi32>
    %add3A_13 = arith.constant 1 : i32
    %add3A_14 = vector.broadcast %add3A_13 : i32 to vector<1024x1xi32>
    %add3A_15 = arith.addi %sub3A, %add3A_14 : vector<1024x1xi32>
    %convert_element_type3A = arith.sitofp %add3A_15 : vector<1024x1xi32> to vector<1024x1xf32>
    %get3A = arith.constant 0 : index
    %get3A_16 = arith.constant 64 : index
    %get3A_17 = vector.load %arg1[%get3A, %get3A_16] : memref<2048x128xf32, #tpu.memory_space<vmem>>, vector<1024x64xf32>
    %mul3A_18 = vector.broadcast %convert_element_type3A : vector<1024x1xf32> to vector<1024x64xf32>
    %mul3A_19 = arith.mulf %mul3A_18, %get3A_17 : vector<1024x64xf32>
    %get3A_20 = arith.constant 0 : index
    %get3A_21 = arith.constant 0 : index
    %get3A_22 = vector.load %arg2[%get3A_20, %get3A_21] : memref<2048x128xf32, #tpu.memory_space<vmem>>, vector<1024x64xf32>
    %add3A_23 = arith.addf %mul3A_19, %get3A_22 : vector<1024x64xf32>
    %mul3A_24 = arith.constant 2048 : i32
    %mul3A_25 = arith.muli %arg0, %mul3A_24 : i32
    %add3A_26 = arith.constant 1024 : i32
    %add3A_27 = arith.addi %mul3A_25, %add3A_26 : i32
    %rem3A_28 = arith.constant 200 : i32
    %rem3A_29 = arith.remsi %add3A_27, %rem3A_28 : i32
    %iota3A_30 = tpu.iota {dimensions = array<i32: 0>} : vector<1024x1xi32>
    %add3A_31 = vector.broadcast %rem3A_29 : i32 to vector<1024x1xi32>
    %add3A_32 = arith.addi %iota3A_30, %add3A_31 : vector<1024x1xi32>
    %mul3A_33 = arith.constant 5243 : i32
    %mul3A_34 = vector.broadcast %mul3A_33 : i32 to vector<1024x1xi32>
    %mul3A_35 = arith.muli %add3A_32, %mul3A_34 : vector<1024x1xi32>
    %shift_right_arithmetic3A_36 = arith.constant 20 : i32
    %shift_right_arithmetic3A_37 = vector.broadcast %shift_right_arithmetic3A_36 : i32 to vector<1024x1xi32>
    %shift_right_arithmetic3A_38 = arith.shrsi %mul3A_35, %shift_right_arithmetic3A_37 : vector<1024x1xi32>
    %mul3A_39 = arith.constant 200 : i32
    %mul3A_40 = vector.broadcast %mul3A_39 : i32 to vector<1024x1xi32>
    %mul3A_41 = arith.muli %shift_right_arithmetic3A_38, %mul3A_40 : vector<1024x1xi32>
    %sub3A_42 = arith.subi %add3A_32, %mul3A_41 : vector<1024x1xi32>
    %add3A_43 = arith.constant 1 : i32
    %add3A_44 = vector.broadcast %add3A_43 : i32 to vector<1024x1xi32>
    %add3A_45 = arith.addi %sub3A_42, %add3A_44 : vector<1024x1xi32>
    %convert_element_type3A_46 = arith.sitofp %add3A_45 : vector<1024x1xi32> to vector<1024x1xf32>
    %get3A_47 = arith.constant 1024 : index
    %get3A_48 = arith.constant 64 : index
    %get3A_49 = vector.load %arg1[%get3A_47, %get3A_48] : memref<2048x128xf32, #tpu.memory_space<vmem>>, vector<1024x64xf32>
    %mul3A_50 = vector.broadcast %convert_element_type3A_46 : vector<1024x1xf32> to vector<1024x64xf32>
    %mul3A_51 = arith.mulf %mul3A_50, %get3A_49 : vector<1024x64xf32>
    %get3A_52 = arith.constant 1024 : index
    %get3A_53 = arith.constant 0 : index
    %get3A_54 = vector.load %arg2[%get3A_52, %get3A_53] : memref<2048x128xf32, #tpu.memory_space<vmem>>, vector<1024x64xf32>
    %add3A_55 = arith.addf %mul3A_51, %get3A_54 : vector<1024x64xf32>
    %concatenate3A = tpu.concatenate %add3A_23, %add3A_55 in 1 : vector<1024x64xf32>, vector<1024x64xf32> -> vector<1024x128xf32>
    %mul3A_56 = arith.constant 0.636619746 : f32
    %mul3A_57 = vector.broadcast %mul3A_56 : f32 to vector<1024x128xf32>
    %mul3A_58 = arith.mulf %concatenate3A, %mul3A_57 : vector<1024x128xf32>
    %add3A_59 = arith.constant 0x4B400000 : f32
    %add3A_60 = vector.broadcast %add3A_59 : f32 to vector<1024x128xf32>
    %add3A_61 = arith.addf %mul3A_58, %add3A_60 : vector<1024x128xf32>
    %sub3A_62 = arith.constant 0x4B400000 : f32
    %sub3A_63 = vector.broadcast %sub3A_62 : f32 to vector<1024x128xf32>
    %sub3A_64 = arith.subf %add3A_61, %sub3A_63 : vector<1024x128xf32>
    %mul3A_65 = arith.constant 1.57080078 : f32
    %mul3A_66 = vector.broadcast %mul3A_65 : f32 to vector<1024x128xf32>
    %mul3A_67 = arith.mulf %sub3A_64, %mul3A_66 : vector<1024x128xf32>
    %sub3A_68 = arith.subf %concatenate3A, %mul3A_67 : vector<1024x128xf32>
    %mul3A_69 = arith.constant -4.45445494E-6 : f32
    %mul3A_70 = vector.broadcast %mul3A_69 : f32 to vector<1024x128xf32>
    %mul3A_71 = arith.mulf %sub3A_64, %mul3A_70 : vector<1024x128xf32>
    %sub3A_72 = arith.subf %sub3A_68, %mul3A_71 : vector<1024x128xf32>
    %mul3A_73 = arith.mulf %sub3A_72, %sub3A_72 : vector<1024x128xf32>
    %mul3A_74 = arith.mulf %sub3A_72, %mul3A_73 : vector<1024x128xf32>
    %mul3A_75 = arith.constant 0.00833216123 : f32
    %mul3A_76 = vector.broadcast %mul3A_75 : f32 to vector<1024x128xf32>
    %mul3A_77 = arith.mulf %mul3A_73, %mul3A_76 : vector<1024x128xf32>
    %add3A_78 = arith.constant -0.166666672 : f32
    %add3A_79 = vector.broadcast %add3A_78 : f32 to vector<1024x128xf32>
    %add3A_80 = arith.addf %add3A_79, %mul3A_77 : vector<1024x128xf32>
    %mul3A_81 = arith.mulf %mul3A_74, %add3A_80 : vector<1024x128xf32>
    %add3A_82 = arith.addf %sub3A_72, %mul3A_81 : vector<1024x128xf32>
    %mul3A_83 = arith.constant -0.00138890476 : f32
    %mul3A_84 = vector.broadcast %mul3A_83 : f32 to vector<1024x128xf32>
    %mul3A_85 = arith.mulf %mul3A_73, %mul3A_84 : vector<1024x128xf32>
    %add3A_86 = arith.constant 0.0416664183 : f32
    %add3A_87 = vector.broadcast %add3A_86 : f32 to vector<1024x128xf32>
    %add3A_88 = arith.addf %add3A_87, %mul3A_85 : vector<1024x128xf32>
    %mul3A_89 = arith.mulf %mul3A_73, %add3A_88 : vector<1024x128xf32>
    %add3A_90 = arith.constant -5.000000e-01 : f32
    %add3A_91 = vector.broadcast %add3A_90 : f32 to vector<1024x128xf32>
    %add3A_92 = arith.addf %add3A_91, %mul3A_89 : vector<1024x128xf32>
    %mul3A_93 = arith.mulf %mul3A_73, %add3A_92 : vector<1024x128xf32>
    %add3A_94 = arith.constant 1.000000e+00 : f32
    %add3A_95 = vector.broadcast %add3A_94 : f32 to vector<1024x128xf32>
    %add3A_96 = arith.addf %add3A_95, %mul3A_93 : vector<1024x128xf32>
    %bitcast_convert_type3A = tpu.bitcast %add3A_61 : vector<1024x128xf32> -> vector<1024x128xi32>
    %and3A = arith.constant 1 : i32
    %and3A_97 = vector.broadcast %and3A : i32 to vector<1024x128xi32>
    %and3A_98 = arith.andi %bitcast_convert_type3A, %and3A_97 : vector<1024x128xi32>
    %eq3A = arith.constant 1 : i32
    %eq3A_99 = vector.broadcast %eq3A : i32 to vector<1024x128xi32>
    %eq3A_100 = arith.cmpi eq, %and3A_98, %eq3A_99 : vector<1024x128xi32>
    %select_n3A = arith.select %eq3A_100, %add3A_96, %add3A_82 : vector<1024x128xi1>, vector<1024x128xf32>
    %select_n3A_101 = arith.select %eq3A_100, %add3A_82, %add3A_96 : vector<1024x128xi1>, vector<1024x128xf32>
    %and3A_102 = arith.constant 2 : i32
    %and3A_103 = vector.broadcast %and3A_102 : i32 to vector<1024x128xi32>
    %and3A_104 = arith.andi %bitcast_convert_type3A, %and3A_103 : vector<1024x128xi32>
    %shift_left3A = arith.constant 30 : i32
    %shift_left3A_105 = vector.broadcast %shift_left3A : i32 to vector<1024x128xi32>
    %shift_left3A_106 = arith.shli %and3A_104, %shift_left3A_105 : vector<1024x128xi32>
    %add3A_107 = arith.constant 1 : i32
    %add3A_108 = vector.broadcast %add3A_107 : i32 to vector<1024x128xi32>
    %add3A_109 = arith.addi %bitcast_convert_type3A, %add3A_108 : vector<1024x128xi32>
    %and3A_110 = arith.constant 2 : i32
    %and3A_111 = vector.broadcast %and3A_110 : i32 to vector<1024x128xi32>
    %and3A_112 = arith.andi %add3A_109, %and3A_111 : vector<1024x128xi32>
    %shift_left3A_113 = arith.constant 30 : i32
    %shift_left3A_114 = vector.broadcast %shift_left3A_113 : i32 to vector<1024x128xi32>
    %shift_left3A_115 = arith.shli %and3A_112, %shift_left3A_114 : vector<1024x128xi32>
    %bitcast_convert_type3A_116 = tpu.bitcast %select_n3A : vector<1024x128xf32> -> vector<1024x128xi32>
    %xor3A = arith.xori %bitcast_convert_type3A_116, %shift_left3A_106 : vector<1024x128xi32>
    %bitcast_convert_type3A_117 = tpu.bitcast %xor3A : vector<1024x128xi32> -> vector<1024x128xf32>
    %bitcast_convert_type3A_118 = tpu.bitcast %select_n3A_101 : vector<1024x128xf32> -> vector<1024x128xi32>
    %xor3A_119 = arith.xori %bitcast_convert_type3A_118, %shift_left3A_115 : vector<1024x128xi32>
    %bitcast_convert_type3A_120 = tpu.bitcast %xor3A_119 : vector<1024x128xi32> -> vector<1024x128xf32>
    %get3A_121 = arith.constant 0 : index
    %get3A_122 = arith.constant 0 : index
    %get3A_123 = vector.load %arg1[%get3A_121, %get3A_122] : memref<2048x128xf32, #tpu.memory_space<vmem>>, vector<1024x64xf32>
    %get3A_124 = arith.constant 1024 : index
    %get3A_125 = arith.constant 0 : index
    %get3A_126 = vector.load %arg1[%get3A_124, %get3A_125] : memref<2048x128xf32, #tpu.memory_space<vmem>>, vector<1024x64xf32>
    %slice3A = vector.extract_strided_slice %bitcast_convert_type3A_120 {offsets = [0, 0], sizes = [1024, 64], strides = [1, 1]} : vector<1024x128xf32> to vector<1024x64xf32>
    %mul3A_127 = arith.mulf %get3A_123, %slice3A : vector<1024x64xf32>
    %swap3A = arith.constant 0 : index
    %swap3A_128 = arith.constant 0 : index
    %swap3A_129 = vector.load %arg3[%swap3A, %swap3A_128] : memref<2048x128xf32, #tpu.memory_space<vmem>>, vector<1024x64xf32>
    tpu.vector_store %arg3[%swap3A, %swap3A_128], %mul3A_127 {strides = array<i32>} : memref<2048x128xf32, #tpu.memory_space<vmem>>, vector<1024x64xf32>,
    %slice3A_130 = vector.extract_strided_slice %bitcast_convert_type3A_117 {offsets = [0, 0], sizes = [1024, 64], strides = [1, 1]} : vector<1024x128xf32> to vector<1024x64xf32>
    %mul3A_131 = arith.mulf %get3A_123, %slice3A_130 : vector<1024x64xf32>
    %swap3A_132 = arith.constant 0 : index
    %swap3A_133 = arith.constant 64 : index
    %swap3A_134 = vector.load %arg3[%swap3A_132, %swap3A_133] : memref<2048x128xf32, #tpu.memory_space<vmem>>, vector<1024x64xf32>
    tpu.vector_store %arg3[%swap3A_132, %swap3A_133], %mul3A_131 {strides = array<i32>} : memref<2048x128xf32, #tpu.memory_space<vmem>>, vector<1024x64xf32>,
    %slice3A_135 = vector.extract_strided_slice %bitcast_convert_type3A_120 {offsets = [0, 64], sizes = [1024, 64], strides = [1, 1]} : vector<1024x128xf32> to vector<1024x64xf32>
    %mul3A_136 = arith.mulf %get3A_126, %slice3A_135 : vector<1024x64xf32>
    %swap3A_137 = arith.constant 1024 : index
    %swap3A_138 = arith.constant 0 : index
    %swap3A_139 = vector.load %arg3[%swap3A_137, %swap3A_138] : memref<2048x128xf32, #tpu.memory_space<vmem>>, vector<1024x64xf32>
    tpu.vector_store %arg3[%swap3A_137, %swap3A_138], %mul3A_136 {strides = array<i32>} : memref<2048x128xf32, #tpu.memory_space<vmem>>, vector<1024x64xf32>,
    %slice3A_140 = vector.extract_strided_slice %bitcast_convert_type3A_117 {offsets = [0, 64], sizes = [1024, 64], strides = [1, 1]} : vector<1024x128xf32> to vector<1024x64xf32>
    %mul3A_141 = arith.mulf %get3A_126, %slice3A_140 : vector<1024x64xf32>
    %swap3A_142 = arith.constant 1024 : index
    %swap3A_143 = arith.constant 64 : index
    %swap3A_144 = vector.load %arg3[%swap3A_142, %swap3A_143] : memref<2048x128xf32, #tpu.memory_space<vmem>>, vector<1024x64xf32>
    tpu.vector_store %arg3[%swap3A_142, %swap3A_143], %mul3A_141 {strides = array<i32>} : memref<2048x128xf32, #tpu.memory_space<vmem>>, vector<1024x64xf32>,
    return
  }
  func.func @transform_0(%arg0: i32) -> (i32, i32) {
    %c0_i32 = arith.constant 0 : i32
    %c0_i32_0 = arith.constant 0 : i32
    return %arg0, %c0_i32 : i32, i32
  }
  func.func @transform_1(%arg0: i32) -> (i32, i32) {
    %c0_i32 = arith.constant 0 : i32
    %c0_i32_0 = arith.constant 0 : i32
    return %arg0, %c0_i32 : i32, i32
  }
  func.func @transform_2(%arg0: i32) -> (i32, i32) {
    %c0_i32 = arith.constant 0 : i32
    %c0_i32_0 = arith.constant 0 : i32
    return %arg0, %c0_i32 : i32, i32
  }
}

module attributes {stable_mosaic.version = 14 : i64} {
  func.func @_tc_trig_body_alias(%arg0: i32, %arg1: memref<2048x128xf32, #tpu.memory_space<vmem>>, %arg2: memref<2048x128xf32, #tpu.memory_space<vmem>>, %arg3: memref<819200x128xf32, #tpu.memory_space<any>>, %arg4: memref<2048x128xf32, #tpu.memory_space<vmem>>) attributes {dimension_semantics = [#tpu.dimension_semantics<arbitrary>], iteration_bounds = array<i64: 100>, scalar_prefetch = 0 : i64, scratch_operands = 0 : i64, tpu.core_type = #tpu.core_type<tc>, window_params = [{transform_indices = @transform_0, window_bounds = array<i64: 2048, 128>}, {transform_indices = @transform_1, window_bounds = array<i64: 2048, 128>}, {}, {transform_indices = @transform_3, window_bounds = array<i64: 2048, 128>}]} {
    %mul3A = arith.constant 2048 : i32
    %mul3A_0 = arith.muli %arg0, %mul3A : i32
    %add3A = arith.constant 0 : i32
    %add3A_1 = arith.addi %mul3A_0, %add3A : i32
    %rem3A = arith.constant 200 : i32
    %rem3A_2 = arith.remsi %add3A_1, %rem3A : i32
    %iota3A = tpu.iota {dimensions = array<i32: 0>} : vector<1024x1xi32>
    %add3A_3 = vector.broadcast %rem3A_2 : i32 to vector<1024x1xi32>
    %add3A_4 = arith.addi %iota3A, %add3A_3 : vector<1024x1xi32>
    %mul3A_5 = arith.constant 5243 : i32
    %mul3A_6 = vector.broadcast %mul3A_5 : i32 to vector<1024x1xi32>
    %mul3A_7 = arith.muli %add3A_4, %mul3A_6 : vector<1024x1xi32>
    %shift_right_arithmetic3A = arith.constant 20 : i32
    %shift_right_arithmetic3A_8 = vector.broadcast %shift_right_arithmetic3A : i32 to vector<1024x1xi32>
    %shift_right_arithmetic3A_9 = arith.shrsi %mul3A_7, %shift_right_arithmetic3A_8 : vector<1024x1xi32>
    %mul3A_10 = arith.constant 200 : i32
    %mul3A_11 = vector.broadcast %mul3A_10 : i32 to vector<1024x1xi32>
    %mul3A_12 = arith.muli %shift_right_arithmetic3A_9, %mul3A_11 : vector<1024x1xi32>
    %sub3A = arith.subi %add3A_4, %mul3A_12 : vector<1024x1xi32>
    %add3A_13 = arith.constant 1 : i32
    %add3A_14 = vector.broadcast %add3A_13 : i32 to vector<1024x1xi32>
    %add3A_15 = arith.addi %sub3A, %add3A_14 : vector<1024x1xi32>
    %convert_element_type3A = arith.sitofp %add3A_15 : vector<1024x1xi32> to vector<1024x1xf32>
    %get3A = arith.constant 0 : index
    %get3A_16 = arith.constant 64 : index
    %get3A_17 = vector.load %arg1[%get3A, %get3A_16] : memref<2048x128xf32, #tpu.memory_space<vmem>>, vector<1024x64xf32>
    %mul3A_18 = vector.broadcast %convert_element_type3A : vector<1024x1xf32> to vector<1024x64xf32>
    %mul3A_19 = arith.mulf %mul3A_18, %get3A_17 : vector<1024x64xf32>
    %get3A_20 = arith.constant 0 : index
    %get3A_21 = arith.constant 0 : index
    %get3A_22 = vector.load %arg2[%get3A_20, %get3A_21] : memref<2048x128xf32, #tpu.memory_space<vmem>>, vector<1024x64xf32>
    %add3A_23 = arith.addf %mul3A_19, %get3A_22 : vector<1024x64xf32>
    %mul3A_24 = arith.constant 2048 : i32
    %mul3A_25 = arith.muli %arg0, %mul3A_24 : i32
    %add3A_26 = arith.constant 1024 : i32
    %add3A_27 = arith.addi %mul3A_25, %add3A_26 : i32
    %rem3A_28 = arith.constant 200 : i32
    %rem3A_29 = arith.remsi %add3A_27, %rem3A_28 : i32
    %iota3A_30 = tpu.iota {dimensions = array<i32: 0>} : vector<1024x1xi32>
    %add3A_31 = vector.broadcast %rem3A_29 : i32 to vector<1024x1xi32>
    %add3A_32 = arith.addi %iota3A_30, %add3A_31 : vector<1024x1xi32>
    %mul3A_33 = arith.constant 5243 : i32
    %mul3A_34 = vector.broadcast %mul3A_33 : i32 to vector<1024x1xi32>
    %mul3A_35 = arith.muli %add3A_32, %mul3A_34 : vector<1024x1xi32>
    %shift_right_arithmetic3A_36 = arith.constant 20 : i32
    %shift_right_arithmetic3A_37 = vector.broadcast %shift_right_arithmetic3A_36 : i32 to vector<1024x1xi32>
    %shift_right_arithmetic3A_38 = arith.shrsi %mul3A_35, %shift_right_arithmetic3A_37 : vector<1024x1xi32>
    %mul3A_39 = arith.constant 200 : i32
    %mul3A_40 = vector.broadcast %mul3A_39 : i32 to vector<1024x1xi32>
    %mul3A_41 = arith.muli %shift_right_arithmetic3A_38, %mul3A_40 : vector<1024x1xi32>
    %sub3A_42 = arith.subi %add3A_32, %mul3A_41 : vector<1024x1xi32>
    %add3A_43 = arith.constant 1 : i32
    %add3A_44 = vector.broadcast %add3A_43 : i32 to vector<1024x1xi32>
    %add3A_45 = arith.addi %sub3A_42, %add3A_44 : vector<1024x1xi32>
    %convert_element_type3A_46 = arith.sitofp %add3A_45 : vector<1024x1xi32> to vector<1024x1xf32>
    %get3A_47 = arith.constant 1024 : index
    %get3A_48 = arith.constant 64 : index
    %get3A_49 = vector.load %arg1[%get3A_47, %get3A_48] : memref<2048x128xf32, #tpu.memory_space<vmem>>, vector<1024x64xf32>
    %mul3A_50 = vector.broadcast %convert_element_type3A_46 : vector<1024x1xf32> to vector<1024x64xf32>
    %mul3A_51 = arith.mulf %mul3A_50, %get3A_49 : vector<1024x64xf32>
    %get3A_52 = arith.constant 1024 : index
    %get3A_53 = arith.constant 0 : index
    %get3A_54 = vector.load %arg2[%get3A_52, %get3A_53] : memref<2048x128xf32, #tpu.memory_space<vmem>>, vector<1024x64xf32>
    %add3A_55 = arith.addf %mul3A_51, %get3A_54 : vector<1024x64xf32>
    %concatenate3A = tpu.concatenate %add3A_23, %add3A_55 in 1 : vector<1024x64xf32>, vector<1024x64xf32> -> vector<1024x128xf32>
    %mul3A_56 = arith.constant 0.636619746 : f32
    %mul3A_57 = vector.broadcast %mul3A_56 : f32 to vector<1024x128xf32>
    %mul3A_58 = arith.mulf %concatenate3A, %mul3A_57 : vector<1024x128xf32>
    %add3A_59 = arith.constant 0x4B400000 : f32
    %add3A_60 = vector.broadcast %add3A_59 : f32 to vector<1024x128xf32>
    %add3A_61 = arith.addf %mul3A_58, %add3A_60 : vector<1024x128xf32>
    %sub3A_62 = arith.constant 0x4B400000 : f32
    %sub3A_63 = vector.broadcast %sub3A_62 : f32 to vector<1024x128xf32>
    %sub3A_64 = arith.subf %add3A_61, %sub3A_63 : vector<1024x128xf32>
    %mul3A_65 = arith.constant 1.57080078 : f32
    %mul3A_66 = vector.broadcast %mul3A_65 : f32 to vector<1024x128xf32>
    %mul3A_67 = arith.mulf %sub3A_64, %mul3A_66 : vector<1024x128xf32>
    %sub3A_68 = arith.subf %concatenate3A, %mul3A_67 : vector<1024x128xf32>
    %mul3A_69 = arith.constant -4.45445494E-6 : f32
    %mul3A_70 = vector.broadcast %mul3A_69 : f32 to vector<1024x128xf32>
    %mul3A_71 = arith.mulf %sub3A_64, %mul3A_70 : vector<1024x128xf32>
    %sub3A_72 = arith.subf %sub3A_68, %mul3A_71 : vector<1024x128xf32>
    %mul3A_73 = arith.mulf %sub3A_72, %sub3A_72 : vector<1024x128xf32>
    %mul3A_74 = arith.mulf %sub3A_72, %mul3A_73 : vector<1024x128xf32>
    %mul3A_75 = arith.constant 0.00833216123 : f32
    %mul3A_76 = vector.broadcast %mul3A_75 : f32 to vector<1024x128xf32>
    %mul3A_77 = arith.mulf %mul3A_73, %mul3A_76 : vector<1024x128xf32>
    %add3A_78 = arith.constant -0.166666672 : f32
    %add3A_79 = vector.broadcast %add3A_78 : f32 to vector<1024x128xf32>
    %add3A_80 = arith.addf %add3A_79, %mul3A_77 : vector<1024x128xf32>
    %mul3A_81 = arith.mulf %mul3A_74, %add3A_80 : vector<1024x128xf32>
    %add3A_82 = arith.addf %sub3A_72, %mul3A_81 : vector<1024x128xf32>
    %mul3A_83 = arith.constant -0.00138890476 : f32
    %mul3A_84 = vector.broadcast %mul3A_83 : f32 to vector<1024x128xf32>
    %mul3A_85 = arith.mulf %mul3A_73, %mul3A_84 : vector<1024x128xf32>
    %add3A_86 = arith.constant 0.0416664183 : f32
    %add3A_87 = vector.broadcast %add3A_86 : f32 to vector<1024x128xf32>
    %add3A_88 = arith.addf %add3A_87, %mul3A_85 : vector<1024x128xf32>
    %mul3A_89 = arith.mulf %mul3A_73, %add3A_88 : vector<1024x128xf32>
    %add3A_90 = arith.constant -5.000000e-01 : f32
    %add3A_91 = vector.broadcast %add3A_90 : f32 to vector<1024x128xf32>
    %add3A_92 = arith.addf %add3A_91, %mul3A_89 : vector<1024x128xf32>
    %mul3A_93 = arith.mulf %mul3A_73, %add3A_92 : vector<1024x128xf32>
    %add3A_94 = arith.constant 1.000000e+00 : f32
    %add3A_95 = vector.broadcast %add3A_94 : f32 to vector<1024x128xf32>
    %add3A_96 = arith.addf %add3A_95, %mul3A_93 : vector<1024x128xf32>
    %bitcast_convert_type3A = tpu.bitcast %add3A_61 : vector<1024x128xf32> -> vector<1024x128xi32>
    %and3A = arith.constant 1 : i32
    %and3A_97 = vector.broadcast %and3A : i32 to vector<1024x128xi32>
    %and3A_98 = arith.andi %bitcast_convert_type3A, %and3A_97 : vector<1024x128xi32>
    %eq3A = arith.constant 1 : i32
    %eq3A_99 = vector.broadcast %eq3A : i32 to vector<1024x128xi32>
    %eq3A_100 = arith.cmpi eq, %and3A_98, %eq3A_99 : vector<1024x128xi32>
    %select_n3A = arith.select %eq3A_100, %add3A_96, %add3A_82 : vector<1024x128xi1>, vector<1024x128xf32>
    %select_n3A_101 = arith.select %eq3A_100, %add3A_82, %add3A_96 : vector<1024x128xi1>, vector<1024x128xf32>
    %and3A_102 = arith.constant 2 : i32
    %and3A_103 = vector.broadcast %and3A_102 : i32 to vector<1024x128xi32>
    %and3A_104 = arith.andi %bitcast_convert_type3A, %and3A_103 : vector<1024x128xi32>
    %shift_left3A = arith.constant 30 : i32
    %shift_left3A_105 = vector.broadcast %shift_left3A : i32 to vector<1024x128xi32>
    %shift_left3A_106 = arith.shli %and3A_104, %shift_left3A_105 : vector<1024x128xi32>
    %add3A_107 = arith.constant 1 : i32
    %add3A_108 = vector.broadcast %add3A_107 : i32 to vector<1024x128xi32>
    %add3A_109 = arith.addi %bitcast_convert_type3A, %add3A_108 : vector<1024x128xi32>
    %and3A_110 = arith.constant 2 : i32
    %and3A_111 = vector.broadcast %and3A_110 : i32 to vector<1024x128xi32>
    %and3A_112 = arith.andi %add3A_109, %and3A_111 : vector<1024x128xi32>
    %shift_left3A_113 = arith.constant 30 : i32
    %shift_left3A_114 = vector.broadcast %shift_left3A_113 : i32 to vector<1024x128xi32>
    %shift_left3A_115 = arith.shli %and3A_112, %shift_left3A_114 : vector<1024x128xi32>
    %bitcast_convert_type3A_116 = tpu.bitcast %select_n3A : vector<1024x128xf32> -> vector<1024x128xi32>
    %xor3A = arith.xori %bitcast_convert_type3A_116, %shift_left3A_106 : vector<1024x128xi32>
    %bitcast_convert_type3A_117 = tpu.bitcast %xor3A : vector<1024x128xi32> -> vector<1024x128xf32>
    %bitcast_convert_type3A_118 = tpu.bitcast %select_n3A_101 : vector<1024x128xf32> -> vector<1024x128xi32>
    %xor3A_119 = arith.xori %bitcast_convert_type3A_118, %shift_left3A_115 : vector<1024x128xi32>
    %bitcast_convert_type3A_120 = tpu.bitcast %xor3A_119 : vector<1024x128xi32> -> vector<1024x128xf32>
    %get3A_121 = arith.constant 0 : index
    %get3A_122 = arith.constant 0 : index
    %get3A_123 = vector.load %arg1[%get3A_121, %get3A_122] : memref<2048x128xf32, #tpu.memory_space<vmem>>, vector<1024x64xf32>
    %get3A_124 = arith.constant 1024 : index
    %get3A_125 = arith.constant 0 : index
    %get3A_126 = vector.load %arg1[%get3A_124, %get3A_125] : memref<2048x128xf32, #tpu.memory_space<vmem>>, vector<1024x64xf32>
    %slice3A = vector.extract_strided_slice %bitcast_convert_type3A_120 {offsets = [0, 0], sizes = [1024, 64], strides = [1, 1]} : vector<1024x128xf32> to vector<1024x64xf32>
    %mul3A_127 = arith.mulf %get3A_123, %slice3A : vector<1024x64xf32>
    %swap3A = arith.constant 0 : index
    %swap3A_128 = arith.constant 0 : index
    %swap3A_129 = vector.load %arg4[%swap3A, %swap3A_128] : memref<2048x128xf32, #tpu.memory_space<vmem>>, vector<1024x64xf32>
    tpu.vector_store %arg4[%swap3A, %swap3A_128], %mul3A_127 {strides = array<i32>} : memref<2048x128xf32, #tpu.memory_space<vmem>>, vector<1024x64xf32>,
    %slice3A_130 = vector.extract_strided_slice %bitcast_convert_type3A_117 {offsets = [0, 0], sizes = [1024, 64], strides = [1, 1]} : vector<1024x128xf32> to vector<1024x64xf32>
    %mul3A_131 = arith.mulf %get3A_123, %slice3A_130 : vector<1024x64xf32>
    %swap3A_132 = arith.constant 0 : index
    %swap3A_133 = arith.constant 64 : index
    %swap3A_134 = vector.load %arg4[%swap3A_132, %swap3A_133] : memref<2048x128xf32, #tpu.memory_space<vmem>>, vector<1024x64xf32>
    tpu.vector_store %arg4[%swap3A_132, %swap3A_133], %mul3A_131 {strides = array<i32>} : memref<2048x128xf32, #tpu.memory_space<vmem>>, vector<1024x64xf32>,
    %slice3A_135 = vector.extract_strided_slice %bitcast_convert_type3A_120 {offsets = [0, 64], sizes = [1024, 64], strides = [1, 1]} : vector<1024x128xf32> to vector<1024x64xf32>
    %mul3A_136 = arith.mulf %get3A_126, %slice3A_135 : vector<1024x64xf32>
    %swap3A_137 = arith.constant 1024 : index
    %swap3A_138 = arith.constant 0 : index
    %swap3A_139 = vector.load %arg4[%swap3A_137, %swap3A_138] : memref<2048x128xf32, #tpu.memory_space<vmem>>, vector<1024x64xf32>
    tpu.vector_store %arg4[%swap3A_137, %swap3A_138], %mul3A_136 {strides = array<i32>} : memref<2048x128xf32, #tpu.memory_space<vmem>>, vector<1024x64xf32>,
    %slice3A_140 = vector.extract_strided_slice %bitcast_convert_type3A_117 {offsets = [0, 64], sizes = [1024, 64], strides = [1, 1]} : vector<1024x128xf32> to vector<1024x64xf32>
    %mul3A_141 = arith.mulf %get3A_126, %slice3A_140 : vector<1024x64xf32>
    %swap3A_142 = arith.constant 1024 : index
    %swap3A_143 = arith.constant 64 : index
    %swap3A_144 = vector.load %arg4[%swap3A_142, %swap3A_143] : memref<2048x128xf32, #tpu.memory_space<vmem>>, vector<1024x64xf32>
    tpu.vector_store %arg4[%swap3A_142, %swap3A_143], %mul3A_141 {strides = array<i32>} : memref<2048x128xf32, #tpu.memory_space<vmem>>, vector<1024x64xf32>,
    return
  }
  func.func @transform_0(%arg0: i32) -> (i32, i32) {
    %c0_i32 = arith.constant 0 : i32
    %c0_i32_0 = arith.constant 0 : i32
    return %arg0, %c0_i32 : i32, i32
  }
  func.func @transform_1(%arg0: i32) -> (i32, i32) {
    %c0_i32 = arith.constant 0 : i32
    %c0_i32_0 = arith.constant 0 : i32
    return %arg0, %c0_i32 : i32, i32
  }
  func.func @transform_3(%arg0: i32) -> (i32, i32) {
    %add3A = arith.constant 100 : i32
    %add3A_0 = arith.addi %arg0, %add3A : i32
    %c0_i32 = arith.constant 0 : i32
    %c0_i32_1 = arith.constant 0 : i32
    return %add3A_0, %c0_i32 : i32, i32
  }
}

module attributes {stable_mosaic.version = 14 : i64} {
  func.func @_tc_trig_body_alias(%arg0: i32, %arg1: memref<2048x128xf32, #tpu.memory_space<vmem>>, %arg2: memref<2048x128xf32, #tpu.memory_space<vmem>>, %arg3: memref<819200x128xf32, #tpu.memory_space<any>>, %arg4: memref<2048x128xf32, #tpu.memory_space<vmem>>) attributes {dimension_semantics = [#tpu.dimension_semantics<arbitrary>], iteration_bounds = array<i64: 100>, scalar_prefetch = 0 : i64, scratch_operands = 0 : i64, tpu.core_type = #tpu.core_type<tc>, window_params = [{transform_indices = @transform_0, window_bounds = array<i64: 2048, 128>}, {transform_indices = @transform_1, window_bounds = array<i64: 2048, 128>}, {}, {transform_indices = @transform_3, window_bounds = array<i64: 2048, 128>}]} {
    %mul3A = arith.constant 2048 : i32
    %mul3A_0 = arith.muli %arg0, %mul3A : i32
    %add3A = arith.constant 0 : i32
    %add3A_1 = arith.addi %mul3A_0, %add3A : i32
    %rem3A = arith.constant 200 : i32
    %rem3A_2 = arith.remsi %add3A_1, %rem3A : i32
    %iota3A = tpu.iota {dimensions = array<i32: 0>} : vector<1024x1xi32>
    %add3A_3 = vector.broadcast %rem3A_2 : i32 to vector<1024x1xi32>
    %add3A_4 = arith.addi %iota3A, %add3A_3 : vector<1024x1xi32>
    %mul3A_5 = arith.constant 5243 : i32
    %mul3A_6 = vector.broadcast %mul3A_5 : i32 to vector<1024x1xi32>
    %mul3A_7 = arith.muli %add3A_4, %mul3A_6 : vector<1024x1xi32>
    %shift_right_arithmetic3A = arith.constant 20 : i32
    %shift_right_arithmetic3A_8 = vector.broadcast %shift_right_arithmetic3A : i32 to vector<1024x1xi32>
    %shift_right_arithmetic3A_9 = arith.shrsi %mul3A_7, %shift_right_arithmetic3A_8 : vector<1024x1xi32>
    %mul3A_10 = arith.constant 200 : i32
    %mul3A_11 = vector.broadcast %mul3A_10 : i32 to vector<1024x1xi32>
    %mul3A_12 = arith.muli %shift_right_arithmetic3A_9, %mul3A_11 : vector<1024x1xi32>
    %sub3A = arith.subi %add3A_4, %mul3A_12 : vector<1024x1xi32>
    %add3A_13 = arith.constant 1 : i32
    %add3A_14 = vector.broadcast %add3A_13 : i32 to vector<1024x1xi32>
    %add3A_15 = arith.addi %sub3A, %add3A_14 : vector<1024x1xi32>
    %convert_element_type3A = arith.sitofp %add3A_15 : vector<1024x1xi32> to vector<1024x1xf32>
    %get3A = arith.constant 0 : index
    %get3A_16 = arith.constant 64 : index
    %get3A_17 = vector.load %arg1[%get3A, %get3A_16] : memref<2048x128xf32, #tpu.memory_space<vmem>>, vector<1024x64xf32>
    %mul3A_18 = vector.broadcast %convert_element_type3A : vector<1024x1xf32> to vector<1024x64xf32>
    %mul3A_19 = arith.mulf %mul3A_18, %get3A_17 : vector<1024x64xf32>
    %get3A_20 = arith.constant 0 : index
    %get3A_21 = arith.constant 0 : index
    %get3A_22 = vector.load %arg2[%get3A_20, %get3A_21] : memref<2048x128xf32, #tpu.memory_space<vmem>>, vector<1024x64xf32>
    %add3A_23 = arith.addf %mul3A_19, %get3A_22 : vector<1024x64xf32>
    %mul3A_24 = arith.constant 2048 : i32
    %mul3A_25 = arith.muli %arg0, %mul3A_24 : i32
    %add3A_26 = arith.constant 1024 : i32
    %add3A_27 = arith.addi %mul3A_25, %add3A_26 : i32
    %rem3A_28 = arith.constant 200 : i32
    %rem3A_29 = arith.remsi %add3A_27, %rem3A_28 : i32
    %iota3A_30 = tpu.iota {dimensions = array<i32: 0>} : vector<1024x1xi32>
    %add3A_31 = vector.broadcast %rem3A_29 : i32 to vector<1024x1xi32>
    %add3A_32 = arith.addi %iota3A_30, %add3A_31 : vector<1024x1xi32>
    %mul3A_33 = arith.constant 5243 : i32
    %mul3A_34 = vector.broadcast %mul3A_33 : i32 to vector<1024x1xi32>
    %mul3A_35 = arith.muli %add3A_32, %mul3A_34 : vector<1024x1xi32>
    %shift_right_arithmetic3A_36 = arith.constant 20 : i32
    %shift_right_arithmetic3A_37 = vector.broadcast %shift_right_arithmetic3A_36 : i32 to vector<1024x1xi32>
    %shift_right_arithmetic3A_38 = arith.shrsi %mul3A_35, %shift_right_arithmetic3A_37 : vector<1024x1xi32>
    %mul3A_39 = arith.constant 200 : i32
    %mul3A_40 = vector.broadcast %mul3A_39 : i32 to vector<1024x1xi32>
    %mul3A_41 = arith.muli %shift_right_arithmetic3A_38, %mul3A_40 : vector<1024x1xi32>
    %sub3A_42 = arith.subi %add3A_32, %mul3A_41 : vector<1024x1xi32>
    %add3A_43 = arith.constant 1 : i32
    %add3A_44 = vector.broadcast %add3A_43 : i32 to vector<1024x1xi32>
    %add3A_45 = arith.addi %sub3A_42, %add3A_44 : vector<1024x1xi32>
    %convert_element_type3A_46 = arith.sitofp %add3A_45 : vector<1024x1xi32> to vector<1024x1xf32>
    %get3A_47 = arith.constant 1024 : index
    %get3A_48 = arith.constant 64 : index
    %get3A_49 = vector.load %arg1[%get3A_47, %get3A_48] : memref<2048x128xf32, #tpu.memory_space<vmem>>, vector<1024x64xf32>
    %mul3A_50 = vector.broadcast %convert_element_type3A_46 : vector<1024x1xf32> to vector<1024x64xf32>
    %mul3A_51 = arith.mulf %mul3A_50, %get3A_49 : vector<1024x64xf32>
    %get3A_52 = arith.constant 1024 : index
    %get3A_53 = arith.constant 0 : index
    %get3A_54 = vector.load %arg2[%get3A_52, %get3A_53] : memref<2048x128xf32, #tpu.memory_space<vmem>>, vector<1024x64xf32>
    %add3A_55 = arith.addf %mul3A_51, %get3A_54 : vector<1024x64xf32>
    %concatenate3A = tpu.concatenate %add3A_23, %add3A_55 in 1 : vector<1024x64xf32>, vector<1024x64xf32> -> vector<1024x128xf32>
    %mul3A_56 = arith.constant 0.636619746 : f32
    %mul3A_57 = vector.broadcast %mul3A_56 : f32 to vector<1024x128xf32>
    %mul3A_58 = arith.mulf %concatenate3A, %mul3A_57 : vector<1024x128xf32>
    %add3A_59 = arith.constant 0x4B400000 : f32
    %add3A_60 = vector.broadcast %add3A_59 : f32 to vector<1024x128xf32>
    %add3A_61 = arith.addf %mul3A_58, %add3A_60 : vector<1024x128xf32>
    %sub3A_62 = arith.constant 0x4B400000 : f32
    %sub3A_63 = vector.broadcast %sub3A_62 : f32 to vector<1024x128xf32>
    %sub3A_64 = arith.subf %add3A_61, %sub3A_63 : vector<1024x128xf32>
    %mul3A_65 = arith.constant 1.57080078 : f32
    %mul3A_66 = vector.broadcast %mul3A_65 : f32 to vector<1024x128xf32>
    %mul3A_67 = arith.mulf %sub3A_64, %mul3A_66 : vector<1024x128xf32>
    %sub3A_68 = arith.subf %concatenate3A, %mul3A_67 : vector<1024x128xf32>
    %mul3A_69 = arith.constant -4.45445494E-6 : f32
    %mul3A_70 = vector.broadcast %mul3A_69 : f32 to vector<1024x128xf32>
    %mul3A_71 = arith.mulf %sub3A_64, %mul3A_70 : vector<1024x128xf32>
    %sub3A_72 = arith.subf %sub3A_68, %mul3A_71 : vector<1024x128xf32>
    %mul3A_73 = arith.mulf %sub3A_72, %sub3A_72 : vector<1024x128xf32>
    %mul3A_74 = arith.mulf %sub3A_72, %mul3A_73 : vector<1024x128xf32>
    %mul3A_75 = arith.constant 0.00833216123 : f32
    %mul3A_76 = vector.broadcast %mul3A_75 : f32 to vector<1024x128xf32>
    %mul3A_77 = arith.mulf %mul3A_73, %mul3A_76 : vector<1024x128xf32>
    %add3A_78 = arith.constant -0.166666672 : f32
    %add3A_79 = vector.broadcast %add3A_78 : f32 to vector<1024x128xf32>
    %add3A_80 = arith.addf %add3A_79, %mul3A_77 : vector<1024x128xf32>
    %mul3A_81 = arith.mulf %mul3A_74, %add3A_80 : vector<1024x128xf32>
    %add3A_82 = arith.addf %sub3A_72, %mul3A_81 : vector<1024x128xf32>
    %mul3A_83 = arith.constant -0.00138890476 : f32
    %mul3A_84 = vector.broadcast %mul3A_83 : f32 to vector<1024x128xf32>
    %mul3A_85 = arith.mulf %mul3A_73, %mul3A_84 : vector<1024x128xf32>
    %add3A_86 = arith.constant 0.0416664183 : f32
    %add3A_87 = vector.broadcast %add3A_86 : f32 to vector<1024x128xf32>
    %add3A_88 = arith.addf %add3A_87, %mul3A_85 : vector<1024x128xf32>
    %mul3A_89 = arith.mulf %mul3A_73, %add3A_88 : vector<1024x128xf32>
    %add3A_90 = arith.constant -5.000000e-01 : f32
    %add3A_91 = vector.broadcast %add3A_90 : f32 to vector<1024x128xf32>
    %add3A_92 = arith.addf %add3A_91, %mul3A_89 : vector<1024x128xf32>
    %mul3A_93 = arith.mulf %mul3A_73, %add3A_92 : vector<1024x128xf32>
    %add3A_94 = arith.constant 1.000000e+00 : f32
    %add3A_95 = vector.broadcast %add3A_94 : f32 to vector<1024x128xf32>
    %add3A_96 = arith.addf %add3A_95, %mul3A_93 : vector<1024x128xf32>
    %bitcast_convert_type3A = tpu.bitcast %add3A_61 : vector<1024x128xf32> -> vector<1024x128xi32>
    %and3A = arith.constant 1 : i32
    %and3A_97 = vector.broadcast %and3A : i32 to vector<1024x128xi32>
    %and3A_98 = arith.andi %bitcast_convert_type3A, %and3A_97 : vector<1024x128xi32>
    %eq3A = arith.constant 1 : i32
    %eq3A_99 = vector.broadcast %eq3A : i32 to vector<1024x128xi32>
    %eq3A_100 = arith.cmpi eq, %and3A_98, %eq3A_99 : vector<1024x128xi32>
    %select_n3A = arith.select %eq3A_100, %add3A_96, %add3A_82 : vector<1024x128xi1>, vector<1024x128xf32>
    %select_n3A_101 = arith.select %eq3A_100, %add3A_82, %add3A_96 : vector<1024x128xi1>, vector<1024x128xf32>
    %and3A_102 = arith.constant 2 : i32
    %and3A_103 = vector.broadcast %and3A_102 : i32 to vector<1024x128xi32>
    %and3A_104 = arith.andi %bitcast_convert_type3A, %and3A_103 : vector<1024x128xi32>
    %shift_left3A = arith.constant 30 : i32
    %shift_left3A_105 = vector.broadcast %shift_left3A : i32 to vector<1024x128xi32>
    %shift_left3A_106 = arith.shli %and3A_104, %shift_left3A_105 : vector<1024x128xi32>
    %add3A_107 = arith.constant 1 : i32
    %add3A_108 = vector.broadcast %add3A_107 : i32 to vector<1024x128xi32>
    %add3A_109 = arith.addi %bitcast_convert_type3A, %add3A_108 : vector<1024x128xi32>
    %and3A_110 = arith.constant 2 : i32
    %and3A_111 = vector.broadcast %and3A_110 : i32 to vector<1024x128xi32>
    %and3A_112 = arith.andi %add3A_109, %and3A_111 : vector<1024x128xi32>
    %shift_left3A_113 = arith.constant 30 : i32
    %shift_left3A_114 = vector.broadcast %shift_left3A_113 : i32 to vector<1024x128xi32>
    %shift_left3A_115 = arith.shli %and3A_112, %shift_left3A_114 : vector<1024x128xi32>
    %bitcast_convert_type3A_116 = tpu.bitcast %select_n3A : vector<1024x128xf32> -> vector<1024x128xi32>
    %xor3A = arith.xori %bitcast_convert_type3A_116, %shift_left3A_106 : vector<1024x128xi32>
    %bitcast_convert_type3A_117 = tpu.bitcast %xor3A : vector<1024x128xi32> -> vector<1024x128xf32>
    %bitcast_convert_type3A_118 = tpu.bitcast %select_n3A_101 : vector<1024x128xf32> -> vector<1024x128xi32>
    %xor3A_119 = arith.xori %bitcast_convert_type3A_118, %shift_left3A_115 : vector<1024x128xi32>
    %bitcast_convert_type3A_120 = tpu.bitcast %xor3A_119 : vector<1024x128xi32> -> vector<1024x128xf32>
    %get3A_121 = arith.constant 0 : index
    %get3A_122 = arith.constant 0 : index
    %get3A_123 = vector.load %arg1[%get3A_121, %get3A_122] : memref<2048x128xf32, #tpu.memory_space<vmem>>, vector<1024x64xf32>
    %get3A_124 = arith.constant 1024 : index
    %get3A_125 = arith.constant 0 : index
    %get3A_126 = vector.load %arg1[%get3A_124, %get3A_125] : memref<2048x128xf32, #tpu.memory_space<vmem>>, vector<1024x64xf32>
    %slice3A = vector.extract_strided_slice %bitcast_convert_type3A_120 {offsets = [0, 0], sizes = [1024, 64], strides = [1, 1]} : vector<1024x128xf32> to vector<1024x64xf32>
    %mul3A_127 = arith.mulf %get3A_123, %slice3A : vector<1024x64xf32>
    %swap3A = arith.constant 0 : index
    %swap3A_128 = arith.constant 0 : index
    %swap3A_129 = vector.load %arg4[%swap3A, %swap3A_128] : memref<2048x128xf32, #tpu.memory_space<vmem>>, vector<1024x64xf32>
    tpu.vector_store %arg4[%swap3A, %swap3A_128], %mul3A_127 {strides = array<i32>} : memref<2048x128xf32, #tpu.memory_space<vmem>>, vector<1024x64xf32>,
    %slice3A_130 = vector.extract_strided_slice %bitcast_convert_type3A_117 {offsets = [0, 0], sizes = [1024, 64], strides = [1, 1]} : vector<1024x128xf32> to vector<1024x64xf32>
    %mul3A_131 = arith.mulf %get3A_123, %slice3A_130 : vector<1024x64xf32>
    %swap3A_132 = arith.constant 0 : index
    %swap3A_133 = arith.constant 64 : index
    %swap3A_134 = vector.load %arg4[%swap3A_132, %swap3A_133] : memref<2048x128xf32, #tpu.memory_space<vmem>>, vector<1024x64xf32>
    tpu.vector_store %arg4[%swap3A_132, %swap3A_133], %mul3A_131 {strides = array<i32>} : memref<2048x128xf32, #tpu.memory_space<vmem>>, vector<1024x64xf32>,
    %slice3A_135 = vector.extract_strided_slice %bitcast_convert_type3A_120 {offsets = [0, 64], sizes = [1024, 64], strides = [1, 1]} : vector<1024x128xf32> to vector<1024x64xf32>
    %mul3A_136 = arith.mulf %get3A_126, %slice3A_135 : vector<1024x64xf32>
    %swap3A_137 = arith.constant 1024 : index
    %swap3A_138 = arith.constant 0 : index
    %swap3A_139 = vector.load %arg4[%swap3A_137, %swap3A_138] : memref<2048x128xf32, #tpu.memory_space<vmem>>, vector<1024x64xf32>
    tpu.vector_store %arg4[%swap3A_137, %swap3A_138], %mul3A_136 {strides = array<i32>} : memref<2048x128xf32, #tpu.memory_space<vmem>>, vector<1024x64xf32>,
    %slice3A_140 = vector.extract_strided_slice %bitcast_convert_type3A_117 {offsets = [0, 64], sizes = [1024, 64], strides = [1, 1]} : vector<1024x128xf32> to vector<1024x64xf32>
    %mul3A_141 = arith.mulf %get3A_126, %slice3A_140 : vector<1024x64xf32>
    %swap3A_142 = arith.constant 1024 : index
    %swap3A_143 = arith.constant 64 : index
    %swap3A_144 = vector.load %arg4[%swap3A_142, %swap3A_143] : memref<2048x128xf32, #tpu.memory_space<vmem>>, vector<1024x64xf32>
    tpu.vector_store %arg4[%swap3A_142, %swap3A_143], %mul3A_141 {strides = array<i32>} : memref<2048x128xf32, #tpu.memory_space<vmem>>, vector<1024x64xf32>,
    return
  }
  func.func @transform_0(%arg0: i32) -> (i32, i32) {
    %c0_i32 = arith.constant 0 : i32
    %c0_i32_0 = arith.constant 0 : i32
    return %arg0, %c0_i32 : i32, i32
  }
  func.func @transform_1(%arg0: i32) -> (i32, i32) {
    %c0_i32 = arith.constant 0 : i32
    %c0_i32_0 = arith.constant 0 : i32
    return %arg0, %c0_i32 : i32, i32
  }
  func.func @transform_3(%arg0: i32) -> (i32, i32) {
    %add3A = arith.constant 200 : i32
    %add3A_0 = arith.addi %arg0, %add3A : i32
    %c0_i32 = arith.constant 0 : i32
    %c0_i32_1 = arith.constant 0 : i32
    return %add3A_0, %c0_i32 : i32, i32
  }
}

module attributes {stable_mosaic.version = 14 : i64} {
  func.func @_tc_trig_body_alias(%arg0: i32, %arg1: memref<2048x128xf32, #tpu.memory_space<vmem>>, %arg2: memref<2048x128xf32, #tpu.memory_space<vmem>>, %arg3: memref<819200x128xf32, #tpu.memory_space<any>>, %arg4: memref<2048x128xf32, #tpu.memory_space<vmem>>) attributes {dimension_semantics = [#tpu.dimension_semantics<arbitrary>], iteration_bounds = array<i64: 100>, scalar_prefetch = 0 : i64, scratch_operands = 0 : i64, tpu.core_type = #tpu.core_type<tc>, window_params = [{transform_indices = @transform_0, window_bounds = array<i64: 2048, 128>}, {transform_indices = @transform_1, window_bounds = array<i64: 2048, 128>}, {}, {transform_indices = @transform_3, window_bounds = array<i64: 2048, 128>}]} {
    %mul3A = arith.constant 2048 : i32
    %mul3A_0 = arith.muli %arg0, %mul3A : i32
    %add3A = arith.constant 0 : i32
    %add3A_1 = arith.addi %mul3A_0, %add3A : i32
    %rem3A = arith.constant 200 : i32
    %rem3A_2 = arith.remsi %add3A_1, %rem3A : i32
    %iota3A = tpu.iota {dimensions = array<i32: 0>} : vector<1024x1xi32>
    %add3A_3 = vector.broadcast %rem3A_2 : i32 to vector<1024x1xi32>
    %add3A_4 = arith.addi %iota3A, %add3A_3 : vector<1024x1xi32>
    %mul3A_5 = arith.constant 5243 : i32
    %mul3A_6 = vector.broadcast %mul3A_5 : i32 to vector<1024x1xi32>
    %mul3A_7 = arith.muli %add3A_4, %mul3A_6 : vector<1024x1xi32>
    %shift_right_arithmetic3A = arith.constant 20 : i32
    %shift_right_arithmetic3A_8 = vector.broadcast %shift_right_arithmetic3A : i32 to vector<1024x1xi32>
    %shift_right_arithmetic3A_9 = arith.shrsi %mul3A_7, %shift_right_arithmetic3A_8 : vector<1024x1xi32>
    %mul3A_10 = arith.constant 200 : i32
    %mul3A_11 = vector.broadcast %mul3A_10 : i32 to vector<1024x1xi32>
    %mul3A_12 = arith.muli %shift_right_arithmetic3A_9, %mul3A_11 : vector<1024x1xi32>
    %sub3A = arith.subi %add3A_4, %mul3A_12 : vector<1024x1xi32>
    %add3A_13 = arith.constant 1 : i32
    %add3A_14 = vector.broadcast %add3A_13 : i32 to vector<1024x1xi32>
    %add3A_15 = arith.addi %sub3A, %add3A_14 : vector<1024x1xi32>
    %convert_element_type3A = arith.sitofp %add3A_15 : vector<1024x1xi32> to vector<1024x1xf32>
    %get3A = arith.constant 0 : index
    %get3A_16 = arith.constant 64 : index
    %get3A_17 = vector.load %arg1[%get3A, %get3A_16] : memref<2048x128xf32, #tpu.memory_space<vmem>>, vector<1024x64xf32>
    %mul3A_18 = vector.broadcast %convert_element_type3A : vector<1024x1xf32> to vector<1024x64xf32>
    %mul3A_19 = arith.mulf %mul3A_18, %get3A_17 : vector<1024x64xf32>
    %get3A_20 = arith.constant 0 : index
    %get3A_21 = arith.constant 0 : index
    %get3A_22 = vector.load %arg2[%get3A_20, %get3A_21] : memref<2048x128xf32, #tpu.memory_space<vmem>>, vector<1024x64xf32>
    %add3A_23 = arith.addf %mul3A_19, %get3A_22 : vector<1024x64xf32>
    %mul3A_24 = arith.constant 2048 : i32
    %mul3A_25 = arith.muli %arg0, %mul3A_24 : i32
    %add3A_26 = arith.constant 1024 : i32
    %add3A_27 = arith.addi %mul3A_25, %add3A_26 : i32
    %rem3A_28 = arith.constant 200 : i32
    %rem3A_29 = arith.remsi %add3A_27, %rem3A_28 : i32
    %iota3A_30 = tpu.iota {dimensions = array<i32: 0>} : vector<1024x1xi32>
    %add3A_31 = vector.broadcast %rem3A_29 : i32 to vector<1024x1xi32>
    %add3A_32 = arith.addi %iota3A_30, %add3A_31 : vector<1024x1xi32>
    %mul3A_33 = arith.constant 5243 : i32
    %mul3A_34 = vector.broadcast %mul3A_33 : i32 to vector<1024x1xi32>
    %mul3A_35 = arith.muli %add3A_32, %mul3A_34 : vector<1024x1xi32>
    %shift_right_arithmetic3A_36 = arith.constant 20 : i32
    %shift_right_arithmetic3A_37 = vector.broadcast %shift_right_arithmetic3A_36 : i32 to vector<1024x1xi32>
    %shift_right_arithmetic3A_38 = arith.shrsi %mul3A_35, %shift_right_arithmetic3A_37 : vector<1024x1xi32>
    %mul3A_39 = arith.constant 200 : i32
    %mul3A_40 = vector.broadcast %mul3A_39 : i32 to vector<1024x1xi32>
    %mul3A_41 = arith.muli %shift_right_arithmetic3A_38, %mul3A_40 : vector<1024x1xi32>
    %sub3A_42 = arith.subi %add3A_32, %mul3A_41 : vector<1024x1xi32>
    %add3A_43 = arith.constant 1 : i32
    %add3A_44 = vector.broadcast %add3A_43 : i32 to vector<1024x1xi32>
    %add3A_45 = arith.addi %sub3A_42, %add3A_44 : vector<1024x1xi32>
    %convert_element_type3A_46 = arith.sitofp %add3A_45 : vector<1024x1xi32> to vector<1024x1xf32>
    %get3A_47 = arith.constant 1024 : index
    %get3A_48 = arith.constant 64 : index
    %get3A_49 = vector.load %arg1[%get3A_47, %get3A_48] : memref<2048x128xf32, #tpu.memory_space<vmem>>, vector<1024x64xf32>
    %mul3A_50 = vector.broadcast %convert_element_type3A_46 : vector<1024x1xf32> to vector<1024x64xf32>
    %mul3A_51 = arith.mulf %mul3A_50, %get3A_49 : vector<1024x64xf32>
    %get3A_52 = arith.constant 1024 : index
    %get3A_53 = arith.constant 0 : index
    %get3A_54 = vector.load %arg2[%get3A_52, %get3A_53] : memref<2048x128xf32, #tpu.memory_space<vmem>>, vector<1024x64xf32>
    %add3A_55 = arith.addf %mul3A_51, %get3A_54 : vector<1024x64xf32>
    %concatenate3A = tpu.concatenate %add3A_23, %add3A_55 in 1 : vector<1024x64xf32>, vector<1024x64xf32> -> vector<1024x128xf32>
    %mul3A_56 = arith.constant 0.636619746 : f32
    %mul3A_57 = vector.broadcast %mul3A_56 : f32 to vector<1024x128xf32>
    %mul3A_58 = arith.mulf %concatenate3A, %mul3A_57 : vector<1024x128xf32>
    %add3A_59 = arith.constant 0x4B400000 : f32
    %add3A_60 = vector.broadcast %add3A_59 : f32 to vector<1024x128xf32>
    %add3A_61 = arith.addf %mul3A_58, %add3A_60 : vector<1024x128xf32>
    %sub3A_62 = arith.constant 0x4B400000 : f32
    %sub3A_63 = vector.broadcast %sub3A_62 : f32 to vector<1024x128xf32>
    %sub3A_64 = arith.subf %add3A_61, %sub3A_63 : vector<1024x128xf32>
    %mul3A_65 = arith.constant 1.57080078 : f32
    %mul3A_66 = vector.broadcast %mul3A_65 : f32 to vector<1024x128xf32>
    %mul3A_67 = arith.mulf %sub3A_64, %mul3A_66 : vector<1024x128xf32>
    %sub3A_68 = arith.subf %concatenate3A, %mul3A_67 : vector<1024x128xf32>
    %mul3A_69 = arith.constant -4.45445494E-6 : f32
    %mul3A_70 = vector.broadcast %mul3A_69 : f32 to vector<1024x128xf32>
    %mul3A_71 = arith.mulf %sub3A_64, %mul3A_70 : vector<1024x128xf32>
    %sub3A_72 = arith.subf %sub3A_68, %mul3A_71 : vector<1024x128xf32>
    %mul3A_73 = arith.mulf %sub3A_72, %sub3A_72 : vector<1024x128xf32>
    %mul3A_74 = arith.mulf %sub3A_72, %mul3A_73 : vector<1024x128xf32>
    %mul3A_75 = arith.constant 0.00833216123 : f32
    %mul3A_76 = vector.broadcast %mul3A_75 : f32 to vector<1024x128xf32>
    %mul3A_77 = arith.mulf %mul3A_73, %mul3A_76 : vector<1024x128xf32>
    %add3A_78 = arith.constant -0.166666672 : f32
    %add3A_79 = vector.broadcast %add3A_78 : f32 to vector<1024x128xf32>
    %add3A_80 = arith.addf %add3A_79, %mul3A_77 : vector<1024x128xf32>
    %mul3A_81 = arith.mulf %mul3A_74, %add3A_80 : vector<1024x128xf32>
    %add3A_82 = arith.addf %sub3A_72, %mul3A_81 : vector<1024x128xf32>
    %mul3A_83 = arith.constant -0.00138890476 : f32
    %mul3A_84 = vector.broadcast %mul3A_83 : f32 to vector<1024x128xf32>
    %mul3A_85 = arith.mulf %mul3A_73, %mul3A_84 : vector<1024x128xf32>
    %add3A_86 = arith.constant 0.0416664183 : f32
    %add3A_87 = vector.broadcast %add3A_86 : f32 to vector<1024x128xf32>
    %add3A_88 = arith.addf %add3A_87, %mul3A_85 : vector<1024x128xf32>
    %mul3A_89 = arith.mulf %mul3A_73, %add3A_88 : vector<1024x128xf32>
    %add3A_90 = arith.constant -5.000000e-01 : f32
    %add3A_91 = vector.broadcast %add3A_90 : f32 to vector<1024x128xf32>
    %add3A_92 = arith.addf %add3A_91, %mul3A_89 : vector<1024x128xf32>
    %mul3A_93 = arith.mulf %mul3A_73, %add3A_92 : vector<1024x128xf32>
    %add3A_94 = arith.constant 1.000000e+00 : f32
    %add3A_95 = vector.broadcast %add3A_94 : f32 to vector<1024x128xf32>
    %add3A_96 = arith.addf %add3A_95, %mul3A_93 : vector<1024x128xf32>
    %bitcast_convert_type3A = tpu.bitcast %add3A_61 : vector<1024x128xf32> -> vector<1024x128xi32>
    %and3A = arith.constant 1 : i32
    %and3A_97 = vector.broadcast %and3A : i32 to vector<1024x128xi32>
    %and3A_98 = arith.andi %bitcast_convert_type3A, %and3A_97 : vector<1024x128xi32>
    %eq3A = arith.constant 1 : i32
    %eq3A_99 = vector.broadcast %eq3A : i32 to vector<1024x128xi32>
    %eq3A_100 = arith.cmpi eq, %and3A_98, %eq3A_99 : vector<1024x128xi32>
    %select_n3A = arith.select %eq3A_100, %add3A_96, %add3A_82 : vector<1024x128xi1>, vector<1024x128xf32>
    %select_n3A_101 = arith.select %eq3A_100, %add3A_82, %add3A_96 : vector<1024x128xi1>, vector<1024x128xf32>
    %and3A_102 = arith.constant 2 : i32
    %and3A_103 = vector.broadcast %and3A_102 : i32 to vector<1024x128xi32>
    %and3A_104 = arith.andi %bitcast_convert_type3A, %and3A_103 : vector<1024x128xi32>
    %shift_left3A = arith.constant 30 : i32
    %shift_left3A_105 = vector.broadcast %shift_left3A : i32 to vector<1024x128xi32>
    %shift_left3A_106 = arith.shli %and3A_104, %shift_left3A_105 : vector<1024x128xi32>
    %add3A_107 = arith.constant 1 : i32
    %add3A_108 = vector.broadcast %add3A_107 : i32 to vector<1024x128xi32>
    %add3A_109 = arith.addi %bitcast_convert_type3A, %add3A_108 : vector<1024x128xi32>
    %and3A_110 = arith.constant 2 : i32
    %and3A_111 = vector.broadcast %and3A_110 : i32 to vector<1024x128xi32>
    %and3A_112 = arith.andi %add3A_109, %and3A_111 : vector<1024x128xi32>
    %shift_left3A_113 = arith.constant 30 : i32
    %shift_left3A_114 = vector.broadcast %shift_left3A_113 : i32 to vector<1024x128xi32>
    %shift_left3A_115 = arith.shli %and3A_112, %shift_left3A_114 : vector<1024x128xi32>
    %bitcast_convert_type3A_116 = tpu.bitcast %select_n3A : vector<1024x128xf32> -> vector<1024x128xi32>
    %xor3A = arith.xori %bitcast_convert_type3A_116, %shift_left3A_106 : vector<1024x128xi32>
    %bitcast_convert_type3A_117 = tpu.bitcast %xor3A : vector<1024x128xi32> -> vector<1024x128xf32>
    %bitcast_convert_type3A_118 = tpu.bitcast %select_n3A_101 : vector<1024x128xf32> -> vector<1024x128xi32>
    %xor3A_119 = arith.xori %bitcast_convert_type3A_118, %shift_left3A_115 : vector<1024x128xi32>
    %bitcast_convert_type3A_120 = tpu.bitcast %xor3A_119 : vector<1024x128xi32> -> vector<1024x128xf32>
    %get3A_121 = arith.constant 0 : index
    %get3A_122 = arith.constant 0 : index
    %get3A_123 = vector.load %arg1[%get3A_121, %get3A_122] : memref<2048x128xf32, #tpu.memory_space<vmem>>, vector<1024x64xf32>
    %get3A_124 = arith.constant 1024 : index
    %get3A_125 = arith.constant 0 : index
    %get3A_126 = vector.load %arg1[%get3A_124, %get3A_125] : memref<2048x128xf32, #tpu.memory_space<vmem>>, vector<1024x64xf32>
    %slice3A = vector.extract_strided_slice %bitcast_convert_type3A_120 {offsets = [0, 0], sizes = [1024, 64], strides = [1, 1]} : vector<1024x128xf32> to vector<1024x64xf32>
    %mul3A_127 = arith.mulf %get3A_123, %slice3A : vector<1024x64xf32>
    %swap3A = arith.constant 0 : index
    %swap3A_128 = arith.constant 0 : index
    %swap3A_129 = vector.load %arg4[%swap3A, %swap3A_128] : memref<2048x128xf32, #tpu.memory_space<vmem>>, vector<1024x64xf32>
    tpu.vector_store %arg4[%swap3A, %swap3A_128], %mul3A_127 {strides = array<i32>} : memref<2048x128xf32, #tpu.memory_space<vmem>>, vector<1024x64xf32>,
    %slice3A_130 = vector.extract_strided_slice %bitcast_convert_type3A_117 {offsets = [0, 0], sizes = [1024, 64], strides = [1, 1]} : vector<1024x128xf32> to vector<1024x64xf32>
    %mul3A_131 = arith.mulf %get3A_123, %slice3A_130 : vector<1024x64xf32>
    %swap3A_132 = arith.constant 0 : index
    %swap3A_133 = arith.constant 64 : index
    %swap3A_134 = vector.load %arg4[%swap3A_132, %swap3A_133] : memref<2048x128xf32, #tpu.memory_space<vmem>>, vector<1024x64xf32>
    tpu.vector_store %arg4[%swap3A_132, %swap3A_133], %mul3A_131 {strides = array<i32>} : memref<2048x128xf32, #tpu.memory_space<vmem>>, vector<1024x64xf32>,
    %slice3A_135 = vector.extract_strided_slice %bitcast_convert_type3A_120 {offsets = [0, 64], sizes = [1024, 64], strides = [1, 1]} : vector<1024x128xf32> to vector<1024x64xf32>
    %mul3A_136 = arith.mulf %get3A_126, %slice3A_135 : vector<1024x64xf32>
    %swap3A_137 = arith.constant 1024 : index
    %swap3A_138 = arith.constant 0 : index
    %swap3A_139 = vector.load %arg4[%swap3A_137, %swap3A_138] : memref<2048x128xf32, #tpu.memory_space<vmem>>, vector<1024x64xf32>
    tpu.vector_store %arg4[%swap3A_137, %swap3A_138], %mul3A_136 {strides = array<i32>} : memref<2048x128xf32, #tpu.memory_space<vmem>>, vector<1024x64xf32>,
    %slice3A_140 = vector.extract_strided_slice %bitcast_convert_type3A_117 {offsets = [0, 64], sizes = [1024, 64], strides = [1, 1]} : vector<1024x128xf32> to vector<1024x64xf32>
    %mul3A_141 = arith.mulf %get3A_126, %slice3A_140 : vector<1024x64xf32>
    %swap3A_142 = arith.constant 1024 : index
    %swap3A_143 = arith.constant 64 : index
    %swap3A_144 = vector.load %arg4[%swap3A_142, %swap3A_143] : memref<2048x128xf32, #tpu.memory_space<vmem>>, vector<1024x64xf32>
    tpu.vector_store %arg4[%swap3A_142, %swap3A_143], %mul3A_141 {strides = array<i32>} : memref<2048x128xf32, #tpu.memory_space<vmem>>, vector<1024x64xf32>,
    return
  }
  func.func @transform_0(%arg0: i32) -> (i32, i32) {
    %c0_i32 = arith.constant 0 : i32
    %c0_i32_0 = arith.constant 0 : i32
    return %arg0, %c0_i32 : i32, i32
  }
  func.func @transform_1(%arg0: i32) -> (i32, i32) {
    %c0_i32 = arith.constant 0 : i32
    %c0_i32_0 = arith.constant 0 : i32
    return %arg0, %c0_i32 : i32, i32
  }
  func.func @transform_3(%arg0: i32) -> (i32, i32) {
    %add3A = arith.constant 300 : i32
    %add3A_0 = arith.addi %arg0, %add3A : i32
    %c0_i32 = arith.constant 0 : i32
    %c0_i32_1 = arith.constant 0 : i32
    return %add3A_0, %c0_i32 : i32, i32
  }
}

</mosaic_0001>

<sc_bundles>
// kernel: kernel.10.cloned.1.call-start
scs
__scs_entry_jumppad:
0x0: {  	(pc) =	sbr.rel $0x88, $3  }
0x1: {  	(tag) =	ssettag $0x0;
	lr =	simm.s32 $0x1  }
0x2: {  	[smem:$0x3F9D] =	sst lr;
	_ =	strace $0xD0000000  }
0x3: {  	_ = 	snop  }
0x4: {  	_ = 	snop  }
0x5: {  	_ = 	snop  }
0x6: {  	_ = 	snop  }
0x7: {  	_ = 	snop  }
__scs_overlays_trampoline_lowered:
0x8: {  	[smem:$0x3FAC] =	sst s0  }
0x9: {  	[smem:$0x3FAD] =	sst s1  }
0xa: {  	[smem:$0x3FAE] =	sst s2  }
0xb: {  	[smem:$0x3FAF] =	sst s3  }
0xc: {  	[smem:$0x3FB0] =	sst s4  }
0xd: {  	[smem:$0x3FB1] =	sst s5  }
0xe: {  	[smem:$0x3FB2] =	sst s6  }
0xf: {  	[smem:$0x3FB3] =	sst s7  }
0x10: {  	[smem:$0x3FB4] =	sst s8  }
0x11: {  	[smem:$0x3FB5] =	sst s9;
	s0 =	simm.s32 @!p0 $0x0  }
0x12: {  	s1 =	sld [smem:$0x3F9B];
	s0 =	simm.s32 @p0 $0x1  }
0x13: {  	[smem:$0x3FB6] =	sst s0;
	s0 =	simm.s32 @!p1 $0x0  }
0x14: {  	s2 =	sld [smem:$0x3F9A];
	s0 =	simm.s32 @p1 $0x1  }
0x15: {  	[smem:$0x3FB7] =	sst s0;
	s0 =	simm.s32 @!p2 $0x0  }
0x16: {  	s3 =	sld [smem:$0x3FDB];
	s0 =	simm.s32 @p2 $0x1  }
0x17: {  	s4 =	simm.s32 $0x1BF5;
	[smem:$0x3FB9] =	sst s0  }
0x18: {  	s0 =	sld [smem:$0x3F9C];
	_ =	swait.ge [sflag:s4], $0x0  }
0x19: {  	s7 =	sld [smem:$0x3F9D]  }
0x1a: {  	s8 =	sadd.s32 $0xFFFFE003, lr  }
0x1b: {  	s9 =	sadd.s32 $0xFFFFFEF7, lr;
	s5 =	simm.s32 $0xFFFFFFFF;
	p2 =	slt.u32 s8, $0xFFFFF086  }
0x1c: {  	p1 =	slt.u32 s9, $0xF7A;
	s5 =	simm.s32 @!p2 $0x0  }
0x1d: {  	s5 =	simm.s32 @p1 $0x1;
	p0 =	seq.s32 s7, s2  }
0x1e: {  	s7 =	smul.u32 @!p0 $0xF7A, s2;
	p2 =	seq.s32 @!p0 s5, $0x0  }
0x1f: {  	s9 =	smul.u32 $0xF7A, s1;
	s8 =	simm.s32 @!p0 $0x1BF5;
	p2 =	por !p2, p0  }
0x20: {  	[sflag:s8] =	ssyncset.s32 @!p0 $0xFFFFF086;
	s6 =	sadd.s32 @!p0 s3, s7;
	s7 =	simm.s32 @!p0 $0x108  }
0x21: {  	s3 =	sadd.s32 s3, s9;
	s6 =	sadd.s32 @!p0 $0x88, s6;
	s7 =	simm.s32 @p2 $0x1082  }
0x22: {  	[simem:s7], [sflag:s8] =	dma.local @!p0 [hbm:s6], $0xF7A  }
0x23: {  	s9 =	sor.u32 $0xD0000000, s2;
	s6 =	simm.s32 $0x108;
	_ =	swait.ge @!p0 [sflag:s8], $0x0  }
0x24: {  	s3 =	sadd.s32 $0x88, s3;
	s6 =	simm.s32 @!p1 $0x1082;
	[sflag:s4] =	ssyncset.s32 $0xFFFFF086  }
0x25: {  	[simem:s6], [sflag:s4] =	dma.local [hbm:s3], $0xF7A  }
0x26: {  	[smem:$0x3F9D] =	sst s1;
	(tag) =	ssettag s2;
	_ =	strace s9  }
0x27: {  	s1 =	sld [smem:$0x3FAD]  }
0x28: {  	s2 =	sld [smem:$0x3FAE]  }
0x29: {  	s4 =	sld [smem:$0x3FB0]  }
0x2a: {  	p0 =	seq.s32 s5, $0x0;
	s5 =	sld [smem:$0x3FB1]  }
0x2b: {  	s6 =	sld [smem:$0x3FB2]  }
0x2c: {  	s7 =	sld [smem:$0x3FB3]  }
0x2d: {  	s3 =	simm.s32 $0x108;
	s8 =	sld [smem:$0x3FB4]  }
0x2e: {  	s3 =	simm.s32 @!p0 $0x1082;
	s9 =	sld [smem:$0x3FB5]  }
0x2f: {  	lr =	sadd.s32 s0, s3;
	s0 =	sld [smem:$0x3FAC]  }
0x30: {  	s3 =	sld [smem:$0x3FAF]  }
0x31: {  	[smem:$0x3FB8] =	sst s10  }
0x32: {  	s10 =	sld [smem:$0x3FB6];
	_ =	sdelay $0x3  }
0x33: {  	p0 =	seq.s32 s10, $0x1;
	s10 =	sld [smem:$0x3FB8];
	_ =	sdelay $0x3  }
0x34: {  	[smem:$0x3FB8] =	sst s10  }
0x35: {  	s10 =	sld [smem:$0x3FB7];
	_ =	sdelay $0x3  }
0x36: {  	p1 =	seq.s32 s10, $0x1;
	s10 =	sld [smem:$0x3FB8];
	_ =	sdelay $0x3  }
0x37: {  	[smem:$0x3FB8] =	sst s10  }
0x38: {  	s10 =	sld [smem:$0x3FB9]  }
0x39: {  	_ = 	snop;
	(pc) =	sbr.ind lr, $3  }
0x3a: {  	_ = 	snop  }
0x3b: {  	_ = 	snop  }
0x3c: {  	p2 =	seq.s32 s10, $0x1;
	s10 =	sld [smem:$0x3FB8]  }
0x3d: {  	_ =	shalt  }
0x3e: {  	_ =	shalt  }
0x3f: {  	_ =	shalt  }
0x40: {  	_ =	shalt  }
0x41: {  	_ =	shalt  }
0x42: {  	_ =	shalt  }
0x43: {  	_ =	shalt  }
0x44: {  	_ =	shalt  }
0x45: {  	_ =	shalt  }
0x46: {  	_ =	shalt  }
0x47: {  	_ =	shalt  }
0x48: {  	_ =	shalt  }
0x49: {  	_ =	shalt  }
0x4a: {  	_ =	shalt  }
0x4b: {  	_ =	shalt  }
0x4c: {  	_ =	shalt  }
0x4d: {  	_ =	shalt  }
0x4e: {  	_ =	shalt  }
0x4f: {  	_ =	shalt  }
0x50: {  	_ =	shalt  }
0x51: {  	_ =	shalt  }
0x52: {  	_ =	shalt  }
0x53: {  	_ =	shalt  }
0x54: {  	_ =	shalt  }
0x55: {  	_ =	shalt  }
0x56: {  	_ =	shalt  }
0x57: {  	_ =	shalt  }
0x58: {  	_ =	shalt  }
0x59: {  	_ =	shalt  }
0x5a: {  	_ =	shalt  }
0x5b: {  	_ =	shalt  }
0x5c: {  	_ =	shalt  }
0x5d: {  	_ =	shalt  }
0x5e: {  	_ =	shalt  }
0x5f: {  	_ =	shalt  }
0x60: {  	_ =	shalt  }
0x61: {  	_ =	shalt  }
0x62: {  	_ =	shalt  }
0x63: {  	_ =	shalt  }
0x64: {  	_ =	shalt  }
0x65: {  	_ =	shalt  }
0x66: {  	_ =	shalt  }
0x67: {  	_ =	shalt  }
0x68: {  	_ =	shalt  }
0x69: {  	_ =	shalt  }
0x6a: {  	_ =	shalt  }
0x6b: {  	_ =	shalt  }
0x6c: {  	_ =	shalt  }
0x6d: {  	_ =	shalt  }
0x6e: {  	_ =	shalt  }
0x6f: {  	_ =	shalt  }
0x70: {  	_ =	shalt  }
0x71: {  	_ =	shalt  }
0x72: {  	_ =	shalt  }
0x73: {  	_ =	shalt  }
0x74: {  	_ =	shalt  }
0x75: {  	_ =	shalt  }
0x76: {  	_ =	shalt  }
0x77: {  	_ =	shalt  }
0x78: {  	_ =	shalt  }
0x79: {  	_ =	shalt  }
0x7a: {  	_ =	shalt  }
0x7b: {  	_ =	shalt  }
0x7c: {  	_ =	shalt  }
0x7d: {  	_ =	shalt  }
0x7e: {  	_ =	shalt  }
0x7f: {  	_ =	shalt  }
0x80: {  	_ =	shalt  }
0x81: {  	_ =	shalt  }
0x82: {  	_ =	shalt  }
0x83: {  	_ =	shalt  }
0x84: {  	_ =	shalt  }
0x85: {  	_ =	shalt  }
0x86: {  	_ =	shalt  }
0x87: {  	_ =	shalt  }
.Lfunc_end0:
.L_simem_size_0:
called_computation_lowered:
.L_overlay_start_0:
0x88: {  	s2 =	sld [smem:$0x3FD9]  }
0x89: {  	s3 =	sld [smem:$0x3FFE];
	_ =	sdelay $0x1  }
0x8a: {  	s1 =	srdreg.scid  }
0x8b: {  	s0 =	sand.u32 $0x1, s1  }
0x8c: {  	s16 =	sshll.u32 s0, $0xA;
	s2 =	sadd.s32 s3, s2  }
0x8d: {  	s2 =	sadd.s32 s2, s16  }
0x8e: {  	[smem:$0x3FC4] =	sst s2  }
0x8f: {  	_ = 	snop  }
0x90: {  	(tm) =	ssettm $0x1  }
0x91: {  	s17 =	sld [smem:$0x3FFB];
	_ =	sdelay $0x3  }
0x92: {  	_ =	strace s17  }
0x93: {  	s2 =	sld [smem:$0x3FFC];
	_ =	sdelay $0x3  }
0x94: {  	_ =	strace s2  }
0x95: {  	s2 =	sld [smem:$0x3FFD];
	_ =	sdelay $0x3  }
0x96: {  	_ =	strace s2  }
0x97: {  	_ =	strace $0x8FFFFFFF  }
0x98: {  	s18 =	sld [smem:$0x3FDB];
	_ =	sdelay $0x1  }
0x99: {  	s19 =	simm.s32 $_scs_section_size  }
0x9a: {  	s4 =	simm.s32 $_size__tile_overlayer_lowered;
	s5 =	simm.s32 $_tile_overlayer_lowered  }
0x9b: {  	s22 =	simm.s32 $0x1BFF;
	s21 =	sshll.u32 s5, $0x1;
	s2 =	sadd.s32 s19, s18  }
0x9c: {  	s6 =	simm.s32 $0x0;
	s20 =	sshll.u32 s4, $0x1;
	s4 =	sadd.s32 s21, s2  }
0x9d: {  	[timem:s6], [sflag:s22] =	dma.local [hbm:s4], s20  }
0x9e: {  	_ =	swait.ge [sflag:s22], s20  }
0x9f: {  	s3 =	ssub.s32 $0x0, s20;
	[sflag:s22] =	ssyncset.done $0x0  }
0xa0: {  	[sflag:s22] =	ssyncadd.s32 s3;
	_ =	sdelay $0x1  }
0xa1: {  	s23 =	simm.s32 $0x1B8B  }
0xa2: {  	_ =	swait.ge [sflag:s23], $0x1  }
0xa3: {  	[sflag:s23] =	ssyncset.done $0x0  }
0xa4: {  	s25 =	simm.s32 $0x1B8E;
	s24 =	sld [smem:$0x3FFE];
	[sflag:s23] =	ssyncadd.s32 $0xFFFFFFFF  }
0xa5: {  	s26 =	simm.s32 $execute0_lowered;
	[smem:$0x3FD2] =	sst s25  }
0xa6: {  	s4 =	sshll.u32 s26, $0x1;
	_ =	strace $0x80000046;
	[dreg:$0x1] =	wrdreg $0xFFFFFFFF  }
0xa7: {  	s28 =	simm.s32 $_size_execute0_lowered;
	s2 =	sadd.s32 s2, s4;
	[dreg:$0x0] =	wrdreg $0x0  }
0xa8: {  	s4 =	sshll.u32 s28, $0x1;
	[dreg:$0x2] =	wrdreg s2  }
0xa9: {  	[dreg:$0x3] =	wrdreg s4  }
0xaa: {  	[dreg:$0x4] =	wrdreg $0xC0  }
0xab: {  	_ =	task [dreg:s6], $0x5FFFF  }
0xac: {  	[dreg:$0x1] =	wrdreg $0xFFFFFFFF  }
0xad: {  	[dreg:$0x0] =	wrdreg $0x60  }
0xae: {  	[dreg:$0x2] =	wrdreg s24  }
0xaf: {  	[dreg:$0x3] =	wrdreg $0x9  }
0xb0: {  	_ =	task.clear_ibuf [dreg:s6], $0x4FFFF;
	_ =	strace $0x90000046  }
0xb1: {  	s29 =	simm.s32 $0x9;
	_ =	strace $0x80000048  }
0xb2: {  	_ =	swait.ge [sflag:s29], $0x1  }
0xb3: {  	[sflag:s29] =	ssyncadd.s32 $0xFFFFFFFF  }
0xb4: {  	_ =	strace $0x90000048  }
0xb5: {  	_ =	sfence  }
0xb6: {  	s30 =	sld [smem:$0x0];
	_ =	sdelay $0x2  }
0xb7: {  	s31 =	sshll.u32 s1, $0xD;
	s1 =	sshrl.u32 s1, $0x2  }
0xb8: {  	s3 =	sand.u32 $0x4000, s31;
	s1 =	sadd.s32 s1, s30  }
0xb9: {  	s0 =	sor.u32 s3, s0;
	s1 =	sshll.u32 s1, $0x11  }
0xba: {  	s0 =	sor.u32 s1, s0  }
0xbb: {  	s0 =	sadd.s32 $0x8F2B, s0  }
0xbc: {  	[sflag:s0] =	ssyncadd.remote.s32 $0x1  }
0xbd: {  	_ =	sfence.sel $0xFFFF  }
0xbe: {  	[dreg:$0x0] =	wrdreg $0xFFFFFFFF;
	(pc) =	sbr.abs _section_cstart, $3  }
0xbf: {  	[dreg:$0x1] =	wrdreg $0xFFFFFFFF  }
0xc0: {  	_ =	task.clear_ibuf [dreg:s6], $0x2FFFF;
	_ =	strace $0x9FFFFFFF  }
0xc1: {  	(tm) =	ssettm $0x7FFFFFFF  }
tec
execute0_lowered:
.L_overlay_start_1:
0x0: {  	(tag) =	ssettag $0x1  }
0x1: {  	s5 =	rddreg [dreg:$0x0]  }
0x2: {  	s0 =	rddreg [dreg:$0x1];
	s2 =	simm.s32 $0x0;
	s3 =	srdreg.scid  }
0x3: {  	s1 =	stileid.u32;
	s16 =	simm.s32 $0x40;
	s17 =	simm.s32 $0x6080  }
0x4: {  	s18 =	simm.s32 $0x6100;
	s19 =	simm.s32 $0xA100;
	s20 =	simm.s32 $0x3  }
0x5: {  	s21 =	simm.s32 $0x2;
	s22 =	simm.s32 $0x4;
	[smem:$0x7FF] =	sst s2  }
0x6: {  	s9 =	sand.u32 $0x1, s3;
	s6 =	smul.u32 $0x3200, s1;
	s3 =	sadd.s32 $0x190E00, s5  }
0x7: {  	s23 =	simm.s32 $0x0;
	s4 =	sadd.s32 $0x317800, s5;
	s13 =	sadd.s32 $0x3DAE00, s5  }
0x8: {  	s11 =	sadd.s32 $0x4000, s5;
	s26 =	sadd.s32 $0x6FAE00, s5;
	s15 =	smul.u32 $0x32000, s1  }
0x9: {  	_ =	strace $0x80000047;
	s7 =	smul.u32 $0x1900, s9;
	s8 =	ssub.s32 $0x2, s9  }
0xa: {  	s29 =	smul.u32 $0x19000, s9;
	s10 =	sshrl.u32 s8, $0x1;
	s30 =	sadd.s32 s15, s26  }
0xb: {  	s31 =	sadd.s32 s15, s13;
	s15 =	simm.s32 $0x1;
	s12 =	sadd.s32 s7, s6  }
0xc: {  	s25 =	ssub.s32 s8, s10;
	s9 =	sadd.s32 s29, s30;
	s7 =	sor.u32 $0x80, s12  }
0xd: {  	s10 =	sadd.s32 s29, s31;
	s5 =	smax.u32 s25, $0x1;
	s28 =	sshll.u32 s7, $0x4  }
0xe: {  	s12 =	sshrl.u32 s12, $0x3;
	s14 =	sshrl.u32 s7, $0x3;
	s6 =	sadd.s32 s28, s13  }
0xf: {  	s7 =	sadd.s32 s28, s26;
	s8 =	sadd.s32 s14, s11;
	s11 =	sadd.s32 s12, s11  }
0x10: {  	s12 =	simm.s32 $0x5;
	s13 =	simm.s32 $0x80;
	s14 =	simm.s32 $0x4080  }
.LBB2_1:
0x11: {  	p0 =	por $0x1, $0x1  }
0x12: {  	s24 =	simm.s32 @!p0 $0x2  }
0x13: {  	_ =	swait.ge @!p0 [sflag:s24], $0x4000  }
0x14: {  	[sflag:s24] =	ssyncset.done @!p0 $0x0  }
0x15: {  	[sflag:s24] =	ssyncadd.s32 @!p0 $0xFFFFC000  }
0x16: {  	_ =	swait.ge @!p0 [sflag:s24], $0x2000  }
0x17: {  	[sflag:s24] =	ssyncset.done @!p0 $0x0  }
0x18: {  	[sflag:s24] =	ssyncadd.s32 @!p0 $0xFFFFE000  }
0x19: {  	[tilespmem:s2], [sflag:$0x5] =	stream.linear.gather [hbm4b:s11+s2], $0x80, $0x38;
	[tilespmem:$0xC100] =	vst v63  }
0x1a: {  	_ =	swait.ge [sflag:s12], $0x80  }
0x1b: {  	[sflag:s12] =	ssyncset.done $0x0  }
0x1c: {  	[sflag:s12] =	ssyncadd.s32 $0xFFFFFF80  }
0x1d: {  	[tilespmem:s13], [sflag:$0x1] =	stream.indirect.gather [hbm4b:s3+s13], $0x80, s2, s13, $0xb8;
	[tilespmem:$0xC100] =	vst v63  }
0x1e: {  	_ = 	snop  }
0x1f: {  	[tilespmem:s14], [sflag:$0x1] =	stream.indirect.gather [hbm4b:s4+s13], $0x40, s2, s13, $0xb8;
	[tilespmem:$0xC100] =	vst v63  }
0x20: {  	_ =	swait.ge [sflag:s15], $0x4000  }
0x21: {  	[sflag:s15] =	ssyncset.done $0x0  }
0x22: {  	[sflag:s15] =	ssyncadd.s32 $0xFFFFC000  }
0x23: {  	_ =	swait.ge [sflag:s15], $0x2000  }
0x24: {  	[sflag:s15] =	ssyncset.done $0x0  }
0x25: {  	s26 =	sadd.s32 $0x0, s10;
	[sflag:s15] =	ssyncadd.s32 $0xFFFFE000  }
0x26: {  	[hbm4b:s26+s2] =	stream.linear.scatter [tilespmem:s13], [sflag:$0x2], $0x4000, $0x38;
	[tilespmem:$0xC100] =	vst v63  }
0x27: {  	s29 =	sadd.s32 $0x0, s9;
	s25 =	simm.s32 @!p0 $0x4  }
0x28: {  	[hbm4b:s29+s16] =	stream.strided.scatter [tilespmem:s14], [sflag:$0x2], $0x2000, s13, s16, $0x38;
	[tilespmem:$0xC100] =	vst v63  }
0x29: {  	_ =	swait.ge @!p0 [sflag:s25], $0x4000  }
0x2a: {  	[sflag:s25] =	ssyncset.done @!p0 $0x0  }
0x2b: {  	[sflag:s25] =	ssyncadd.s32 @!p0 $0xFFFFC000  }
0x2c: {  	_ =	swait.ge @!p0 [sflag:s25], $0x2000  }
0x2d: {  	[sflag:s25] =	ssyncset.done @!p0 $0x0  }
0x2e: {  	[sflag:s25] =	ssyncadd.s32 @!p0 $0xFFFFE000  }
0x2f: {  	[tilespmem:s17], [sflag:$0x5] =	stream.linear.gather [hbm4b:s8+s2], $0x80, $0x38;
	[tilespmem:$0xC100] =	vst v63  }
0x30: {  	_ =	swait.ge [sflag:s12], $0x80  }
0x31: {  	[sflag:s12] =	ssyncset.done $0x0  }
0x32: {  	[sflag:s12] =	ssyncadd.s32 $0xFFFFFF80  }
0x33: {  	[tilespmem:s18], [sflag:$0x3] =	stream.indirect.gather [hbm4b:s3+s13], $0x80, s17, s13, $0xb8;
	[tilespmem:$0xC100] =	vst v63  }
0x34: {  	_ = 	snop  }
0x35: {  	[tilespmem:s19], [sflag:$0x3] =	stream.indirect.gather [hbm4b:s4+s13], $0x40, s17, s13, $0xb8;
	[tilespmem:$0xC100] =	vst v63  }
0x36: {  	_ =	swait.ge [sflag:s20], $0x4000  }
0x37: {  	[sflag:s20] =	ssyncset.done $0x0  }
0x38: {  	s31 =	sadd.s32 $0x0, s6;
	[sflag:s20] =	ssyncadd.s32 $0xFFFFC000  }
0x39: {  	s28 =	simm.s32 $0x2000;
	s30 =	sadd.s32 $0x0, s7;
	_ =	swait.ge [sflag:s20], $0x2000  }
0x3a: {  	s24 =	simm.s32 $0x1000;
	s26 =	sadd.s32 $0x20, s11;
	[sflag:s20] =	ssyncset.done $0x0  }
0x3b: {  	p0 =	por $0x0, $0x0;
	s25 =	smov.u32 s8;
	[sflag:s20] =	ssyncadd.s32 $0xFFFFE000  }
0x3c: {  	[hbm4b:s31+s2] =	stream.linear.scatter [tilespmem:s18], [sflag:$0x4], $0x4000, $0x38;
	[tilespmem:$0xC100] =	vst v63  }
.LBB2_2:
0x3d: {  	s31 =	simm.s32 @!p0 $0x2;
	s25 =	sadd.s32 $0x20, s25  }
0x3e: {  	s29 =	smov.u32 s24;
	s24 =	smov.u32 s28;
	s28 =	sadd.s32 $0x1000, s28  }
0x3f: {  	[hbm4b:s30+s16] =	stream.strided.scatter [tilespmem:s19], [sflag:$0x4], $0x2000, s13, s16, $0x38;
	[tilespmem:$0xC100] =	vst v63  }
0x40: {  	p1 =	sne.s32 s28, $0x19000;
	_ =	swait.ge @!p0 [sflag:s31], $0x4000  }
0x41: {  	[sflag:s31] =	ssyncset.done @!p0 $0x0  }
0x42: {  	[sflag:s31] =	ssyncadd.s32 @!p0 $0xFFFFC000  }
0x43: {  	_ =	swait.ge @!p0 [sflag:s31], $0x2000  }
0x44: {  	[sflag:s31] =	ssyncset.done @!p0 $0x0  }
0x45: {  	[sflag:s31] =	ssyncadd.s32 @!p0 $0xFFFFE000  }
0x46: {  	[tilespmem:s2], [sflag:$0x5] =	stream.linear.gather [hbm4b:s26+s2], $0x80, $0x38;
	[tilespmem:$0xC100] =	vst v63  }
0x47: {  	_ =	swait.ge [sflag:s12], $0x80  }
0x48: {  	[sflag:s12] =	ssyncset.done $0x0  }
0x49: {  	[sflag:s12] =	ssyncadd.s32 $0xFFFFFF80  }
0x4a: {  	[tilespmem:s13], [sflag:$0x1] =	stream.indirect.gather [hbm4b:s3+s13], $0x80, s2, s13, $0xb8;
	[tilespmem:$0xC100] =	vst v63  }
0x4b: {  	_ = 	snop  }
0x4c: {  	[tilespmem:s14], [sflag:$0x1] =	stream.indirect.gather [hbm4b:s4+s13], $0x40, s2, s13, $0xb8;
	[tilespmem:$0xC100] =	vst v63  }
0x4d: {  	_ =	swait.ge [sflag:s15], $0x4000  }
0x4e: {  	[sflag:s15] =	ssyncset.done $0x0  }
0x4f: {  	[sflag:s15] =	ssyncadd.s32 $0xFFFFC000  }
0x50: {  	_ =	swait.ge [sflag:s15], $0x2000  }
0x51: {  	[sflag:s15] =	ssyncset.done $0x0  }
0x52: {  	s30 =	sadd.s32 s29, s10;
	[sflag:s15] =	ssyncadd.s32 $0xFFFFE000  }
0x53: {  	[hbm4b:s30+s2] =	stream.linear.scatter [tilespmem:s13], [sflag:$0x2], $0x4000, $0x38;
	[tilespmem:$0xC100] =	vst v63  }
0x54: {  	s31 =	simm.s32 @!p0 $0x4;
	s30 =	sadd.s32 s29, s9  }
0x55: {  	[hbm4b:s30+s16] =	stream.strided.scatter [tilespmem:s14], [sflag:$0x2], $0x2000, s13, s16, $0x38;
	[tilespmem:$0xC100] =	vst v63  }
0x56: {  	_ =	swait.ge @!p0 [sflag:s31], $0x4000  }
0x57: {  	[sflag:s31] =	ssyncset.done @!p0 $0x0  }
0x58: {  	[sflag:s31] =	ssyncadd.s32 @!p0 $0xFFFFC000  }
0x59: {  	_ =	swait.ge @!p0 [sflag:s31], $0x2000  }
0x5a: {  	[sflag:s31] =	ssyncset.done @!p0 $0x0  }
0x5b: {  	[sflag:s31] =	ssyncadd.s32 @!p0 $0xFFFFE000  }
0x5c: {  	[tilespmem:s17], [sflag:$0x5] =	stream.linear.gather [hbm4b:s25+s2], $0x80, $0x38;
	[tilespmem:$0xC100] =	vst v63  }
0x5d: {  	_ =	swait.ge [sflag:s12], $0x80  }
0x5e: {  	[sflag:s12] =	ssyncset.done $0x0  }
0x5f: {  	[sflag:s12] =	ssyncadd.s32 $0xFFFFFF80  }
0x60: {  	[tilespmem:s18], [sflag:$0x3] =	stream.indirect.gather [hbm4b:s3+s13], $0x80, s17, s13, $0xb8;
	[tilespmem:$0xC100] =	vst v63  }
0x61: {  	_ = 	snop  }
0x62: {  	[tilespmem:s19], [sflag:$0x3] =	stream.indirect.gather [hbm4b:s4+s13], $0x40, s17, s13, $0xb8;
	[tilespmem:$0xC100] =	vst v63  }
0x63: {  	_ =	swait.ge [sflag:s20], $0x4000  }
0x64: {  	[sflag:s20] =	ssyncset.done $0x0  }
.Ltmp0:
0x65: {  	[sflag:s20] =	ssyncadd.s32 $0xFFFFC000;
	(pc) =	sbr.rel @p1 .LBB2_2-.Ltmp0, $4  }
0x66: {  	_ =	swait.ge [sflag:s20], $0x2000  }
0x67: {  	s26 =	sadd.s32 $0x20, s26;
	s30 =	sadd.s32 s29, s7;
	[sflag:s20] =	ssyncset.done $0x0  }
0x68: {  	s29 =	sadd.s32 s29, s6;
	p0 =	seq.s32 s24, $0x0;
	[sflag:s20] =	ssyncadd.s32 $0xFFFFE000  }
0x69: {  	[hbm4b:s29+s2] =	stream.linear.scatter [tilespmem:s18], [sflag:$0x4], $0x4000, $0x38;
	[tilespmem:$0xC100] =	vst v63  }
0x6a: {  	s28 =	simm.s32 @!p0 $0x2  }
0x6b: {  	[hbm4b:s30+s16] =	stream.strided.scatter [tilespmem:s19], [sflag:$0x4], $0x2000, s13, s16, $0x38;
	[tilespmem:$0xC100] =	vst v63  }
0x6c: {  	_ =	swait.ge @!p0 [sflag:s28], $0x4000  }
0x6d: {  	[sflag:s28] =	ssyncset.done @!p0 $0x0  }
0x6e: {  	[sflag:s28] =	ssyncadd.s32 @!p0 $0xFFFFC000  }
0x6f: {  	_ =	swait.ge @!p0 [sflag:s28], $0x2000  }
0x70: {  	[sflag:s28] =	ssyncset.done @!p0 $0x0  }
0x71: {  	[sflag:s28] =	ssyncadd.s32 @!p0 $0xFFFFE000  }
0x72: {  	[tilespmem:s2], [sflag:$0x5] =	stream.linear.gather [hbm4b:s26+s2], $0x80, $0x38;
	[tilespmem:$0xC100] =	vst v63  }
0x73: {  	_ =	swait.ge [sflag:s12], $0x80  }
0x74: {  	[sflag:s12] =	ssyncset.done $0x0  }
0x75: {  	[sflag:s12] =	ssyncadd.s32 $0xFFFFFF80  }
0x76: {  	[tilespmem:s13], [sflag:$0x1] =	stream.indirect.gather [hbm4b:s3+s13], $0x80, s2, s13, $0xb8;
	[tilespmem:$0xC100] =	vst v63  }
0x77: {  	_ = 	snop  }
0x78: {  	[tilespmem:s14], [sflag:$0x1] =	stream.indirect.gather [hbm4b:s4+s13], $0x40, s2, s13, $0xb8;
	[tilespmem:$0xC100] =	vst v63  }
0x79: {  	_ =	swait.ge [sflag:s15], $0x4000  }
0x7a: {  	[sflag:s15] =	ssyncset.done $0x0  }
0x7b: {  	[sflag:s15] =	ssyncadd.s32 $0xFFFFC000  }
0x7c: {  	_ =	swait.ge [sflag:s15], $0x2000  }
0x7d: {  	[sflag:s15] =	ssyncset.done $0x0  }
0x7e: {  	s28 =	sadd.s32 s24, s10;
	[sflag:s15] =	ssyncadd.s32 $0xFFFFE000  }
0x7f: {  	[hbm4b:s28+s2] =	stream.linear.scatter [tilespmem:s13], [sflag:$0x2], $0x4000, $0x38;
	[tilespmem:$0xC100] =	vst v63  }
0x80: {  	s29 =	sadd.s32 s24, s9;
	s28 =	simm.s32 @!p0 $0x4  }
0x81: {  	[hbm4b:s29+s16] =	stream.strided.scatter [tilespmem:s14], [sflag:$0x2], $0x2000, s13, s16, $0x38;
	[tilespmem:$0xC100] =	vst v63  }
0x82: {  	_ =	swait.ge @!p0 [sflag:s28], $0x4000  }
0x83: {  	[sflag:s28] =	ssyncset.done @!p0 $0x0  }
0x84: {  	[sflag:s28] =	ssyncadd.s32 @!p0 $0xFFFFC000  }
0x85: {  	_ =	swait.ge @!p0 [sflag:s28], $0x2000  }
0x86: {  	[sflag:s28] =	ssyncset.done @!p0 $0x0  }
0x87: {  	s25 =	sadd.s32 $0x20, s25;
	[sflag:s28] =	ssyncadd.s32 @!p0 $0xFFFFE000  }
0x88: {  	[tilespmem:s17], [sflag:$0x5] =	stream.linear.gather [hbm4b:s25+s2], $0x80, $0x38;
	[tilespmem:$0xC100] =	vst v63  }
0x89: {  	_ =	swait.ge [sflag:s12], $0x80  }
0x8a: {  	[sflag:s12] =	ssyncset.done $0x0  }
0x8b: {  	[sflag:s12] =	ssyncadd.s32 $0xFFFFFF80  }
0x8c: {  	[tilespmem:s18], [sflag:$0x3] =	stream.indirect.gather [hbm4b:s3+s13], $0x80, s17, s13, $0xb8;
	[tilespmem:$0xC100] =	vst v63  }
0x8d: {  	_ = 	snop  }
0x8e: {  	[tilespmem:s19], [sflag:$0x3] =	stream.indirect.gather [hbm4b:s4+s13], $0x40, s17, s13, $0xb8;
	[tilespmem:$0xC100] =	vst v63  }
0x8f: {  	_ =	swait.ge [sflag:s20], $0x4000  }
0x90: {  	[sflag:s20] =	ssyncset.done $0x0  }
0x91: {  	[sflag:s20] =	ssyncadd.s32 $0xFFFFC000  }
0x92: {  	_ =	swait.ge [sflag:s20], $0x2000  }
0x93: {  	[sflag:s20] =	ssyncset.done $0x0  }
0x94: {  	s30 =	sadd.s32 s24, s6;
	[sflag:s20] =	ssyncadd.s32 $0xFFFFE000  }
0x95: {  	[hbm4b:s30+s2] =	stream.linear.scatter [tilespmem:s18], [sflag:$0x4], $0x4000, $0x38;
	[tilespmem:$0xC100] =	vst v63  }
0x96: {  	s31 =	sadd.s32 s24, s7  }
0x97: {  	[hbm4b:s31+s16] =	stream.strided.scatter [tilespmem:s19], [sflag:$0x4], $0x2000, s13, s16, $0x38;
	[tilespmem:$0xC100] =	vst v63  }
0x98: {  	_ =	swait.ge [sflag:s21], $0x4000  }
0x99: {  	[sflag:s21] =	ssyncset.done $0x0  }
0x9a: {  	[sflag:s21] =	ssyncadd.s32 $0xFFFFC000  }
0x9b: {  	_ =	swait.ge [sflag:s21], $0x2000  }
0x9c: {  	[sflag:s21] =	ssyncset.done $0x0  }
0x9d: {  	s23 =	sadd.s32 $0x1, s23;
	[sflag:s21] =	ssyncadd.s32 $0xFFFFE000  }
0x9e: {  	p0 =	sne.s32 s23, s5;
	_ =	swait.ge [sflag:s22], $0x4000  }
.Ltmp1:
0x9f: {  	[sflag:s22] =	ssyncset.done $0x0;
	(pc) =	sbr.rel @p0 .LBB2_1-.Ltmp1, $4  }
0xa0: {  	[sflag:s22] =	ssyncadd.s32 $0xFFFFC000  }
0xa1: {  	_ =	swait.ge [sflag:s22], $0x2000  }
0xa2: {  	[sflag:s22] =	ssyncset.done $0x0  }
0xa3: {  	[sflag:s22] =	ssyncadd.s32 $0xFFFFE000  }
0xa4: {  	_ =	sfence.sel $0x180000  }
0xa5: {  	[bflag:$0x0] =	sbarrier.arrive $0xFFFF  }
0xa6: {  	p0 =	sne.s32 s1, $0x0;
	_ =	strace $0x90000047  }
0xa7: {  	s0 =	sadd.s32 @!p0 $0x100000, s0;
	[bflag:$0x2] =	sbarrier.arrive $0xFFFF  }
0xa8: {  	[sflag:s0] =	ssyncadd.tile.s32 @!p0 $0x1;
	_ =	shalt  }
.Lfunc_end2:
_tile_overlayer_lowered:
.L_overlay_start_2:
0xa9: {  	(tag) =	ssettag $0x2  }
0xaa: {  	s0 =	rddreg [dreg:$0x0];
	s2 =	stileid.u32  }
0xab: {  	s1 =	rddreg [dreg:$0x1];
	p0 =	sne.s32 s2, $0x0  }
0xac: {  	s3 =	rddreg [dreg:$0x2];
	[bflag:$0x3] =	sbarrier.arrive $0xFFFF;
	s2 =	simm.s32 @!p0 $0x1C05  }
0xad: {  	[timem:s3], [sflag:s2] =	dma.local @!p0 [hbm:s0], s1  }
0xae: {  	s0 =	simm.s32 @!p0 $0x5  }
0xaf: {  	_ =	swait.ge @!p0 [sflag:s0], s1  }
0xb0: {  	s1 =	ssub.s32 @!p0 $0x0, s1;
	[sflag:s0] =	ssyncset.done @!p0 $0x0  }
0xb1: {  	[sflag:s0] =	ssyncadd.s32 @!p0 s1  }
0xb2: {  	[bflag:$0x3] =	sbarrier.arrive $0xFFFF  }
0xb3: {  	_ =	shalt  }

// kernel: kernel.13.cloned.1.call-start
scs
__scs_entry_jumppad:
0x0: {  	(pc) =	sbr.rel $0x88, $3  }
0x1: {  	(tag) =	ssettag $0x0;
	lr =	simm.s32 $0x1  }
0x2: {  	[smem:$0x3F9D] =	sst lr;
	_ =	strace $0xD0000000  }
0x3: {  	_ = 	snop  }
0x4: {  	_ = 	snop  }
0x5: {  	_ = 	snop  }
0x6: {  	_ = 	snop  }
0x7: {  	_ = 	snop  }
__scs_overlays_trampoline_lowered:
0x8: {  	[smem:$0x3FAC] =	sst s0  }
0x9: {  	[smem:$0x3FAD] =	sst s1  }
0xa: {  	[smem:$0x3FAE] =	sst s2  }
0xb: {  	[smem:$0x3FAF] =	sst s3  }
0xc: {  	[smem:$0x3FB0] =	sst s4  }
0xd: {  	[smem:$0x3FB1] =	sst s5  }
0xe: {  	[smem:$0x3FB2] =	sst s6  }
0xf: {  	[smem:$0x3FB3] =	sst s7  }
0x10: {  	[smem:$0x3FB4] =	sst s8  }
0x11: {  	[smem:$0x3FB5] =	sst s9;
	s0 =	simm.s32 @!p0 $0x0  }
0x12: {  	s1 =	sld [smem:$0x3F9B];
	s0 =	simm.s32 @p0 $0x1  }
0x13: {  	[smem:$0x3FB6] =	sst s0;
	s0 =	simm.s32 @!p1 $0x0  }
0x14: {  	s2 =	sld [smem:$0x3F9A];
	s0 =	simm.s32 @p1 $0x1  }
0x15: {  	[smem:$0x3FB7] =	sst s0;
	s0 =	simm.s32 @!p2 $0x0  }
0x16: {  	s3 =	sld [smem:$0x3FDB];
	s0 =	simm.s32 @p2 $0x1  }
0x17: {  	s4 =	simm.s32 $0x1BF5;
	[smem:$0x3FB9] =	sst s0  }
0x18: {  	s0 =	sld [smem:$0x3F9C];
	_ =	swait.ge [sflag:s4], $0x0  }
0x19: {  	s7 =	sld [smem:$0x3F9D]  }
0x1a: {  	s8 =	sadd.s32 $0xFFFFE003, lr  }
0x1b: {  	s9 =	sadd.s32 $0xFFFFFEF7, lr;
	s5 =	simm.s32 $0xFFFFFFFF;
	p2 =	slt.u32 s8, $0xFFFFF086  }
0x1c: {  	p1 =	slt.u32 s9, $0xF7A;
	s5 =	simm.s32 @!p2 $0x0  }
0x1d: {  	s5 =	simm.s32 @p1 $0x1;
	p0 =	seq.s32 s7, s2  }
0x1e: {  	s7 =	smul.u32 @!p0 $0xF7A, s2;
	p2 =	seq.s32 @!p0 s5, $0x0  }
0x1f: {  	s9 =	smul.u32 $0xF7A, s1;
	s8 =	simm.s32 @!p0 $0x1BF5;
	p2 =	por !p2, p0  }
0x20: {  	[sflag:s8] =	ssyncset.s32 @!p0 $0xFFFFF086;
	s6 =	sadd.s32 @!p0 s3, s7;
	s7 =	simm.s32 @!p0 $0x108  }
0x21: {  	s3 =	sadd.s32 s3, s9;
	s6 =	sadd.s32 @!p0 $0x88, s6;
	s7 =	simm.s32 @p2 $0x1082  }
0x22: {  	[simem:s7], [sflag:s8] =	dma.local @!p0 [hbm:s6], $0xF7A  }
0x23: {  	s9 =	sor.u32 $0xD0000000, s2;
	s6 =	simm.s32 $0x108;
	_ =	swait.ge @!p0 [sflag:s8], $0x0  }
0x24: {  	s3 =	sadd.s32 $0x88, s3;
	s6 =	simm.s32 @!p1 $0x1082;
	[sflag:s4] =	ssyncset.s32 $0xFFFFF086  }
0x25: {  	[simem:s6], [sflag:s4] =	dma.local [hbm:s3], $0xF7A  }
0x26: {  	[smem:$0x3F9D] =	sst s1;
	(tag) =	ssettag s2;
	_ =	strace s9  }
0x27: {  	s1 =	sld [smem:$0x3FAD]  }
0x28: {  	s2 =	sld [smem:$0x3FAE]  }
0x29: {  	s4 =	sld [smem:$0x3FB0]  }
0x2a: {  	p0 =	seq.s32 s5, $0x0;
	s5 =	sld [smem:$0x3FB1]  }
0x2b: {  	s6 =	sld [smem:$0x3FB2]  }
0x2c: {  	s7 =	sld [smem:$0x3FB3]  }
0x2d: {  	s3 =	simm.s32 $0x108;
	s8 =	sld [smem:$0x3FB4]  }
0x2e: {  	s3 =	simm.s32 @!p0 $0x1082;
	s9 =	sld [smem:$0x3FB5]  }
0x2f: {  	lr =	sadd.s32 s0, s3;
	s0 =	sld [smem:$0x3FAC]  }
0x30: {  	s3 =	sld [smem:$0x3FAF]  }
0x31: {  	[smem:$0x3FB8] =	sst s10  }
0x32: {  	s10 =	sld [smem:$0x3FB6];
	_ =	sdelay $0x3  }
0x33: {  	p0 =	seq.s32 s10, $0x1;
	s10 =	sld [smem:$0x3FB8];
	_ =	sdelay $0x3  }
0x34: {  	[smem:$0x3FB8] =	sst s10  }
0x35: {  	s10 =	sld [smem:$0x3FB7];
	_ =	sdelay $0x3  }
0x36: {  	p1 =	seq.s32 s10, $0x1;
	s10 =	sld [smem:$0x3FB8];
	_ =	sdelay $0x3  }
0x37: {  	[smem:$0x3FB8] =	sst s10  }
0x38: {  	s10 =	sld [smem:$0x3FB9]  }
0x39: {  	_ = 	snop;
	(pc) =	sbr.ind lr, $3  }
0x3a: {  	_ = 	snop  }
0x3b: {  	_ = 	snop  }
0x3c: {  	p2 =	seq.s32 s10, $0x1;
	s10 =	sld [smem:$0x3FB8]  }
0x3d: {  	_ =	shalt  }
0x3e: {  	_ =	shalt  }
0x3f: {  	_ =	shalt  }
0x40: {  	_ =	shalt  }
0x41: {  	_ =	shalt  }
0x42: {  	_ =	shalt  }
0x43: {  	_ =	shalt  }
0x44: {  	_ =	shalt  }
0x45: {  	_ =	shalt  }
0x46: {  	_ =	shalt  }
0x47: {  	_ =	shalt  }
0x48: {  	_ =	shalt  }
0x49: {  	_ =	shalt  }
0x4a: {  	_ =	shalt  }
0x4b: {  	_ =	shalt  }
0x4c: {  	_ =	shalt  }
0x4d: {  	_ =	shalt  }
0x4e: {  	_ =	shalt  }
0x4f: {  	_ =	shalt  }
0x50: {  	_ =	shalt  }
0x51: {  	_ =	shalt  }
0x52: {  	_ =	shalt  }
0x53: {  	_ =	shalt  }
0x54: {  	_ =	shalt  }
0x55: {  	_ =	shalt  }
0x56: {  	_ =	shalt  }
0x57: {  	_ =	shalt  }
0x58: {  	_ =	shalt  }
0x59: {  	_ =	shalt  }
0x5a: {  	_ =	shalt  }
0x5b: {  	_ =	shalt  }
0x5c: {  	_ =	shalt  }
0x5d: {  	_ =	shalt  }
0x5e: {  	_ =	shalt  }
0x5f: {  	_ =	shalt  }
0x60: {  	_ =	shalt  }
0x61: {  	_ =	shalt  }
0x62: {  	_ =	shalt  }
0x63: {  	_ =	shalt  }
0x64: {  	_ =	shalt  }
0x65: {  	_ =	shalt  }
0x66: {  	_ =	shalt  }
0x67: {  	_ =	shalt  }
0x68: {  	_ =	shalt  }
0x69: {  	_ =	shalt  }
0x6a: {  	_ =	shalt  }
0x6b: {  	_ =	shalt  }
0x6c: {  	_ =	shalt  }
0x6d: {  	_ =	shalt  }
0x6e: {  	_ =	shalt  }
0x6f: {  	_ =	shalt  }
0x70: {  	_ =	shalt  }
0x71: {  	_ =	shalt  }
0x72: {  	_ =	shalt  }
0x73: {  	_ =	shalt  }
0x74: {  	_ =	shalt  }
0x75: {  	_ =	shalt  }
0x76: {  	_ =	shalt  }
0x77: {  	_ =	shalt  }
0x78: {  	_ =	shalt  }
0x79: {  	_ =	shalt  }
0x7a: {  	_ =	shalt  }
0x7b: {  	_ =	shalt  }
0x7c: {  	_ =	shalt  }
0x7d: {  	_ =	shalt  }
0x7e: {  	_ =	shalt  }
0x7f: {  	_ =	shalt  }
0x80: {  	_ =	shalt  }
0x81: {  	_ =	shalt  }
0x82: {  	_ =	shalt  }
0x83: {  	_ =	shalt  }
0x84: {  	_ =	shalt  }
0x85: {  	_ =	shalt  }
0x86: {  	_ =	shalt  }
0x87: {  	_ =	shalt  }
.Lfunc_end0:
.L_simem_size_0:
called_computation.1_lowered:
.L_overlay_start_0:
0x88: {  	s2 =	sld [smem:$0x3FD9]  }
0x89: {  	s3 =	sld [smem:$0x3FFE];
	_ =	sdelay $0x1  }
0x8a: {  	s1 =	srdreg.scid  }
0x8b: {  	s0 =	sand.u32 $0x1, s1  }
0x8c: {  	s17 =	sshll.u32 s0, $0xA;
	s2 =	sadd.s32 s3, s2  }
0x8d: {  	s2 =	sadd.s32 s2, s17  }
0x8e: {  	[smem:$0x3FC4] =	sst s2  }
0x8f: {  	_ = 	snop  }
0x90: {  	(tm) =	ssettm $0x1  }
0x91: {  	s18 =	sld [smem:$0x3FFB];
	_ =	sdelay $0x3  }
0x92: {  	_ =	strace s18  }
0x93: {  	s2 =	sld [smem:$0x3FFC];
	_ =	sdelay $0x3  }
0x94: {  	_ =	strace s2  }
0x95: {  	s2 =	sld [smem:$0x3FFD];
	_ =	sdelay $0x3  }
0x96: {  	_ =	strace s2  }
0x97: {  	_ =	strace $0x8FFFFFFF  }
0x98: {  	s19 =	sld [smem:$0x3FDB];
	_ =	sdelay $0x1  }
0x99: {  	s20 =	simm.s32 $_scs_section_size  }
0x9a: {  	s4 =	simm.s32 $_size__tile_overlayer_lowered;
	s5 =	simm.s32 $_tile_overlayer_lowered  }
0x9b: {  	s6 =	simm.s32 $0x1BFF;
	s21 =	sshll.u32 s5, $0x1;
	s3 =	sadd.s32 s20, s19  }
0x9c: {  	s22 =	simm.s32 $0x0;
	s4 =	sshll.u32 s4, $0x1;
	s5 =	sadd.s32 s21, s3  }
0x9d: {  	[timem:s22], [sflag:s6] =	dma.local [hbm:s5], s4  }
0x9e: {  	_ =	swait.ge [sflag:s6], s4  }
0x9f: {  	s4 =	ssub.s32 $0x0, s4;
	[sflag:s6] =	ssyncset.done $0x0  }
0xa0: {  	[sflag:s6] =	ssyncadd.s32 s4;
	_ =	sdelay $0x1  }
0xa1: {  	s23 =	simm.s32 $0x1B8B  }
0xa2: {  	_ =	swait.ge [sflag:s23], $0x1  }
0xa3: {  	[sflag:s23] =	ssyncset.done $0x0  }
0xa4: {  	[sflag:s23] =	ssyncadd.s32 $0xFFFFFFFF  }
0xa5: {  	s4 =	sld [smem:$0x0]  }
0xa6: {  	s5 =	sand.u32 $0xFFFFFFFE, s1  }
0xa7: {  	p0 =	sne.s32 s1, s5  }
0xa8: {  	s5 =	sshll.u32 @p0 s5, $0xE  }
0xa9: {  	s5 =	sadd.s32 @p0 $0x11B8D, s5;
	s6 =	sshll.u32 @p0 s4, $0x11  }
0xaa: {  	s5 =	sor.u32 @p0 s6, s5  }
0xab: {  	[sflag:s5] =	ssyncadd.remote.s32 @p0 $0x1;
	_ =	sdelay $0x1  }
0xac: {  	s5 =	simm.s32 @p0 $0x1B8D  }
0xad: {  	_ =	swait.eq @p0 [sflag:s5], $0x1  }
0xae: {  	[sflag:s5] =	ssyncadd.s32 @p0 $0xFFFFFFFF  }
0xaf: {  	s6 =	sshll.u32 @!p0 s1, $0xE  }
0xb0: {  	s6 =	sor.u32 @!p0 $0x4000, s6;
	s5 =	simm.s32 @!p0 $0x1B8D  }
0xb1: {  	s4 =	sshll.u32 @!p0 s4, $0x11;
	s6 =	sadd.s32 @!p0 $0x11B8D, s6;
	_ =	swait.eq @!p0 [sflag:s5], $0x1  }
0xb2: {  	s4 =	sor.u32 @!p0 s4, s6;
	[sflag:s5] =	ssyncadd.s32 @!p0 $0xFFFFFFFF  }
0xb3: {  	s25 =	simm.s32 $0x1B8E;
	s24 =	sld [smem:$0x3FFE];
	[sflag:s4] =	ssyncadd.remote.s32 @!p0 $0x1  }
0xb4: {  	s26 =	simm.s32 $execute0_lowered;
	[smem:$0x3FD2] =	sst s25  }
0xb5: {  	s5 =	sshll.u32 s26, $0x1;
	_ =	strace $0x80000049;
	[dreg:$0x1] =	wrdreg $0xFFFFFFFF  }
0xb6: {  	s28 =	simm.s32 $_size_execute0_lowered;
	s3 =	sadd.s32 s3, s5;
	[dreg:$0x0] =	wrdreg $0x0  }
0xb7: {  	s5 =	sshll.u32 s28, $0x1;
	[dreg:$0x2] =	wrdreg s3  }
0xb8: {  	[dreg:$0x3] =	wrdreg s5  }
0xb9: {  	[dreg:$0x4] =	wrdreg $0xC0  }
0xba: {  	_ =	task [dreg:s22], $0x5FFFF  }
0xbb: {  	[dreg:$0x1] =	wrdreg $0xFFFFFFFF  }
0xbc: {  	[dreg:$0x0] =	wrdreg $0x60  }
0xbd: {  	[dreg:$0x2] =	wrdreg s24  }
0xbe: {  	[dreg:$0x3] =	wrdreg $0xA  }
0xbf: {  	_ =	task.clear_ibuf [dreg:s22], $0x4FFFF;
	_ =	strace $0x90000049  }
0xc0: {  	s29 =	simm.s32 $0xA;
	_ =	strace $0x8000004B  }
0xc1: {  	_ =	swait.ge [sflag:s29], $0x1  }
0xc2: {  	[sflag:s29] =	ssyncadd.s32 $0xFFFFFFFF  }
0xc3: {  	_ =	strace $0x9000004B  }
0xc4: {  	_ =	sfence  }
0xc5: {  	s30 =	sld [smem:$0x0];
	_ =	sdelay $0x2  }
0xc6: {  	s31 =	sshll.u32 s1, $0xD;
	s1 =	sshrl.u32 s1, $0x2  }
0xc7: {  	s4 =	sand.u32 $0x4000, s31;
	s1 =	sadd.s32 s1, s30  }
0xc8: {  	s0 =	sor.u32 s4, s0;
	s1 =	sshll.u32 s1, $0x11  }
0xc9: {  	s0 =	sor.u32 s1, s0  }
0xca: {  	s0 =	sadd.s32 $0x8F2B, s0  }
0xcb: {  	[sflag:s0] =	ssyncadd.remote.s32 $0x1  }
0xcc: {  	_ =	sfence.sel $0xFFFF  }
0xcd: {  	[dreg:$0x0] =	wrdreg $0xFFFFFFFF;
	(pc) =	sbr.abs _section_cstart, $3  }
0xce: {  	[dreg:$0x1] =	wrdreg $0xFFFFFFFF  }
0xcf: {  	_ =	task.clear_ibuf [dreg:s22], $0x2FFFF;
	_ =	strace $0x9FFFFFFF  }
0xd0: {  	(tm) =	ssettm $0x7FFFFFFF  }
0xd1: {  	_ =	shalt  }
tec
execute0_lowered:
.L_overlay_start_1:
0x0: {  	(tag) =	ssettag $0x1  }
0x1: {  	s5 =	rddreg [dreg:$0x0]  }
0x2: {  	s0 =	rddreg [dreg:$0x1];
	s2 =	simm.s32 $0x0;
	s3 =	srdreg.scid  }
0x3: {  	s1 =	stileid.u32;
	s16 =	simm.s32 $0x40;
	s17 =	simm.s32 $0x6080  }
0x4: {  	s18 =	simm.s32 $0x6100;
	s19 =	simm.s32 $0xA100;
	s20 =	simm.s32 $0x3  }
0x5: {  	s21 =	simm.s32 $0x2;
	s22 =	simm.s32 $0x4;
	[smem:$0x7FF] =	sst s2  }
0x6: {  	s9 =	sand.u32 $0x1, s3;
	s6 =	smul.u32 $0x3200, s1;
	s3 =	sadd.s32 $0x190E00, s5  }
0x7: {  	s23 =	simm.s32 $0x0;
	s4 =	sadd.s32 $0x317800, s5;
	s13 =	sadd.s32 $0xA1AE00, s5  }
0x8: {  	s11 =	sadd.s32 $0xA400, s5;
	s26 =	sadd.s32 $0xD3AE00, s5;
	s15 =	smul.u32 $0x32000, s1  }
0x9: {  	_ =	strace $0x8000004A;
	s7 =	smul.u32 $0x1900, s9;
	s8 =	ssub.s32 $0x2, s9  }
0xa: {  	s29 =	smul.u32 $0x19000, s9;
	s10 =	sshrl.u32 s8, $0x1;
	s30 =	sadd.s32 s15, s26  }
0xb: {  	s31 =	sadd.s32 s15, s13;
	s15 =	simm.s32 $0x1;
	s12 =	sadd.s32 s7, s6  }
0xc: {  	s25 =	ssub.s32 s8, s10;
	s9 =	sadd.s32 s29, s30;
	s7 =	sor.u32 $0x80, s12  }
0xd: {  	s10 =	sadd.s32 s29, s31;
	s5 =	smax.u32 s25, $0x1;
	s28 =	sshll.u32 s7, $0x4  }
0xe: {  	s12 =	sshrl.u32 s12, $0x3;
	s14 =	sshrl.u32 s7, $0x3;
	s6 =	sadd.s32 s28, s13  }
0xf: {  	s7 =	sadd.s32 s28, s26;
	s8 =	sadd.s32 s14, s11;
	s11 =	sadd.s32 s12, s11  }
0x10: {  	s12 =	simm.s32 $0x5;
	s13 =	simm.s32 $0x80;
	s14 =	simm.s32 $0x4080  }
.LBB2_1:
0x11: {  	p0 =	por $0x1, $0x1  }
0x12: {  	s24 =	simm.s32 @!p0 $0x2  }
0x13: {  	_ =	swait.ge @!p0 [sflag:s24], $0x4000  }
0x14: {  	[sflag:s24] =	ssyncset.done @!p0 $0x0  }
0x15: {  	[sflag:s24] =	ssyncadd.s32 @!p0 $0xFFFFC000  }
0x16: {  	_ =	swait.ge @!p0 [sflag:s24], $0x2000  }
0x17: {  	[sflag:s24] =	ssyncset.done @!p0 $0x0  }
0x18: {  	[sflag:s24] =	ssyncadd.s32 @!p0 $0xFFFFE000  }
0x19: {  	[tilespmem:s2], [sflag:$0x5] =	stream.linear.gather [hbm4b:s11+s2], $0x80, $0x38;
	[tilespmem:$0xC100] =	vst v63  }
0x1a: {  	_ =	swait.ge [sflag:s12], $0x80  }
0x1b: {  	[sflag:s12] =	ssyncset.done $0x0  }
0x1c: {  	[sflag:s12] =	ssyncadd.s32 $0xFFFFFF80  }
0x1d: {  	[tilespmem:s13], [sflag:$0x1] =	stream.indirect.gather [hbm4b:s3+s13], $0x80, s2, s13, $0xb8;
	[tilespmem:$0xC100] =	vst v63  }
0x1e: {  	_ = 	snop  }
0x1f: {  	[tilespmem:s14], [sflag:$0x1] =	stream.indirect.gather [hbm4b:s4+s13], $0x40, s2, s13, $0xb8;
	[tilespmem:$0xC100] =	vst v63  }
0x20: {  	_ =	swait.ge [sflag:s15], $0x4000  }
0x21: {  	[sflag:s15] =	ssyncset.done $0x0  }
0x22: {  	[sflag:s15] =	ssyncadd.s32 $0xFFFFC000  }
0x23: {  	_ =	swait.ge [sflag:s15], $0x2000  }
0x24: {  	[sflag:s15] =	ssyncset.done $0x0  }
0x25: {  	s26 =	sadd.s32 $0x0, s10;
	[sflag:s15] =	ssyncadd.s32 $0xFFFFE000  }
0x26: {  	[hbm4b:s26+s2] =	stream.linear.scatter [tilespmem:s13], [sflag:$0x2], $0x4000, $0x38;
	[tilespmem:$0xC100] =	vst v63  }
0x27: {  	s29 =	sadd.s32 $0x0, s9;
	s25 =	simm.s32 @!p0 $0x4  }
0x28: {  	[hbm4b:s29+s16] =	stream.strided.scatter [tilespmem:s14], [sflag:$0x2], $0x2000, s13, s16, $0x38;
	[tilespmem:$0xC100] =	vst v63  }
0x29: {  	_ =	swait.ge @!p0 [sflag:s25], $0x4000  }
0x2a: {  	[sflag:s25] =	ssyncset.done @!p0 $0x0  }
0x2b: {  	[sflag:s25] =	ssyncadd.s32 @!p0 $0xFFFFC000  }
0x2c: {  	_ =	swait.ge @!p0 [sflag:s25], $0x2000  }
0x2d: {  	[sflag:s25] =	ssyncset.done @!p0 $0x0  }
0x2e: {  	[sflag:s25] =	ssyncadd.s32 @!p0 $0xFFFFE000  }
0x2f: {  	[tilespmem:s17], [sflag:$0x5] =	stream.linear.gather [hbm4b:s8+s2], $0x80, $0x38;
	[tilespmem:$0xC100] =	vst v63  }
0x30: {  	_ =	swait.ge [sflag:s12], $0x80  }
0x31: {  	[sflag:s12] =	ssyncset.done $0x0  }
0x32: {  	[sflag:s12] =	ssyncadd.s32 $0xFFFFFF80  }
0x33: {  	[tilespmem:s18], [sflag:$0x3] =	stream.indirect.gather [hbm4b:s3+s13], $0x80, s17, s13, $0xb8;
	[tilespmem:$0xC100] =	vst v63  }
0x34: {  	_ = 	snop  }
0x35: {  	[tilespmem:s19], [sflag:$0x3] =	stream.indirect.gather [hbm4b:s4+s13], $0x40, s17, s13, $0xb8;
	[tilespmem:$0xC100] =	vst v63  }
0x36: {  	_ =	swait.ge [sflag:s20], $0x4000  }
0x37: {  	[sflag:s20] =	ssyncset.done $0x0  }
0x38: {  	s31 =	sadd.s32 $0x0, s6;
	[sflag:s20] =	ssyncadd.s32 $0xFFFFC000  }
0x39: {  	s28 =	simm.s32 $0x2000;
	s30 =	sadd.s32 $0x0, s7;
	_ =	swait.ge [sflag:s20], $0x2000  }
0x3a: {  	s24 =	simm.s32 $0x1000;
	s26 =	sadd.s32 $0x20, s11;
	[sflag:s20] =	ssyncset.done $0x0  }
0x3b: {  	p0 =	por $0x0, $0x0;
	s25 =	smov.u32 s8;
	[sflag:s20] =	ssyncadd.s32 $0xFFFFE000  }
0x3c: {  	[hbm4b:s31+s2] =	stream.linear.scatter [tilespmem:s18], [sflag:$0x4], $0x4000, $0x38;
	[tilespmem:$0xC100] =	vst v63  }
.LBB2_2:
0x3d: {  	s31 =	simm.s32 @!p0 $0x2;
	s25 =	sadd.s32 $0x20, s25  }
0x3e: {  	s29 =	smov.u32 s24;
	s24 =	smov.u32 s28;
	s28 =	sadd.s32 $0x1000, s28  }
0x3f: {  	[hbm4b:s30+s16] =	stream.strided.scatter [tilespmem:s19], [sflag:$0x4], $0x2000, s13, s16, $0x38;
	[tilespmem:$0xC100] =	vst v63  }
0x40: {  	p1 =	sne.s32 s28, $0x19000;
	_ =	swait.ge @!p0 [sflag:s31], $0x4000  }
0x41: {  	[sflag:s31] =	ssyncset.done @!p0 $0x0  }
0x42: {  	[sflag:s31] =	ssyncadd.s32 @!p0 $0xFFFFC000  }
0x43: {  	_ =	swait.ge @!p0 [sflag:s31], $0x2000  }
0x44: {  	[sflag:s31] =	ssyncset.done @!p0 $0x0  }
0x45: {  	[sflag:s31] =	ssyncadd.s32 @!p0 $0xFFFFE000  }
0x46: {  	[tilespmem:s2], [sflag:$0x5] =	stream.linear.gather [hbm4b:s26+s2], $0x80, $0x38;
	[tilespmem:$0xC100] =	vst v63  }
0x47: {  	_ =	swait.ge [sflag:s12], $0x80  }
0x48: {  	[sflag:s12] =	ssyncset.done $0x0  }
0x49: {  	[sflag:s12] =	ssyncadd.s32 $0xFFFFFF80  }
0x4a: {  	[tilespmem:s13], [sflag:$0x1] =	stream.indirect.gather [hbm4b:s3+s13], $0x80, s2, s13, $0xb8;
	[tilespmem:$0xC100] =	vst v63  }
0x4b: {  	_ = 	snop  }
0x4c: {  	[tilespmem:s14], [sflag:$0x1] =	stream.indirect.gather [hbm4b:s4+s13], $0x40, s2, s13, $0xb8;
	[tilespmem:$0xC100] =	vst v63  }
0x4d: {  	_ =	swait.ge [sflag:s15], $0x4000  }
0x4e: {  	[sflag:s15] =	ssyncset.done $0x0  }
0x4f: {  	[sflag:s15] =	ssyncadd.s32 $0xFFFFC000  }
0x50: {  	_ =	swait.ge [sflag:s15], $0x2000  }
0x51: {  	[sflag:s15] =	ssyncset.done $0x0  }
0x52: {  	s30 =	sadd.s32 s29, s10;
	[sflag:s15] =	ssyncadd.s32 $0xFFFFE000  }
0x53: {  	[hbm4b:s30+s2] =	stream.linear.scatter [tilespmem:s13], [sflag:$0x2], $0x4000, $0x38;
	[tilespmem:$0xC100] =	vst v63  }
0x54: {  	s31 =	simm.s32 @!p0 $0x4;
	s30 =	sadd.s32 s29, s9  }
0x55: {  	[hbm4b:s30+s16] =	stream.strided.scatter [tilespmem:s14], [sflag:$0x2], $0x2000, s13, s16, $0x38;
	[tilespmem:$0xC100] =	vst v63  }
0x56: {  	_ =	swait.ge @!p0 [sflag:s31], $0x4000  }
0x57: {  	[sflag:s31] =	ssyncset.done @!p0 $0x0  }
0x58: {  	[sflag:s31] =	ssyncadd.s32 @!p0 $0xFFFFC000  }
0x59: {  	_ =	swait.ge @!p0 [sflag:s31], $0x2000  }
0x5a: {  	[sflag:s31] =	ssyncset.done @!p0 $0x0  }
0x5b: {  	[sflag:s31] =	ssyncadd.s32 @!p0 $0xFFFFE000  }
0x5c: {  	[tilespmem:s17], [sflag:$0x5] =	stream.linear.gather [hbm4b:s25+s2], $0x80, $0x38;
	[tilespmem:$0xC100] =	vst v63  }
0x5d: {  	_ =	swait.ge [sflag:s12], $0x80  }
0x5e: {  	[sflag:s12] =	ssyncset.done $0x0  }
0x5f: {  	[sflag:s12] =	ssyncadd.s32 $0xFFFFFF80  }
0x60: {  	[tilespmem:s18], [sflag:$0x3] =	stream.indirect.gather [hbm4b:s3+s13], $0x80, s17, s13, $0xb8;
	[tilespmem:$0xC100] =	vst v63  }
0x61: {  	_ = 	snop  }
0x62: {  	[tilespmem:s19], [sflag:$0x3] =	stream.indirect.gather [hbm4b:s4+s13], $0x40, s17, s13, $0xb8;
	[tilespmem:$0xC100] =	vst v63  }
0x63: {  	_ =	swait.ge [sflag:s20], $0x4000  }
0x64: {  	[sflag:s20] =	ssyncset.done $0x0  }
.Ltmp0:
0x65: {  	[sflag:s20] =	ssyncadd.s32 $0xFFFFC000;
	(pc) =	sbr.rel @p1 .LBB2_2-.Ltmp0, $4  }
0x66: {  	_ =	swait.ge [sflag:s20], $0x2000  }
0x67: {  	s26 =	sadd.s32 $0x20, s26;
	s30 =	sadd.s32 s29, s7;
	[sflag:s20] =	ssyncset.done $0x0  }
0x68: {  	s29 =	sadd.s32 s29, s6;
	p0 =	seq.s32 s24, $0x0;
	[sflag:s20] =	ssyncadd.s32 $0xFFFFE000  }
0x69: {  	[hbm4b:s29+s2] =	stream.linear.scatter [tilespmem:s18], [sflag:$0x4], $0x4000, $0x38;
	[tilespmem:$0xC100] =	vst v63  }
0x6a: {  	s28 =	simm.s32 @!p0 $0x2  }
0x6b: {  	[hbm4b:s30+s16] =	stream.strided.scatter [tilespmem:s19], [sflag:$0x4], $0x2000, s13, s16, $0x38;
	[tilespmem:$0xC100] =	vst v63  }
0x6c: {  	_ =	swait.ge @!p0 [sflag:s28], $0x4000  }
0x6d: {  	[sflag:s28] =	ssyncset.done @!p0 $0x0  }
0x6e: {  	[sflag:s28] =	ssyncadd.s32 @!p0 $0xFFFFC000  }
0x6f: {  	_ =	swait.ge @!p0 [sflag:s28], $0x2000  }
0x70: {  	[sflag:s28] =	ssyncset.done @!p0 $0x0  }
0x71: {  	[sflag:s28] =	ssyncadd.s32 @!p0 $0xFFFFE000  }
0x72: {  	[tilespmem:s2], [sflag:$0x5] =	stream.linear.gather [hbm4b:s26+s2], $0x80, $0x38;
	[tilespmem:$0xC100] =	vst v63  }
0x73: {  	_ =	swait.ge [sflag:s12], $0x80  }
0x74: {  	[sflag:s12] =	ssyncset.done $0x0  }
0x75: {  	[sflag:s12] =	ssyncadd.s32 $0xFFFFFF80  }
0x76: {  	[tilespmem:s13], [sflag:$0x1] =	stream.indirect.gather [hbm4b:s3+s13], $0x80, s2, s13, $0xb8;
	[tilespmem:$0xC100] =	vst v63  }
0x77: {  	_ = 	snop  }
0x78: {  	[tilespmem:s14], [sflag:$0x1] =	stream.indirect.gather [hbm4b:s4+s13], $0x40, s2, s13, $0xb8;
	[tilespmem:$0xC100] =	vst v63  }
0x79: {  	_ =	swait.ge [sflag:s15], $0x4000  }
0x7a: {  	[sflag:s15] =	ssyncset.done $0x0  }
0x7b: {  	[sflag:s15] =	ssyncadd.s32 $0xFFFFC000  }
0x7c: {  	_ =	swait.ge [sflag:s15], $0x2000  }
0x7d: {  	[sflag:s15] =	ssyncset.done $0x0  }
0x7e: {  	s28 =	sadd.s32 s24, s10;
	[sflag:s15] =	ssyncadd.s32 $0xFFFFE000  }
0x7f: {  	[hbm4b:s28+s2] =	stream.linear.scatter [tilespmem:s13], [sflag:$0x2], $0x4000, $0x38;
	[tilespmem:$0xC100] =	vst v63  }
0x80: {  	s29 =	sadd.s32 s24, s9;
	s28 =	simm.s32 @!p0 $0x4  }
0x81: {  	[hbm4b:s29+s16] =	stream.strided.scatter [tilespmem:s14], [sflag:$0x2], $0x2000, s13, s16, $0x38;
	[tilespmem:$0xC100] =	vst v63  }
0x82: {  	_ =	swait.ge @!p0 [sflag:s28], $0x4000  }
0x83: {  	[sflag:s28] =	ssyncset.done @!p0 $0x0  }
0x84: {  	[sflag:s28] =	ssyncadd.s32 @!p0 $0xFFFFC000  }
0x85: {  	_ =	swait.ge @!p0 [sflag:s28], $0x2000  }
0x86: {  	[sflag:s28] =	ssyncset.done @!p0 $0x0  }
0x87: {  	s25 =	sadd.s32 $0x20, s25;
	[sflag:s28] =	ssyncadd.s32 @!p0 $0xFFFFE000  }
0x88: {  	[tilespmem:s17], [sflag:$0x5] =	stream.linear.gather [hbm4b:s25+s2], $0x80, $0x38;
	[tilespmem:$0xC100] =	vst v63  }
0x89: {  	_ =	swait.ge [sflag:s12], $0x80  }
0x8a: {  	[sflag:s12] =	ssyncset.done $0x0  }
0x8b: {  	[sflag:s12] =	ssyncadd.s32 $0xFFFFFF80  }
0x8c: {  	[tilespmem:s18], [sflag:$0x3] =	stream.indirect.gather [hbm4b:s3+s13], $0x80, s17, s13, $0xb8;
	[tilespmem:$0xC100] =	vst v63  }
0x8d: {  	_ = 	snop  }
0x8e: {  	[tilespmem:s19], [sflag:$0x3] =	stream.indirect.gather [hbm4b:s4+s13], $0x40, s17, s13, $0xb8;
	[tilespmem:$0xC100] =	vst v63  }
0x8f: {  	_ =	swait.ge [sflag:s20], $0x4000  }
0x90: {  	[sflag:s20] =	ssyncset.done $0x0  }
0x91: {  	[sflag:s20] =	ssyncadd.s32 $0xFFFFC000  }
0x92: {  	_ =	swait.ge [sflag:s20], $0x2000  }
0x93: {  	[sflag:s20] =	ssyncset.done $0x0  }
0x94: {  	s30 =	sadd.s32 s24, s6;
	[sflag:s20] =	ssyncadd.s32 $0xFFFFE000  }
0x95: {  	[hbm4b:s30+s2] =	stream.linear.scatter [tilespmem:s18], [sflag:$0x4], $0x4000, $0x38;
	[tilespmem:$0xC100] =	vst v63  }
0x96: {  	s31 =	sadd.s32 s24, s7  }
0x97: {  	[hbm4b:s31+s16] =	stream.strided.scatter [tilespmem:s19], [sflag:$0x4], $0x2000, s13, s16, $0x38;
	[tilespmem:$0xC100] =	vst v63  }
0x98: {  	_ =	swait.ge [sflag:s21], $0x4000  }
0x99: {  	[sflag:s21] =	ssyncset.done $0x0  }
0x9a: {  	[sflag:s21] =	ssyncadd.s32 $0xFFFFC000  }
0x9b: {  	_ =	swait.ge [sflag:s21], $0x2000  }
0x9c: {  	[sflag:s21] =	ssyncset.done $0x0  }
0x9d: {  	s23 =	sadd.s32 $0x1, s23;
	[sflag:s21] =	ssyncadd.s32 $0xFFFFE000  }
0x9e: {  	p0 =	sne.s32 s23, s5;
	_ =	swait.ge [sflag:s22], $0x4000  }
.Ltmp1:
0x9f: {  	[sflag:s22] =	ssyncset.done $0x0;
	(pc) =	sbr.rel @p0 .LBB2_1-.Ltmp1, $4  }
0xa0: {  	[sflag:s22] =	ssyncadd.s32 $0xFFFFC000  }
0xa1: {  	_ =	swait.ge [sflag:s22], $0x2000  }
0xa2: {  	[sflag:s22] =	ssyncset.done $0x0  }
0xa3: {  	[sflag:s22] =	ssyncadd.s32 $0xFFFFE000  }
0xa4: {  	_ =	sfence.sel $0x180000  }
0xa5: {  	[bflag:$0x0] =	sbarrier.arrive $0xFFFF  }
0xa6: {  	p0 =	sne.s32 s1, $0x0;
	_ =	strace $0x9000004A  }
0xa7: {  	s0 =	sadd.s32 @!p0 $0x100000, s0;
	[bflag:$0x2] =	sbarrier.arrive $0xFFFF  }
0xa8: {  	[sflag:s0] =	ssyncadd.tile.s32 @!p0 $0x1;
	_ =	shalt  }
.Lfunc_end2:
_tile_overlayer_lowered:
.L_overlay_start_2:
0xa9: {  	(tag) =	ssettag $0x2  }
0xaa: {  	s0 =	rddreg [dreg:$0x0];
	s2 =	stileid.u32  }
0xab: {  	s1 =	rddreg [dreg:$0x1];
	p0 =	sne.s32 s2, $0x0  }
0xac: {  	s3 =	rddreg [dreg:$0x2];
	[bflag:$0x3] =	sbarrier.arrive $0xFFFF;
	s2 =	simm.s32 @!p0 $0x1C05  }
0xad: {  	[timem:s3], [sflag:s2] =	dma.local @!p0 [hbm:s0], s1  }
0xae: {  	s0 =	simm.s32 @!p0 $0x5  }
0xaf: {  	_ =	swait.ge @!p0 [sflag:s0], s1  }
0xb0: {  	s1 =	ssub.s32 @!p0 $0x0, s1;
	[sflag:s0] =	ssyncset.done @!p0 $0x0  }
0xb1: {  	[sflag:s0] =	ssyncadd.s32 @!p0 s1  }
0xb2: {  	[bflag:$0x3] =	sbarrier.arrive $0xFFFF  }
0xb3: {  	_ =	shalt  }

// kernel: kernel.16.cloned.1.call-start
scs
__scs_entry_jumppad:
0x0: {  	(pc) =	sbr.rel $0x88, $3  }
0x1: {  	(tag) =	ssettag $0x0;
	lr =	simm.s32 $0x1  }
0x2: {  	[smem:$0x3F9D] =	sst lr;
	_ =	strace $0xD0000000  }
0x3: {  	_ = 	snop  }
0x4: {  	_ = 	snop  }
0x5: {  	_ = 	snop  }
0x6: {  	_ = 	snop  }
0x7: {  	_ = 	snop  }
__scs_overlays_trampoline_lowered:
0x8: {  	[smem:$0x3FAC] =	sst s0  }
0x9: {  	[smem:$0x3FAD] =	sst s1  }
0xa: {  	[smem:$0x3FAE] =	sst s2  }
0xb: {  	[smem:$0x3FAF] =	sst s3  }
0xc: {  	[smem:$0x3FB0] =	sst s4  }
0xd: {  	[smem:$0x3FB1] =	sst s5  }
0xe: {  	[smem:$0x3FB2] =	sst s6  }
0xf: {  	[smem:$0x3FB3] =	sst s7  }
0x10: {  	[smem:$0x3FB4] =	sst s8  }
0x11: {  	[smem:$0x3FB5] =	sst s9;
	s0 =	simm.s32 @!p0 $0x0  }
0x12: {  	s1 =	sld [smem:$0x3F9B];
	s0 =	simm.s32 @p0 $0x1  }
0x13: {  	[smem:$0x3FB6] =	sst s0;
	s0 =	simm.s32 @!p1 $0x0  }
0x14: {  	s2 =	sld [smem:$0x3F9A];
	s0 =	simm.s32 @p1 $0x1  }
0x15: {  	[smem:$0x3FB7] =	sst s0;
	s0 =	simm.s32 @!p2 $0x0  }
0x16: {  	s3 =	sld [smem:$0x3FDB];
	s0 =	simm.s32 @p2 $0x1  }
0x17: {  	s4 =	simm.s32 $0x1BF5;
	[smem:$0x3FB9] =	sst s0  }
0x18: {  	s0 =	sld [smem:$0x3F9C];
	_ =	swait.ge [sflag:s4], $0x0  }
0x19: {  	s7 =	sld [smem:$0x3F9D]  }
0x1a: {  	s8 =	sadd.s32 $0xFFFFE003, lr  }
0x1b: {  	s9 =	sadd.s32 $0xFFFFFEF7, lr;
	s5 =	simm.s32 $0xFFFFFFFF;
	p2 =	slt.u32 s8, $0xFFFFF086  }
0x1c: {  	p1 =	slt.u32 s9, $0xF7A;
	s5 =	simm.s32 @!p2 $0x0  }
0x1d: {  	s5 =	simm.s32 @p1 $0x1;
	p0 =	seq.s32 s7, s2  }
0x1e: {  	s7 =	smul.u32 @!p0 $0xF7A, s2;
	p2 =	seq.s32 @!p0 s5, $0x0  }
0x1f: {  	s9 =	smul.u32 $0xF7A, s1;
	s8 =	simm.s32 @!p0 $0x1BF5;
	p2 =	por !p2, p0  }
0x20: {  	[sflag:s8] =	ssyncset.s32 @!p0 $0xFFFFF086;
	s6 =	sadd.s32 @!p0 s3, s7;
	s7 =	simm.s32 @!p0 $0x108  }
0x21: {  	s3 =	sadd.s32 s3, s9;
	s6 =	sadd.s32 @!p0 $0x88, s6;
	s7 =	simm.s32 @p2 $0x1082  }
0x22: {  	[simem:s7], [sflag:s8] =	dma.local @!p0 [hbm:s6], $0xF7A  }
0x23: {  	s9 =	sor.u32 $0xD0000000, s2;
	s6 =	simm.s32 $0x108;
	_ =	swait.ge @!p0 [sflag:s8], $0x0  }
0x24: {  	s3 =	sadd.s32 $0x88, s3;
	s6 =	simm.s32 @!p1 $0x1082;
	[sflag:s4] =	ssyncset.s32 $0xFFFFF086  }
0x25: {  	[simem:s6], [sflag:s4] =	dma.local [hbm:s3], $0xF7A  }
0x26: {  	[smem:$0x3F9D] =	sst s1;
	(tag) =	ssettag s2;
	_ =	strace s9  }
0x27: {  	s1 =	sld [smem:$0x3FAD]  }
0x28: {  	s2 =	sld [smem:$0x3FAE]  }
0x29: {  	s4 =	sld [smem:$0x3FB0]  }
0x2a: {  	p0 =	seq.s32 s5, $0x0;
	s5 =	sld [smem:$0x3FB1]  }
0x2b: {  	s6 =	sld [smem:$0x3FB2]  }
0x2c: {  	s7 =	sld [smem:$0x3FB3]  }
0x2d: {  	s3 =	simm.s32 $0x108;
	s8 =	sld [smem:$0x3FB4]  }
0x2e: {  	s3 =	simm.s32 @!p0 $0x1082;
	s9 =	sld [smem:$0x3FB5]  }
0x2f: {  	lr =	sadd.s32 s0, s3;
	s0 =	sld [smem:$0x3FAC]  }
0x30: {  	s3 =	sld [smem:$0x3FAF]  }
0x31: {  	[smem:$0x3FB8] =	sst s10  }
0x32: {  	s10 =	sld [smem:$0x3FB6];
	_ =	sdelay $0x3  }
0x33: {  	p0 =	seq.s32 s10, $0x1;
	s10 =	sld [smem:$0x3FB8];
	_ =	sdelay $0x3  }
0x34: {  	[smem:$0x3FB8] =	sst s10  }
0x35: {  	s10 =	sld [smem:$0x3FB7];
	_ =	sdelay $0x3  }
0x36: {  	p1 =	seq.s32 s10, $0x1;
	s10 =	sld [smem:$0x3FB8];
	_ =	sdelay $0x3  }
0x37: {  	[smem:$0x3FB8] =	sst s10  }
0x38: {  	s10 =	sld [smem:$0x3FB9]  }
0x39: {  	_ = 	snop;
	(pc) =	sbr.ind lr, $3  }
0x3a: {  	_ = 	snop  }
0x3b: {  	_ = 	snop  }
0x3c: {  	p2 =	seq.s32 s10, $0x1;
	s10 =	sld [smem:$0x3FB8]  }
0x3d: {  	_ =	shalt  }
0x3e: {  	_ =	shalt  }
0x3f: {  	_ =	shalt  }
0x40: {  	_ =	shalt  }
0x41: {  	_ =	shalt  }
0x42: {  	_ =	shalt  }
0x43: {  	_ =	shalt  }
0x44: {  	_ =	shalt  }
0x45: {  	_ =	shalt  }
0x46: {  	_ =	shalt  }
0x47: {  	_ =	shalt  }
0x48: {  	_ =	shalt  }
0x49: {  	_ =	shalt  }
0x4a: {  	_ =	shalt  }
0x4b: {  	_ =	shalt  }
0x4c: {  	_ =	shalt  }
0x4d: {  	_ =	shalt  }
0x4e: {  	_ =	shalt  }
0x4f: {  	_ =	shalt  }
0x50: {  	_ =	shalt  }
0x51: {  	_ =	shalt  }
0x52: {  	_ =	shalt  }
0x53: {  	_ =	shalt  }
0x54: {  	_ =	shalt  }
0x55: {  	_ =	shalt  }
0x56: {  	_ =	shalt  }
0x57: {  	_ =	shalt  }
0x58: {  	_ =	shalt  }
0x59: {  	_ =	shalt  }
0x5a: {  	_ =	shalt  }
0x5b: {  	_ =	shalt  }
0x5c: {  	_ =	shalt  }
0x5d: {  	_ =	shalt  }
0x5e: {  	_ =	shalt  }
0x5f: {  	_ =	shalt  }
0x60: {  	_ =	shalt  }
0x61: {  	_ =	shalt  }
0x62: {  	_ =	shalt  }
0x63: {  	_ =	shalt  }
0x64: {  	_ =	shalt  }
0x65: {  	_ =	shalt  }
0x66: {  	_ =	shalt  }
0x67: {  	_ =	shalt  }
0x68: {  	_ =	shalt  }
0x69: {  	_ =	shalt  }
0x6a: {  	_ =	shalt  }
0x6b: {  	_ =	shalt  }
0x6c: {  	_ =	shalt  }
0x6d: {  	_ =	shalt  }
0x6e: {  	_ =	shalt  }
0x6f: {  	_ =	shalt  }
0x70: {  	_ =	shalt  }
0x71: {  	_ =	shalt  }
0x72: {  	_ =	shalt  }
0x73: {  	_ =	shalt  }
0x74: {  	_ =	shalt  }
0x75: {  	_ =	shalt  }
0x76: {  	_ =	shalt  }
0x77: {  	_ =	shalt  }
0x78: {  	_ =	shalt  }
0x79: {  	_ =	shalt  }
0x7a: {  	_ =	shalt  }
0x7b: {  	_ =	shalt  }
0x7c: {  	_ =	shalt  }
0x7d: {  	_ =	shalt  }
0x7e: {  	_ =	shalt  }
0x7f: {  	_ =	shalt  }
0x80: {  	_ =	shalt  }
0x81: {  	_ =	shalt  }
0x82: {  	_ =	shalt  }
0x83: {  	_ =	shalt  }
0x84: {  	_ =	shalt  }
0x85: {  	_ =	shalt  }
0x86: {  	_ =	shalt  }
0x87: {  	_ =	shalt  }
.Lfunc_end0:
.L_simem_size_0:
called_computation.2_lowered:
.L_overlay_start_0:
0x88: {  	s2 =	sld [smem:$0x3FD9]  }
0x89: {  	s3 =	sld [smem:$0x3FFE];
	_ =	sdelay $0x1  }
0x8a: {  	s1 =	srdreg.scid  }
0x8b: {  	s0 =	sand.u32 $0x1, s1  }
0x8c: {  	s17 =	sshll.u32 s0, $0xA;
	s2 =	sadd.s32 s3, s2  }
0x8d: {  	s2 =	sadd.s32 s2, s17  }
0x8e: {  	[smem:$0x3FC4] =	sst s2  }
0x8f: {  	_ = 	snop  }
0x90: {  	(tm) =	ssettm $0x1  }
0x91: {  	s18 =	sld [smem:$0x3FFB];
	_ =	sdelay $0x3  }
0x92: {  	_ =	strace s18  }
0x93: {  	s2 =	sld [smem:$0x3FFC];
	_ =	sdelay $0x3  }
0x94: {  	_ =	strace s2  }
0x95: {  	s2 =	sld [smem:$0x3FFD];
	_ =	sdelay $0x3  }
0x96: {  	_ =	strace s2  }
0x97: {  	_ =	strace $0x8FFFFFFF  }
0x98: {  	s19 =	sld [smem:$0x3FDB];
	_ =	sdelay $0x1  }
0x99: {  	s20 =	simm.s32 $_scs_section_size  }
0x9a: {  	s4 =	simm.s32 $_size__tile_overlayer_lowered;
	s5 =	simm.s32 $_tile_overlayer_lowered  }
0x9b: {  	s6 =	simm.s32 $0x1BFF;
	s21 =	sshll.u32 s5, $0x1;
	s3 =	sadd.s32 s20, s19  }
0x9c: {  	s22 =	simm.s32 $0x0;
	s4 =	sshll.u32 s4, $0x1;
	s5 =	sadd.s32 s21, s3  }
0x9d: {  	[timem:s22], [sflag:s6] =	dma.local [hbm:s5], s4  }
0x9e: {  	_ =	swait.ge [sflag:s6], s4  }
0x9f: {  	s4 =	ssub.s32 $0x0, s4;
	[sflag:s6] =	ssyncset.done $0x0  }
0xa0: {  	[sflag:s6] =	ssyncadd.s32 s4;
	_ =	sdelay $0x1  }
0xa1: {  	s23 =	simm.s32 $0x1B8B  }
0xa2: {  	_ =	swait.ge [sflag:s23], $0x1  }
0xa3: {  	[sflag:s23] =	ssyncset.done $0x0  }
0xa4: {  	[sflag:s23] =	ssyncadd.s32 $0xFFFFFFFF  }
0xa5: {  	s4 =	sld [smem:$0x0]  }
0xa6: {  	s5 =	sand.u32 $0xFFFFFFFE, s1  }
0xa7: {  	p0 =	sne.s32 s1, s5  }
0xa8: {  	s5 =	sshll.u32 @p0 s5, $0xE  }
0xa9: {  	s5 =	sadd.s32 @p0 $0x11B8D, s5;
	s6 =	sshll.u32 @p0 s4, $0x11  }
0xaa: {  	s5 =	sor.u32 @p0 s6, s5  }
0xab: {  	[sflag:s5] =	ssyncadd.remote.s32 @p0 $0x1;
	_ =	sdelay $0x1  }
0xac: {  	s5 =	simm.s32 @p0 $0x1B8D  }
0xad: {  	_ =	swait.eq @p0 [sflag:s5], $0x1  }
0xae: {  	[sflag:s5] =	ssyncadd.s32 @p0 $0xFFFFFFFF  }
0xaf: {  	s6 =	sshll.u32 @!p0 s1, $0xE  }
0xb0: {  	s6 =	sor.u32 @!p0 $0x4000, s6;
	s5 =	simm.s32 @!p0 $0x1B8D  }
0xb1: {  	s4 =	sshll.u32 @!p0 s4, $0x11;
	s6 =	sadd.s32 @!p0 $0x11B8D, s6;
	_ =	swait.eq @!p0 [sflag:s5], $0x1  }
0xb2: {  	s4 =	sor.u32 @!p0 s4, s6;
	[sflag:s5] =	ssyncadd.s32 @!p0 $0xFFFFFFFF  }
0xb3: {  	s25 =	simm.s32 $0x1B8E;
	s24 =	sld [smem:$0x3FFE];
	[sflag:s4] =	ssyncadd.remote.s32 @!p0 $0x1  }
0xb4: {  	s26 =	simm.s32 $execute0_lowered;
	[smem:$0x3FD2] =	sst s25  }
0xb5: {  	s5 =	sshll.u32 s26, $0x1;
	_ =	strace $0x8000004C;
	[dreg:$0x1] =	wrdreg $0xFFFFFFFF  }
0xb6: {  	s28 =	simm.s32 $_size_execute0_lowered;
	s3 =	sadd.s32 s3, s5;
	[dreg:$0x0] =	wrdreg $0x0  }
0xb7: {  	s5 =	sshll.u32 s28, $0x1;
	[dreg:$0x2] =	wrdreg s3  }
0xb8: {  	[dreg:$0x3] =	wrdreg s5  }
0xb9: {  	[dreg:$0x4] =	wrdreg $0xC0  }
0xba: {  	_ =	task [dreg:s22], $0x5FFFF  }
0xbb: {  	[dreg:$0x1] =	wrdreg $0xFFFFFFFF  }
0xbc: {  	[dreg:$0x0] =	wrdreg $0x60  }
0xbd: {  	[dreg:$0x2] =	wrdreg s24  }
0xbe: {  	[dreg:$0x3] =	wrdreg $0xB  }
0xbf: {  	_ =	task.clear_ibuf [dreg:s22], $0x4FFFF;
	_ =	strace $0x9000004C  }
0xc0: {  	s29 =	simm.s32 $0xB;
	_ =	strace $0x8000004E  }
0xc1: {  	_ =	swait.ge [sflag:s29], $0x1  }
0xc2: {  	[sflag:s29] =	ssyncadd.s32 $0xFFFFFFFF  }
0xc3: {  	_ =	strace $0x9000004E  }
0xc4: {  	_ =	sfence  }
0xc5: {  	s30 =	sld [smem:$0x0];
	_ =	sdelay $0x2  }
0xc6: {  	s31 =	sshll.u32 s1, $0xD;
	s1 =	sshrl.u32 s1, $0x2  }
0xc7: {  	s4 =	sand.u32 $0x4000, s31;
	s1 =	sadd.s32 s1, s30  }
0xc8: {  	s0 =	sor.u32 s4, s0;
	s1 =	sshll.u32 s1, $0x11  }
0xc9: {  	s0 =	sor.u32 s1, s0  }
0xca: {  	s0 =	sadd.s32 $0x8F2B, s0  }
0xcb: {  	[sflag:s0] =	ssyncadd.remote.s32 $0x1  }
0xcc: {  	_ =	sfence.sel $0xFFFF  }
0xcd: {  	[dreg:$0x0] =	wrdreg $0xFFFFFFFF;
	(pc) =	sbr.abs _section_cstart, $3  }
0xce: {  	[dreg:$0x1] =	wrdreg $0xFFFFFFFF  }
0xcf: {  	_ =	task.clear_ibuf [dreg:s22], $0x2FFFF;
	_ =	strace $0x9FFFFFFF  }
0xd0: {  	(tm) =	ssettm $0x7FFFFFFF  }
0xd1: {  	_ =	shalt  }
tec
execute0_lowered:
.L_overlay_start_1:
0x0: {  	(tag) =	ssettag $0x1  }
0x1: {  	s5 =	rddreg [dreg:$0x0]  }
0x2: {  	s0 =	rddreg [dreg:$0x1];
	s2 =	simm.s32 $0x0;
	s3 =	srdreg.scid  }
0x3: {  	s1 =	stileid.u32;
	s16 =	simm.s32 $0x40;
	s17 =	simm.s32 $0x6080  }
0x4: {  	s18 =	simm.s32 $0x6100;
	s19 =	simm.s32 $0xA100;
	s20 =	simm.s32 $0x3  }
0x5: {  	s21 =	simm.s32 $0x2;
	s22 =	simm.s32 $0x4;
	[smem:$0x7FF] =	sst s2  }
0x6: {  	s9 =	sand.u32 $0x1, s3;
	s6 =	smul.u32 $0x3200, s1;
	s3 =	sadd.s32 $0x190E00, s5  }
0x7: {  	s23 =	simm.s32 $0x0;
	s4 =	sadd.s32 $0x317800, s5;
	s13 =	sadd.s32 $0x105AE00, s5  }
0x8: {  	s11 =	sadd.s32 $0x10800, s5;
	s26 =	sadd.s32 $0x137AE00, s5;
	s15 =	smul.u32 $0x32000, s1  }
0x9: {  	_ =	strace $0x8000004D;
	s7 =	smul.u32 $0x1900, s9;
	s8 =	ssub.s32 $0x2, s9  }
0xa: {  	s29 =	smul.u32 $0x19000, s9;
	s10 =	sshrl.u32 s8, $0x1;
	s30 =	sadd.s32 s15, s26  }
0xb: {  	s31 =	sadd.s32 s15, s13;
	s15 =	simm.s32 $0x1;
	s12 =	sadd.s32 s7, s6  }
0xc: {  	s25 =	ssub.s32 s8, s10;
	s9 =	sadd.s32 s29, s30;
	s7 =	sor.u32 $0x80, s12  }
0xd: {  	s10 =	sadd.s32 s29, s31;
	s5 =	smax.u32 s25, $0x1;
	s28 =	sshll.u32 s7, $0x4  }
0xe: {  	s12 =	sshrl.u32 s12, $0x3;
	s14 =	sshrl.u32 s7, $0x3;
	s6 =	sadd.s32 s28, s13  }
0xf: {  	s7 =	sadd.s32 s28, s26;
	s8 =	sadd.s32 s14, s11;
	s11 =	sadd.s32 s12, s11  }
0x10: {  	s12 =	simm.s32 $0x5;
	s13 =	simm.s32 $0x80;
	s14 =	simm.s32 $0x4080  }
.LBB2_1:
0x11: {  	p0 =	por $0x1, $0x1  }
0x12: {  	s24 =	simm.s32 @!p0 $0x2  }
0x13: {  	_ =	swait.ge @!p0 [sflag:s24], $0x4000  }
0x14: {  	[sflag:s24] =	ssyncset.done @!p0 $0x0  }
0x15: {  	[sflag:s24] =	ssyncadd.s32 @!p0 $0xFFFFC000  }
0x16: {  	_ =	swait.ge @!p0 [sflag:s24], $0x2000  }
0x17: {  	[sflag:s24] =	ssyncset.done @!p0 $0x0  }
0x18: {  	[sflag:s24] =	ssyncadd.s32 @!p0 $0xFFFFE000  }
0x19: {  	[tilespmem:s2], [sflag:$0x5] =	stream.linear.gather [hbm4b:s11+s2], $0x80, $0x38;
	[tilespmem:$0xC100] =	vst v63  }
0x1a: {  	_ =	swait.ge [sflag:s12], $0x80  }
0x1b: {  	[sflag:s12] =	ssyncset.done $0x0  }
0x1c: {  	[sflag:s12] =	ssyncadd.s32 $0xFFFFFF80  }
0x1d: {  	[tilespmem:s13], [sflag:$0x1] =	stream.indirect.gather [hbm4b:s3+s13], $0x80, s2, s13, $0xb8;
	[tilespmem:$0xC100] =	vst v63  }
0x1e: {  	_ = 	snop  }
0x1f: {  	[tilespmem:s14], [sflag:$0x1] =	stream.indirect.gather [hbm4b:s4+s13], $0x40, s2, s13, $0xb8;
	[tilespmem:$0xC100] =	vst v63  }
0x20: {  	_ =	swait.ge [sflag:s15], $0x4000  }
0x21: {  	[sflag:s15] =	ssyncset.done $0x0  }
0x22: {  	[sflag:s15] =	ssyncadd.s32 $0xFFFFC000  }
0x23: {  	_ =	swait.ge [sflag:s15], $0x2000  }
0x24: {  	[sflag:s15] =	ssyncset.done $0x0  }
0x25: {  	s26 =	sadd.s32 $0x0, s10;
	[sflag:s15] =	ssyncadd.s32 $0xFFFFE000  }
0x26: {  	[hbm4b:s26+s2] =	stream.linear.scatter [tilespmem:s13], [sflag:$0x2], $0x4000, $0x38;
	[tilespmem:$0xC100] =	vst v63  }
0x27: {  	s29 =	sadd.s32 $0x0, s9;
	s25 =	simm.s32 @!p0 $0x4  }
0x28: {  	[hbm4b:s29+s16] =	stream.strided.scatter [tilespmem:s14], [sflag:$0x2], $0x2000, s13, s16, $0x38;
	[tilespmem:$0xC100] =	vst v63  }
0x29: {  	_ =	swait.ge @!p0 [sflag:s25], $0x4000  }
0x2a: {  	[sflag:s25] =	ssyncset.done @!p0 $0x0  }
0x2b: {  	[sflag:s25] =	ssyncadd.s32 @!p0 $0xFFFFC000  }
0x2c: {  	_ =	swait.ge @!p0 [sflag:s25], $0x2000  }
0x2d: {  	[sflag:s25] =	ssyncset.done @!p0 $0x0  }
0x2e: {  	[sflag:s25] =	ssyncadd.s32 @!p0 $0xFFFFE000  }
0x2f: {  	[tilespmem:s17], [sflag:$0x5] =	stream.linear.gather [hbm4b:s8+s2], $0x80, $0x38;
	[tilespmem:$0xC100] =	vst v63  }
0x30: {  	_ =	swait.ge [sflag:s12], $0x80  }
0x31: {  	[sflag:s12] =	ssyncset.done $0x0  }
0x32: {  	[sflag:s12] =	ssyncadd.s32 $0xFFFFFF80  }
0x33: {  	[tilespmem:s18], [sflag:$0x3] =	stream.indirect.gather [hbm4b:s3+s13], $0x80, s17, s13, $0xb8;
	[tilespmem:$0xC100] =	vst v63  }
0x34: {  	_ = 	snop  }
0x35: {  	[tilespmem:s19], [sflag:$0x3] =	stream.indirect.gather [hbm4b:s4+s13], $0x40, s17, s13, $0xb8;
	[tilespmem:$0xC100] =	vst v63  }
0x36: {  	_ =	swait.ge [sflag:s20], $0x4000  }
0x37: {  	[sflag:s20] =	ssyncset.done $0x0  }
0x38: {  	s31 =	sadd.s32 $0x0, s6;
	[sflag:s20] =	ssyncadd.s32 $0xFFFFC000  }
0x39: {  	s28 =	simm.s32 $0x2000;
	s30 =	sadd.s32 $0x0, s7;
	_ =	swait.ge [sflag:s20], $0x2000  }
0x3a: {  	s24 =	simm.s32 $0x1000;
	s26 =	sadd.s32 $0x20, s11;
	[sflag:s20] =	ssyncset.done $0x0  }
0x3b: {  	p0 =	por $0x0, $0x0;
	s25 =	smov.u32 s8;
	[sflag:s20] =	ssyncadd.s32 $0xFFFFE000  }
0x3c: {  	[hbm4b:s31+s2] =	stream.linear.scatter [tilespmem:s18], [sflag:$0x4], $0x4000, $0x38;
	[tilespmem:$0xC100] =	vst v63  }
.LBB2_2:
0x3d: {  	s31 =	simm.s32 @!p0 $0x2;
	s25 =	sadd.s32 $0x20, s25  }
0x3e: {  	s29 =	smov.u32 s24;
	s24 =	smov.u32 s28;
	s28 =	sadd.s32 $0x1000, s28  }
0x3f: {  	[hbm4b:s30+s16] =	stream.strided.scatter [tilespmem:s19], [sflag:$0x4], $0x2000, s13, s16, $0x38;
	[tilespmem:$0xC100] =	vst v63  }
0x40: {  	p1 =	sne.s32 s28, $0x19000;
	_ =	swait.ge @!p0 [sflag:s31], $0x4000  }
0x41: {  	[sflag:s31] =	ssyncset.done @!p0 $0x0  }
0x42: {  	[sflag:s31] =	ssyncadd.s32 @!p0 $0xFFFFC000  }
0x43: {  	_ =	swait.ge @!p0 [sflag:s31], $0x2000  }
0x44: {  	[sflag:s31] =	ssyncset.done @!p0 $0x0  }
0x45: {  	[sflag:s31] =	ssyncadd.s32 @!p0 $0xFFFFE000  }
0x46: {  	[tilespmem:s2], [sflag:$0x5] =	stream.linear.gather [hbm4b:s26+s2], $0x80, $0x38;
	[tilespmem:$0xC100] =	vst v63  }
0x47: {  	_ =	swait.ge [sflag:s12], $0x80  }
0x48: {  	[sflag:s12] =	ssyncset.done $0x0  }
0x49: {  	[sflag:s12] =	ssyncadd.s32 $0xFFFFFF80  }
0x4a: {  	[tilespmem:s13], [sflag:$0x1] =	stream.indirect.gather [hbm4b:s3+s13], $0x80, s2, s13, $0xb8;
	[tilespmem:$0xC100] =	vst v63  }
0x4b: {  	_ = 	snop  }
0x4c: {  	[tilespmem:s14], [sflag:$0x1] =	stream.indirect.gather [hbm4b:s4+s13], $0x40, s2, s13, $0xb8;
	[tilespmem:$0xC100] =	vst v63  }
0x4d: {  	_ =	swait.ge [sflag:s15], $0x4000  }
0x4e: {  	[sflag:s15] =	ssyncset.done $0x0  }
0x4f: {  	[sflag:s15] =	ssyncadd.s32 $0xFFFFC000  }
0x50: {  	_ =	swait.ge [sflag:s15], $0x2000  }
0x51: {  	[sflag:s15] =	ssyncset.done $0x0  }
0x52: {  	s30 =	sadd.s32 s29, s10;
	[sflag:s15] =	ssyncadd.s32 $0xFFFFE000  }
0x53: {  	[hbm4b:s30+s2] =	stream.linear.scatter [tilespmem:s13], [sflag:$0x2], $0x4000, $0x38;
	[tilespmem:$0xC100] =	vst v63  }
0x54: {  	s31 =	simm.s32 @!p0 $0x4;
	s30 =	sadd.s32 s29, s9  }
0x55: {  	[hbm4b:s30+s16] =	stream.strided.scatter [tilespmem:s14], [sflag:$0x2], $0x2000, s13, s16, $0x38;
	[tilespmem:$0xC100] =	vst v63  }
0x56: {  	_ =	swait.ge @!p0 [sflag:s31], $0x4000  }
0x57: {  	[sflag:s31] =	ssyncset.done @!p0 $0x0  }
0x58: {  	[sflag:s31] =	ssyncadd.s32 @!p0 $0xFFFFC000  }
0x59: {  	_ =	swait.ge @!p0 [sflag:s31], $0x2000  }
0x5a: {  	[sflag:s31] =	ssyncset.done @!p0 $0x0  }
0x5b: {  	[sflag:s31] =	ssyncadd.s32 @!p0 $0xFFFFE000  }
0x5c: {  	[tilespmem:s17], [sflag:$0x5] =	stream.linear.gather [hbm4b:s25+s2], $0x80, $0x38;
	[tilespmem:$0xC100] =	vst v63  }
0x5d: {  	_ =	swait.ge [sflag:s12], $0x80  }
0x5e: {  	[sflag:s12] =	ssyncset.done $0x0  }
0x5f: {  	[sflag:s12] =	ssyncadd.s32 $0xFFFFFF80  }
0x60: {  	[tilespmem:s18], [sflag:$0x3] =	stream.indirect.gather [hbm4b:s3+s13], $0x80, s17, s13, $0xb8;
	[tilespmem:$0xC100] =	vst v63  }
0x61: {  	_ = 	snop  }
0x62: {  	[tilespmem:s19], [sflag:$0x3] =	stream.indirect.gather [hbm4b:s4+s13], $0x40, s17, s13, $0xb8;
	[tilespmem:$0xC100] =	vst v63  }
0x63: {  	_ =	swait.ge [sflag:s20], $0x4000  }
0x64: {  	[sflag:s20] =	ssyncset.done $0x0  }
.Ltmp0:
0x65: {  	[sflag:s20] =	ssyncadd.s32 $0xFFFFC000;
	(pc) =	sbr.rel @p1 .LBB2_2-.Ltmp0, $4  }
0x66: {  	_ =	swait.ge [sflag:s20], $0x2000  }
0x67: {  	s26 =	sadd.s32 $0x20, s26;
	s30 =	sadd.s32 s29, s7;
	[sflag:s20] =	ssyncset.done $0x0  }
0x68: {  	s29 =	sadd.s32 s29, s6;
	p0 =	seq.s32 s24, $0x0;
	[sflag:s20] =	ssyncadd.s32 $0xFFFFE000  }
0x69: {  	[hbm4b:s29+s2] =	stream.linear.scatter [tilespmem:s18], [sflag:$0x4], $0x4000, $0x38;
	[tilespmem:$0xC100] =	vst v63  }
0x6a: {  	s28 =	simm.s32 @!p0 $0x2  }
0x6b: {  	[hbm4b:s30+s16] =	stream.strided.scatter [tilespmem:s19], [sflag:$0x4], $0x2000, s13, s16, $0x38;
	[tilespmem:$0xC100] =	vst v63  }
0x6c: {  	_ =	swait.ge @!p0 [sflag:s28], $0x4000  }
0x6d: {  	[sflag:s28] =	ssyncset.done @!p0 $0x0  }
0x6e: {  	[sflag:s28] =	ssyncadd.s32 @!p0 $0xFFFFC000  }
0x6f: {  	_ =	swait.ge @!p0 [sflag:s28], $0x2000  }
0x70: {  	[sflag:s28] =	ssyncset.done @!p0 $0x0  }
0x71: {  	[sflag:s28] =	ssyncadd.s32 @!p0 $0xFFFFE000  }
0x72: {  	[tilespmem:s2], [sflag:$0x5] =	stream.linear.gather [hbm4b:s26+s2], $0x80, $0x38;
	[tilespmem:$0xC100] =	vst v63  }
0x73: {  	_ =	swait.ge [sflag:s12], $0x80  }
0x74: {  	[sflag:s12] =	ssyncset.done $0x0  }
0x75: {  	[sflag:s12] =	ssyncadd.s32 $0xFFFFFF80  }
0x76: {  	[tilespmem:s13], [sflag:$0x1] =	stream.indirect.gather [hbm4b:s3+s13], $0x80, s2, s13, $0xb8;
	[tilespmem:$0xC100] =	vst v63  }
0x77: {  	_ = 	snop  }
0x78: {  	[tilespmem:s14], [sflag:$0x1] =	stream.indirect.gather [hbm4b:s4+s13], $0x40, s2, s13, $0xb8;
	[tilespmem:$0xC100] =	vst v63  }
0x79: {  	_ =	swait.ge [sflag:s15], $0x4000  }
0x7a: {  	[sflag:s15] =	ssyncset.done $0x0  }
0x7b: {  	[sflag:s15] =	ssyncadd.s32 $0xFFFFC000  }
0x7c: {  	_ =	swait.ge [sflag:s15], $0x2000  }
0x7d: {  	[sflag:s15] =	ssyncset.done $0x0  }
0x7e: {  	s28 =	sadd.s32 s24, s10;
	[sflag:s15] =	ssyncadd.s32 $0xFFFFE000  }
0x7f: {  	[hbm4b:s28+s2] =	stream.linear.scatter [tilespmem:s13], [sflag:$0x2], $0x4000, $0x38;
	[tilespmem:$0xC100] =	vst v63  }
0x80: {  	s29 =	sadd.s32 s24, s9;
	s28 =	simm.s32 @!p0 $0x4  }
0x81: {  	[hbm4b:s29+s16] =	stream.strided.scatter [tilespmem:s14], [sflag:$0x2], $0x2000, s13, s16, $0x38;
	[tilespmem:$0xC100] =	vst v63  }
0x82: {  	_ =	swait.ge @!p0 [sflag:s28], $0x4000  }
0x83: {  	[sflag:s28] =	ssyncset.done @!p0 $0x0  }
0x84: {  	[sflag:s28] =	ssyncadd.s32 @!p0 $0xFFFFC000  }
0x85: {  	_ =	swait.ge @!p0 [sflag:s28], $0x2000  }
0x86: {  	[sflag:s28] =	ssyncset.done @!p0 $0x0  }
0x87: {  	s25 =	sadd.s32 $0x20, s25;
	[sflag:s28] =	ssyncadd.s32 @!p0 $0xFFFFE000  }
0x88: {  	[tilespmem:s17], [sflag:$0x5] =	stream.linear.gather [hbm4b:s25+s2], $0x80, $0x38;
	[tilespmem:$0xC100] =	vst v63  }
0x89: {  	_ =	swait.ge [sflag:s12], $0x80  }
0x8a: {  	[sflag:s12] =	ssyncset.done $0x0  }
0x8b: {  	[sflag:s12] =	ssyncadd.s32 $0xFFFFFF80  }
0x8c: {  	[tilespmem:s18], [sflag:$0x3] =	stream.indirect.gather [hbm4b:s3+s13], $0x80, s17, s13, $0xb8;
	[tilespmem:$0xC100] =	vst v63  }
0x8d: {  	_ = 	snop  }
0x8e: {  	[tilespmem:s19], [sflag:$0x3] =	stream.indirect.gather [hbm4b:s4+s13], $0x40, s17, s13, $0xb8;
	[tilespmem:$0xC100] =	vst v63  }
0x8f: {  	_ =	swait.ge [sflag:s20], $0x4000  }
0x90: {  	[sflag:s20] =	ssyncset.done $0x0  }
0x91: {  	[sflag:s20] =	ssyncadd.s32 $0xFFFFC000  }
0x92: {  	_ =	swait.ge [sflag:s20], $0x2000  }
0x93: {  	[sflag:s20] =	ssyncset.done $0x0  }
0x94: {  	s30 =	sadd.s32 s24, s6;
	[sflag:s20] =	ssyncadd.s32 $0xFFFFE000  }
0x95: {  	[hbm4b:s30+s2] =	stream.linear.scatter [tilespmem:s18], [sflag:$0x4], $0x4000, $0x38;
	[tilespmem:$0xC100] =	vst v63  }
0x96: {  	s31 =	sadd.s32 s24, s7  }
0x97: {  	[hbm4b:s31+s16] =	stream.strided.scatter [tilespmem:s19], [sflag:$0x4], $0x2000, s13, s16, $0x38;
	[tilespmem:$0xC100] =	vst v63  }
0x98: {  	_ =	swait.ge [sflag:s21], $0x4000  }
0x99: {  	[sflag:s21] =	ssyncset.done $0x0  }
0x9a: {  	[sflag:s21] =	ssyncadd.s32 $0xFFFFC000  }
0x9b: {  	_ =	swait.ge [sflag:s21], $0x2000  }
0x9c: {  	[sflag:s21] =	ssyncset.done $0x0  }
0x9d: {  	s23 =	sadd.s32 $0x1, s23;
	[sflag:s21] =	ssyncadd.s32 $0xFFFFE000  }
0x9e: {  	p0 =	sne.s32 s23, s5;
	_ =	swait.ge [sflag:s22], $0x4000  }
.Ltmp1:
0x9f: {  	[sflag:s22] =	ssyncset.done $0x0;
	(pc) =	sbr.rel @p0 .LBB2_1-.Ltmp1, $4  }
0xa0: {  	[sflag:s22] =	ssyncadd.s32 $0xFFFFC000  }
0xa1: {  	_ =	swait.ge [sflag:s22], $0x2000  }
0xa2: {  	[sflag:s22] =	ssyncset.done $0x0  }
0xa3: {  	[sflag:s22] =	ssyncadd.s32 $0xFFFFE000  }
0xa4: {  	_ =	sfence.sel $0x180000  }
0xa5: {  	[bflag:$0x0] =	sbarrier.arrive $0xFFFF  }
0xa6: {  	p0 =	sne.s32 s1, $0x0;
	_ =	strace $0x9000004D  }
0xa7: {  	s0 =	sadd.s32 @!p0 $0x100000, s0;
	[bflag:$0x2] =	sbarrier.arrive $0xFFFF  }
0xa8: {  	[sflag:s0] =	ssyncadd.tile.s32 @!p0 $0x1;
	_ =	shalt  }
.Lfunc_end2:
_tile_overlayer_lowered:
.L_overlay_start_2:
0xa9: {  	(tag) =	ssettag $0x2  }
0xaa: {  	s0 =	rddreg [dreg:$0x0];
	s2 =	stileid.u32  }
0xab: {  	s1 =	rddreg [dreg:$0x1];
	p0 =	sne.s32 s2, $0x0  }
0xac: {  	s3 =	rddreg [dreg:$0x2];
	[bflag:$0x3] =	sbarrier.arrive $0xFFFF;
	s2 =	simm.s32 @!p0 $0x1C05  }
0xad: {  	[timem:s3], [sflag:s2] =	dma.local @!p0 [hbm:s0], s1  }
0xae: {  	s0 =	simm.s32 @!p0 $0x5  }
0xaf: {  	_ =	swait.ge @!p0 [sflag:s0], s1  }
0xb0: {  	s1 =	ssub.s32 @!p0 $0x0, s1;
	[sflag:s0] =	ssyncset.done @!p0 $0x0  }
0xb1: {  	[sflag:s0] =	ssyncadd.s32 @!p0 s1  }
0xb2: {  	[bflag:$0x3] =	sbarrier.arrive $0xFFFF  }
0xb3: {  	_ =	shalt  }

// kernel: kernel.19.cloned.1.call-start
scs
__scs_entry_jumppad:
0x0: {  	(pc) =	sbr.rel $0x88, $3  }
0x1: {  	(tag) =	ssettag $0x0;
	lr =	simm.s32 $0x1  }
0x2: {  	[smem:$0x3F9D] =	sst lr;
	_ =	strace $0xD0000000  }
0x3: {  	_ = 	snop  }
0x4: {  	_ = 	snop  }
0x5: {  	_ = 	snop  }
0x6: {  	_ = 	snop  }
0x7: {  	_ = 	snop  }
__scs_overlays_trampoline_lowered:
0x8: {  	[smem:$0x3FAC] =	sst s0  }
0x9: {  	[smem:$0x3FAD] =	sst s1  }
0xa: {  	[smem:$0x3FAE] =	sst s2  }
0xb: {  	[smem:$0x3FAF] =	sst s3  }
0xc: {  	[smem:$0x3FB0] =	sst s4  }
0xd: {  	[smem:$0x3FB1] =	sst s5  }
0xe: {  	[smem:$0x3FB2] =	sst s6  }
0xf: {  	[smem:$0x3FB3] =	sst s7  }
0x10: {  	[smem:$0x3FB4] =	sst s8  }
0x11: {  	[smem:$0x3FB5] =	sst s9;
	s0 =	simm.s32 @!p0 $0x0  }
0x12: {  	s1 =	sld [smem:$0x3F9B];
	s0 =	simm.s32 @p0 $0x1  }
0x13: {  	[smem:$0x3FB6] =	sst s0;
	s0 =	simm.s32 @!p1 $0x0  }
0x14: {  	s2 =	sld [smem:$0x3F9A];
	s0 =	simm.s32 @p1 $0x1  }
0x15: {  	[smem:$0x3FB7] =	sst s0;
	s0 =	simm.s32 @!p2 $0x0  }
0x16: {  	s3 =	sld [smem:$0x3FDB];
	s0 =	simm.s32 @p2 $0x1  }
0x17: {  	s4 =	simm.s32 $0x1BF5;
	[smem:$0x3FB9] =	sst s0  }
0x18: {  	s0 =	sld [smem:$0x3F9C];
	_ =	swait.ge [sflag:s4], $0x0  }
0x19: {  	s7 =	sld [smem:$0x3F9D]  }
0x1a: {  	s8 =	sadd.s32 $0xFFFFE003, lr  }
0x1b: {  	s9 =	sadd.s32 $0xFFFFFEF7, lr;
	s5 =	simm.s32 $0xFFFFFFFF;
	p2 =	slt.u32 s8, $0xFFFFF086  }
0x1c: {  	p1 =	slt.u32 s9, $0xF7A;
	s5 =	simm.s32 @!p2 $0x0  }
0x1d: {  	s5 =	simm.s32 @p1 $0x1;
	p0 =	seq.s32 s7, s2  }
0x1e: {  	s7 =	smul.u32 @!p0 $0xF7A, s2;
	p2 =	seq.s32 @!p0 s5, $0x0  }
0x1f: {  	s9 =	smul.u32 $0xF7A, s1;
	s8 =	simm.s32 @!p0 $0x1BF5;
	p2 =	por !p2, p0  }
0x20: {  	[sflag:s8] =	ssyncset.s32 @!p0 $0xFFFFF086;
	s6 =	sadd.s32 @!p0 s3, s7;
	s7 =	simm.s32 @!p0 $0x108  }
0x21: {  	s3 =	sadd.s32 s3, s9;
	s6 =	sadd.s32 @!p0 $0x88, s6;
	s7 =	simm.s32 @p2 $0x1082  }
0x22: {  	[simem:s7], [sflag:s8] =	dma.local @!p0 [hbm:s6], $0xF7A  }
0x23: {  	s9 =	sor.u32 $0xD0000000, s2;
	s6 =	simm.s32 $0x108;
	_ =	swait.ge @!p0 [sflag:s8], $0x0  }
0x24: {  	s3 =	sadd.s32 $0x88, s3;
	s6 =	simm.s32 @!p1 $0x1082;
	[sflag:s4] =	ssyncset.s32 $0xFFFFF086  }
0x25: {  	[simem:s6], [sflag:s4] =	dma.local [hbm:s3], $0xF7A  }
0x26: {  	[smem:$0x3F9D] =	sst s1;
	(tag) =	ssettag s2;
	_ =	strace s9  }
0x27: {  	s1 =	sld [smem:$0x3FAD]  }
0x28: {  	s2 =	sld [smem:$0x3FAE]  }
0x29: {  	s4 =	sld [smem:$0x3FB0]  }
0x2a: {  	p0 =	seq.s32 s5, $0x0;
	s5 =	sld [smem:$0x3FB1]  }
0x2b: {  	s6 =	sld [smem:$0x3FB2]  }
0x2c: {  	s7 =	sld [smem:$0x3FB3]  }
0x2d: {  	s3 =	simm.s32 $0x108;
	s8 =	sld [smem:$0x3FB4]  }
0x2e: {  	s3 =	simm.s32 @!p0 $0x1082;
	s9 =	sld [smem:$0x3FB5]  }
0x2f: {  	lr =	sadd.s32 s0, s3;
	s0 =	sld [smem:$0x3FAC]  }
0x30: {  	s3 =	sld [smem:$0x3FAF]  }
0x31: {  	[smem:$0x3FB8] =	sst s10  }
0x32: {  	s10 =	sld [smem:$0x3FB6];
	_ =	sdelay $0x3  }
0x33: {  	p0 =	seq.s32 s10, $0x1;
	s10 =	sld [smem:$0x3FB8];
	_ =	sdelay $0x3  }
0x34: {  	[smem:$0x3FB8] =	sst s10  }
0x35: {  	s10 =	sld [smem:$0x3FB7];
	_ =	sdelay $0x3  }
0x36: {  	p1 =	seq.s32 s10, $0x1;
	s10 =	sld [smem:$0x3FB8];
	_ =	sdelay $0x3  }
0x37: {  	[smem:$0x3FB8] =	sst s10  }
0x38: {  	s10 =	sld [smem:$0x3FB9]  }
0x39: {  	_ = 	snop;
	(pc) =	sbr.ind lr, $3  }
0x3a: {  	_ = 	snop  }
0x3b: {  	_ = 	snop  }
0x3c: {  	p2 =	seq.s32 s10, $0x1;
	s10 =	sld [smem:$0x3FB8]  }
0x3d: {  	_ =	shalt  }
0x3e: {  	_ =	shalt  }
0x3f: {  	_ =	shalt  }
0x40: {  	_ =	shalt  }
0x41: {  	_ =	shalt  }
0x42: {  	_ =	shalt  }
0x43: {  	_ =	shalt  }
0x44: {  	_ =	shalt  }
0x45: {  	_ =	shalt  }
0x46: {  	_ =	shalt  }
0x47: {  	_ =	shalt  }
0x48: {  	_ =	shalt  }
0x49: {  	_ =	shalt  }
0x4a: {  	_ =	shalt  }
0x4b: {  	_ =	shalt  }
0x4c: {  	_ =	shalt  }
0x4d: {  	_ =	shalt  }
0x4e: {  	_ =	shalt  }
0x4f: {  	_ =	shalt  }
0x50: {  	_ =	shalt  }
0x51: {  	_ =	shalt  }
0x52: {  	_ =	shalt  }
0x53: {  	_ =	shalt  }
0x54: {  	_ =	shalt  }
0x55: {  	_ =	shalt  }
0x56: {  	_ =	shalt  }
0x57: {  	_ =	shalt  }
0x58: {  	_ =	shalt  }
0x59: {  	_ =	shalt  }
0x5a: {  	_ =	shalt  }
0x5b: {  	_ =	shalt  }
0x5c: {  	_ =	shalt  }
0x5d: {  	_ =	shalt  }
0x5e: {  	_ =	shalt  }
0x5f: {  	_ =	shalt  }
0x60: {  	_ =	shalt  }
0x61: {  	_ =	shalt  }
0x62: {  	_ =	shalt  }
0x63: {  	_ =	shalt  }
0x64: {  	_ =	shalt  }
0x65: {  	_ =	shalt  }
0x66: {  	_ =	shalt  }
0x67: {  	_ =	shalt  }
0x68: {  	_ =	shalt  }
0x69: {  	_ =	shalt  }
0x6a: {  	_ =	shalt  }
0x6b: {  	_ =	shalt  }
0x6c: {  	_ =	shalt  }
0x6d: {  	_ =	shalt  }
0x6e: {  	_ =	shalt  }
0x6f: {  	_ =	shalt  }
0x70: {  	_ =	shalt  }
0x71: {  	_ =	shalt  }
0x72: {  	_ =	shalt  }
0x73: {  	_ =	shalt  }
0x74: {  	_ =	shalt  }
0x75: {  	_ =	shalt  }
0x76: {  	_ =	shalt  }
0x77: {  	_ =	shalt  }
0x78: {  	_ =	shalt  }
0x79: {  	_ =	shalt  }
0x7a: {  	_ =	shalt  }
0x7b: {  	_ =	shalt  }
0x7c: {  	_ =	shalt  }
0x7d: {  	_ =	shalt  }
0x7e: {  	_ =	shalt  }
0x7f: {  	_ =	shalt  }
0x80: {  	_ =	shalt  }
0x81: {  	_ =	shalt  }
0x82: {  	_ =	shalt  }
0x83: {  	_ =	shalt  }
0x84: {  	_ =	shalt  }
0x85: {  	_ =	shalt  }
0x86: {  	_ =	shalt  }
0x87: {  	_ =	shalt  }
.Lfunc_end0:
.L_simem_size_0:
called_computation.3_lowered:
.L_overlay_start_0:
0x88: {  	s2 =	sld [smem:$0x3FD9]  }
0x89: {  	s3 =	sld [smem:$0x3FFE];
	_ =	sdelay $0x1  }
0x8a: {  	s1 =	srdreg.scid  }
0x8b: {  	s0 =	sand.u32 $0x1, s1  }
0x8c: {  	s17 =	sshll.u32 s0, $0xA;
	s2 =	sadd.s32 s3, s2  }
0x8d: {  	s2 =	sadd.s32 s2, s17  }
0x8e: {  	[smem:$0x3FC4] =	sst s2  }
0x8f: {  	_ = 	snop  }
0x90: {  	(tm) =	ssettm $0x1  }
0x91: {  	s18 =	sld [smem:$0x3FFB];
	_ =	sdelay $0x3  }
0x92: {  	_ =	strace s18  }
0x93: {  	s2 =	sld [smem:$0x3FFC];
	_ =	sdelay $0x3  }
0x94: {  	_ =	strace s2  }
0x95: {  	s2 =	sld [smem:$0x3FFD];
	_ =	sdelay $0x3  }
0x96: {  	_ =	strace s2  }
0x97: {  	_ =	strace $0x8FFFFFFF  }
0x98: {  	s19 =	sld [smem:$0x3FDB];
	_ =	sdelay $0x1  }
0x99: {  	s20 =	simm.s32 $_scs_section_size  }
0x9a: {  	s4 =	simm.s32 $_size__tile_overlayer_lowered;
	s5 =	simm.s32 $_tile_overlayer_lowered  }
0x9b: {  	s6 =	simm.s32 $0x1BFF;
	s21 =	sshll.u32 s5, $0x1;
	s3 =	sadd.s32 s20, s19  }
0x9c: {  	s22 =	simm.s32 $0x0;
	s4 =	sshll.u32 s4, $0x1;
	s5 =	sadd.s32 s21, s3  }
0x9d: {  	[timem:s22], [sflag:s6] =	dma.local [hbm:s5], s4  }
0x9e: {  	_ =	swait.ge [sflag:s6], s4  }
0x9f: {  	s4 =	ssub.s32 $0x0, s4;
	[sflag:s6] =	ssyncset.done $0x0  }
0xa0: {  	[sflag:s6] =	ssyncadd.s32 s4;
	_ =	sdelay $0x1  }
0xa1: {  	s23 =	simm.s32 $0x1B8B  }
0xa2: {  	_ =	swait.ge [sflag:s23], $0x1  }
0xa3: {  	[sflag:s23] =	ssyncset.done $0x0  }
0xa4: {  	[sflag:s23] =	ssyncadd.s32 $0xFFFFFFFF  }
0xa5: {  	s4 =	sld [smem:$0x0]  }
0xa6: {  	s5 =	sand.u32 $0xFFFFFFFE, s1  }
0xa7: {  	p0 =	sne.s32 s1, s5  }
0xa8: {  	s5 =	sshll.u32 @p0 s5, $0xE  }
0xa9: {  	s5 =	sadd.s32 @p0 $0x11B8D, s5;
	s6 =	sshll.u32 @p0 s4, $0x11  }
0xaa: {  	s5 =	sor.u32 @p0 s6, s5  }
0xab: {  	[sflag:s5] =	ssyncadd.remote.s32 @p0 $0x1;
	_ =	sdelay $0x1  }
0xac: {  	s5 =	simm.s32 @p0 $0x1B8D  }
0xad: {  	_ =	swait.eq @p0 [sflag:s5], $0x1  }
0xae: {  	[sflag:s5] =	ssyncadd.s32 @p0 $0xFFFFFFFF  }
0xaf: {  	s6 =	sshll.u32 @!p0 s1, $0xE  }
0xb0: {  	s6 =	sor.u32 @!p0 $0x4000, s6;
	s5 =	simm.s32 @!p0 $0x1B8D  }
0xb1: {  	s4 =	sshll.u32 @!p0 s4, $0x11;
	s6 =	sadd.s32 @!p0 $0x11B8D, s6;
	_ =	swait.eq @!p0 [sflag:s5], $0x1  }
0xb2: {  	s4 =	sor.u32 @!p0 s4, s6;
	[sflag:s5] =	ssyncadd.s32 @!p0 $0xFFFFFFFF  }
0xb3: {  	s25 =	simm.s32 $0x1B8E;
	s24 =	sld [smem:$0x3FFE];
	[sflag:s4] =	ssyncadd.remote.s32 @!p0 $0x1  }
0xb4: {  	s26 =	simm.s32 $execute0_lowered;
	[smem:$0x3FD2] =	sst s25  }
0xb5: {  	s5 =	sshll.u32 s26, $0x1;
	_ =	strace $0x8000004F;
	[dreg:$0x1] =	wrdreg $0xFFFFFFFF  }
0xb6: {  	s28 =	simm.s32 $_size_execute0_lowered;
	s3 =	sadd.s32 s3, s5;
	[dreg:$0x0] =	wrdreg $0x0  }
0xb7: {  	s5 =	sshll.u32 s28, $0x1;
	[dreg:$0x2] =	wrdreg s3  }
0xb8: {  	[dreg:$0x3] =	wrdreg s5  }
0xb9: {  	[dreg:$0x4] =	wrdreg $0xC0  }
0xba: {  	_ =	task [dreg:s22], $0x5FFFF  }
0xbb: {  	[dreg:$0x1] =	wrdreg $0xFFFFFFFF  }
0xbc: {  	[dreg:$0x0] =	wrdreg $0x60  }
0xbd: {  	[dreg:$0x2] =	wrdreg s24  }
0xbe: {  	[dreg:$0x3] =	wrdreg $0xC  }
0xbf: {  	_ =	task.clear_ibuf [dreg:s22], $0x4FFFF;
	_ =	strace $0x9000004F  }
0xc0: {  	s29 =	simm.s32 $0xC;
	_ =	strace $0x80000051  }
0xc1: {  	_ =	swait.ge [sflag:s29], $0x1  }
0xc2: {  	[sflag:s29] =	ssyncadd.s32 $0xFFFFFFFF  }
0xc3: {  	_ =	strace $0x90000051  }
0xc4: {  	_ =	sfence  }
0xc5: {  	s30 =	sld [smem:$0x0];
	_ =	sdelay $0x2  }
0xc6: {  	s31 =	sshll.u32 s1, $0xD;
	s1 =	sshrl.u32 s1, $0x2  }
0xc7: {  	s4 =	sand.u32 $0x4000, s31;
	s1 =	sadd.s32 s1, s30  }
0xc8: {  	s0 =	sor.u32 s4, s0;
	s1 =	sshll.u32 s1, $0x11  }
0xc9: {  	s0 =	sor.u32 s1, s0  }
0xca: {  	s0 =	sadd.s32 $0x8F2B, s0  }
0xcb: {  	[sflag:s0] =	ssyncadd.remote.s32 $0x1  }
0xcc: {  	_ =	sfence.sel $0xFFFF  }
0xcd: {  	[dreg:$0x0] =	wrdreg $0xFFFFFFFF;
	(pc) =	sbr.abs _section_cstart, $3  }
0xce: {  	[dreg:$0x1] =	wrdreg $0xFFFFFFFF  }
0xcf: {  	_ =	task.clear_ibuf [dreg:s22], $0x2FFFF;
	_ =	strace $0x9FFFFFFF  }
0xd0: {  	(tm) =	ssettm $0x7FFFFFFF  }
0xd1: {  	_ =	shalt  }
tec
execute0_lowered:
.L_overlay_start_1:
0x0: {  	(tag) =	ssettag $0x1  }
0x1: {  	s5 =	rddreg [dreg:$0x0]  }
0x2: {  	s0 =	rddreg [dreg:$0x1];
	s2 =	simm.s32 $0x0;
	s3 =	srdreg.scid  }
0x3: {  	s1 =	stileid.u32;
	s16 =	simm.s32 $0x40;
	s17 =	simm.s32 $0x6080  }
0x4: {  	s18 =	simm.s32 $0x6100;
	s19 =	simm.s32 $0xA100;
	s20 =	simm.s32 $0x3  }
0x5: {  	s21 =	simm.s32 $0x2;
	s22 =	simm.s32 $0x4;
	[smem:$0x7FF] =	sst s2  }
0x6: {  	s9 =	sand.u32 $0x1, s3;
	s6 =	smul.u32 $0x3200, s1;
	s3 =	sadd.s32 $0x190E00, s5  }
0x7: {  	s23 =	simm.s32 $0x0;
	s4 =	sadd.s32 $0x317800, s5;
	s13 =	sadd.s32 $0x169AE00, s5  }
0x8: {  	s11 =	sadd.s32 $0x16C00, s5;
	s26 =	sadd.s32 $0x19BAE00, s5;
	s15 =	smul.u32 $0x32000, s1  }
0x9: {  	_ =	strace $0x80000050;
	s7 =	smul.u32 $0x1900, s9;
	s8 =	ssub.s32 $0x2, s9  }
0xa: {  	s29 =	smul.u32 $0x19000, s9;
	s10 =	sshrl.u32 s8, $0x1;
	s30 =	sadd.s32 s15, s26  }
0xb: {  	s31 =	sadd.s32 s15, s13;
	s15 =	simm.s32 $0x1;
	s12 =	sadd.s32 s7, s6  }
0xc: {  	s25 =	ssub.s32 s8, s10;
	s9 =	sadd.s32 s29, s30;
	s7 =	sor.u32 $0x80, s12  }
0xd: {  	s10 =	sadd.s32 s29, s31;
	s5 =	smax.u32 s25, $0x1;
	s28 =	sshll.u32 s7, $0x4  }
0xe: {  	s12 =	sshrl.u32 s12, $0x3;
	s14 =	sshrl.u32 s7, $0x3;
	s6 =	sadd.s32 s28, s13  }
0xf: {  	s7 =	sadd.s32 s28, s26;
	s8 =	sadd.s32 s14, s11;
	s11 =	sadd.s32 s12, s11  }
0x10: {  	s12 =	simm.s32 $0x5;
	s13 =	simm.s32 $0x80;
	s14 =	simm.s32 $0x4080  }
.LBB2_1:
0x11: {  	p0 =	por $0x1, $0x1  }
0x12: {  	s24 =	simm.s32 @!p0 $0x2  }
0x13: {  	_ =	swait.ge @!p0 [sflag:s24], $0x4000  }
0x14: {  	[sflag:s24] =	ssyncset.done @!p0 $0x0  }
0x15: {  	[sflag:s24] =	ssyncadd.s32 @!p0 $0xFFFFC000  }
0x16: {  	_ =	swait.ge @!p0 [sflag:s24], $0x2000  }
0x17: {  	[sflag:s24] =	ssyncset.done @!p0 $0x0  }
0x18: {  	[sflag:s24] =	ssyncadd.s32 @!p0 $0xFFFFE000  }
0x19: {  	[tilespmem:s2], [sflag:$0x5] =	stream.linear.gather [hbm4b:s11+s2], $0x80, $0x38;
	[tilespmem:$0xC100] =	vst v63  }
0x1a: {  	_ =	swait.ge [sflag:s12], $0x80  }
0x1b: {  	[sflag:s12] =	ssyncset.done $0x0  }
0x1c: {  	[sflag:s12] =	ssyncadd.s32 $0xFFFFFF80  }
0x1d: {  	[tilespmem:s13], [sflag:$0x1] =	stream.indirect.gather [hbm4b:s3+s13], $0x80, s2, s13, $0xb8;
	[tilespmem:$0xC100] =	vst v63  }
0x1e: {  	_ = 	snop  }
0x1f: {  	[tilespmem:s14], [sflag:$0x1] =	stream.indirect.gather [hbm4b:s4+s13], $0x40, s2, s13, $0xb8;
	[tilespmem:$0xC100] =	vst v63  }
0x20: {  	_ =	swait.ge [sflag:s15], $0x4000  }
0x21: {  	[sflag:s15] =	ssyncset.done $0x0  }
0x22: {  	[sflag:s15] =	ssyncadd.s32 $0xFFFFC000  }
0x23: {  	_ =	swait.ge [sflag:s15], $0x2000  }
0x24: {  	[sflag:s15] =	ssyncset.done $0x0  }
0x25: {  	s26 =	sadd.s32 $0x0, s10;
	[sflag:s15] =	ssyncadd.s32 $0xFFFFE000  }
0x26: {  	[hbm4b:s26+s2] =	stream.linear.scatter [tilespmem:s13], [sflag:$0x2], $0x4000, $0x38;
	[tilespmem:$0xC100] =	vst v63  }
0x27: {  	s29 =	sadd.s32 $0x0, s9;
	s25 =	simm.s32 @!p0 $0x4  }
0x28: {  	[hbm4b:s29+s16] =	stream.strided.scatter [tilespmem:s14], [sflag:$0x2], $0x2000, s13, s16, $0x38;
	[tilespmem:$0xC100] =	vst v63  }
0x29: {  	_ =	swait.ge @!p0 [sflag:s25], $0x4000  }
0x2a: {  	[sflag:s25] =	ssyncset.done @!p0 $0x0  }
0x2b: {  	[sflag:s25] =	ssyncadd.s32 @!p0 $0xFFFFC000  }
0x2c: {  	_ =	swait.ge @!p0 [sflag:s25], $0x2000  }
0x2d: {  	[sflag:s25] =	ssyncset.done @!p0 $0x0  }
0x2e: {  	[sflag:s25] =	ssyncadd.s32 @!p0 $0xFFFFE000  }
0x2f: {  	[tilespmem:s17], [sflag:$0x5] =	stream.linear.gather [hbm4b:s8+s2], $0x80, $0x38;
	[tilespmem:$0xC100] =	vst v63  }
0x30: {  	_ =	swait.ge [sflag:s12], $0x80  }
0x31: {  	[sflag:s12] =	ssyncset.done $0x0  }
0x32: {  	[sflag:s12] =	ssyncadd.s32 $0xFFFFFF80  }
0x33: {  	[tilespmem:s18], [sflag:$0x3] =	stream.indirect.gather [hbm4b:s3+s13], $0x80, s17, s13, $0xb8;
	[tilespmem:$0xC100] =	vst v63  }
0x34: {  	_ = 	snop  }
0x35: {  	[tilespmem:s19], [sflag:$0x3] =	stream.indirect.gather [hbm4b:s4+s13], $0x40, s17, s13, $0xb8;
	[tilespmem:$0xC100] =	vst v63  }
0x36: {  	_ =	swait.ge [sflag:s20], $0x4000  }
0x37: {  	[sflag:s20] =	ssyncset.done $0x0  }
0x38: {  	s31 =	sadd.s32 $0x0, s6;
	[sflag:s20] =	ssyncadd.s32 $0xFFFFC000  }
0x39: {  	s28 =	simm.s32 $0x2000;
	s30 =	sadd.s32 $0x0, s7;
	_ =	swait.ge [sflag:s20], $0x2000  }
0x3a: {  	s24 =	simm.s32 $0x1000;
	s26 =	sadd.s32 $0x20, s11;
	[sflag:s20] =	ssyncset.done $0x0  }
0x3b: {  	p0 =	por $0x0, $0x0;
	s25 =	smov.u32 s8;
	[sflag:s20] =	ssyncadd.s32 $0xFFFFE000  }
0x3c: {  	[hbm4b:s31+s2] =	stream.linear.scatter [tilespmem:s18], [sflag:$0x4], $0x4000, $0x38;
	[tilespmem:$0xC100] =	vst v63  }
.LBB2_2:
0x3d: {  	s31 =	simm.s32 @!p0 $0x2;
	s25 =	sadd.s32 $0x20, s25  }
0x3e: {  	s29 =	smov.u32 s24;
	s24 =	smov.u32 s28;
	s28 =	sadd.s32 $0x1000, s28  }
0x3f: {  	[hbm4b:s30+s16] =	stream.strided.scatter [tilespmem:s19], [sflag:$0x4], $0x2000, s13, s16, $0x38;
	[tilespmem:$0xC100] =	vst v63  }
0x40: {  	p1 =	sne.s32 s28, $0x19000;
	_ =	swait.ge @!p0 [sflag:s31], $0x4000  }
0x41: {  	[sflag:s31] =	ssyncset.done @!p0 $0x0  }
0x42: {  	[sflag:s31] =	ssyncadd.s32 @!p0 $0xFFFFC000  }
0x43: {  	_ =	swait.ge @!p0 [sflag:s31], $0x2000  }
0x44: {  	[sflag:s31] =	ssyncset.done @!p0 $0x0  }
0x45: {  	[sflag:s31] =	ssyncadd.s32 @!p0 $0xFFFFE000  }
0x46: {  	[tilespmem:s2], [sflag:$0x5] =	stream.linear.gather [hbm4b:s26+s2], $0x80, $0x38;
	[tilespmem:$0xC100] =	vst v63  }
0x47: {  	_ =	swait.ge [sflag:s12], $0x80  }
0x48: {  	[sflag:s12] =	ssyncset.done $0x0  }
0x49: {  	[sflag:s12] =	ssyncadd.s32 $0xFFFFFF80  }
0x4a: {  	[tilespmem:s13], [sflag:$0x1] =	stream.indirect.gather [hbm4b:s3+s13], $0x80, s2, s13, $0xb8;
	[tilespmem:$0xC100] =	vst v63  }
0x4b: {  	_ = 	snop  }
0x4c: {  	[tilespmem:s14], [sflag:$0x1] =	stream.indirect.gather [hbm4b:s4+s13], $0x40, s2, s13, $0xb8;
	[tilespmem:$0xC100] =	vst v63  }
0x4d: {  	_ =	swait.ge [sflag:s15], $0x4000  }
0x4e: {  	[sflag:s15] =	ssyncset.done $0x0  }
0x4f: {  	[sflag:s15] =	ssyncadd.s32 $0xFFFFC000  }
0x50: {  	_ =	swait.ge [sflag:s15], $0x2000  }
0x51: {  	[sflag:s15] =	ssyncset.done $0x0  }
0x52: {  	s30 =	sadd.s32 s29, s10;
	[sflag:s15] =	ssyncadd.s32 $0xFFFFE000  }
0x53: {  	[hbm4b:s30+s2] =	stream.linear.scatter [tilespmem:s13], [sflag:$0x2], $0x4000, $0x38;
	[tilespmem:$0xC100] =	vst v63  }
0x54: {  	s31 =	simm.s32 @!p0 $0x4;
	s30 =	sadd.s32 s29, s9  }
0x55: {  	[hbm4b:s30+s16] =	stream.strided.scatter [tilespmem:s14], [sflag:$0x2], $0x2000, s13, s16, $0x38;
	[tilespmem:$0xC100] =	vst v63  }
0x56: {  	_ =	swait.ge @!p0 [sflag:s31], $0x4000  }
0x57: {  	[sflag:s31] =	ssyncset.done @!p0 $0x0  }
0x58: {  	[sflag:s31] =	ssyncadd.s32 @!p0 $0xFFFFC000  }
0x59: {  	_ =	swait.ge @!p0 [sflag:s31], $0x2000  }
0x5a: {  	[sflag:s31] =	ssyncset.done @!p0 $0x0  }
0x5b: {  	[sflag:s31] =	ssyncadd.s32 @!p0 $0xFFFFE000  }
0x5c: {  	[tilespmem:s17], [sflag:$0x5] =	stream.linear.gather [hbm4b:s25+s2], $0x80, $0x38;
	[tilespmem:$0xC100] =	vst v63  }
0x5d: {  	_ =	swait.ge [sflag:s12], $0x80  }
0x5e: {  	[sflag:s12] =	ssyncset.done $0x0  }
0x5f: {  	[sflag:s12] =	ssyncadd.s32 $0xFFFFFF80  }
0x60: {  	[tilespmem:s18], [sflag:$0x3] =	stream.indirect.gather [hbm4b:s3+s13], $0x80, s17, s13, $0xb8;
	[tilespmem:$0xC100] =	vst v63  }
0x61: {  	_ = 	snop  }
0x62: {  	[tilespmem:s19], [sflag:$0x3] =	stream.indirect.gather [hbm4b:s4+s13], $0x40, s17, s13, $0xb8;
	[tilespmem:$0xC100] =	vst v63  }
0x63: {  	_ =	swait.ge [sflag:s20], $0x4000  }
0x64: {  	[sflag:s20] =	ssyncset.done $0x0  }
.Ltmp0:
0x65: {  	[sflag:s20] =	ssyncadd.s32 $0xFFFFC000;
	(pc) =	sbr.rel @p1 .LBB2_2-.Ltmp0, $4  }
0x66: {  	_ =	swait.ge [sflag:s20], $0x2000  }
0x67: {  	s26 =	sadd.s32 $0x20, s26;
	s30 =	sadd.s32 s29, s7;
	[sflag:s20] =	ssyncset.done $0x0  }
0x68: {  	s29 =	sadd.s32 s29, s6;
	p0 =	seq.s32 s24, $0x0;
	[sflag:s20] =	ssyncadd.s32 $0xFFFFE000  }
0x69: {  	[hbm4b:s29+s2] =	stream.linear.scatter [tilespmem:s18], [sflag:$0x4], $0x4000, $0x38;
	[tilespmem:$0xC100] =	vst v63  }
0x6a: {  	s28 =	simm.s32 @!p0 $0x2  }
0x6b: {  	[hbm4b:s30+s16] =	stream.strided.scatter [tilespmem:s19], [sflag:$0x4], $0x2000, s13, s16, $0x38;
	[tilespmem:$0xC100] =	vst v63  }
0x6c: {  	_ =	swait.ge @!p0 [sflag:s28], $0x4000  }
0x6d: {  	[sflag:s28] =	ssyncset.done @!p0 $0x0  }
0x6e: {  	[sflag:s28] =	ssyncadd.s32 @!p0 $0xFFFFC000  }
0x6f: {  	_ =	swait.ge @!p0 [sflag:s28], $0x2000  }
0x70: {  	[sflag:s28] =	ssyncset.done @!p0 $0x0  }
0x71: {  	[sflag:s28] =	ssyncadd.s32 @!p0 $0xFFFFE000  }
0x72: {  	[tilespmem:s2], [sflag:$0x5] =	stream.linear.gather [hbm4b:s26+s2], $0x80, $0x38;
	[tilespmem:$0xC100] =	vst v63  }
0x73: {  	_ =	swait.ge [sflag:s12], $0x80  }
0x74: {  	[sflag:s12] =	ssyncset.done $0x0  }
0x75: {  	[sflag:s12] =	ssyncadd.s32 $0xFFFFFF80  }
0x76: {  	[tilespmem:s13], [sflag:$0x1] =	stream.indirect.gather [hbm4b:s3+s13], $0x80, s2, s13, $0xb8;
	[tilespmem:$0xC100] =	vst v63  }
0x77: {  	_ = 	snop  }
0x78: {  	[tilespmem:s14], [sflag:$0x1] =	stream.indirect.gather [hbm4b:s4+s13], $0x40, s2, s13, $0xb8;
	[tilespmem:$0xC100] =	vst v63  }
0x79: {  	_ =	swait.ge [sflag:s15], $0x4000  }
0x7a: {  	[sflag:s15] =	ssyncset.done $0x0  }
0x7b: {  	[sflag:s15] =	ssyncadd.s32 $0xFFFFC000  }
0x7c: {  	_ =	swait.ge [sflag:s15], $0x2000  }
0x7d: {  	[sflag:s15] =	ssyncset.done $0x0  }
0x7e: {  	s28 =	sadd.s32 s24, s10;
	[sflag:s15] =	ssyncadd.s32 $0xFFFFE000  }
0x7f: {  	[hbm4b:s28+s2] =	stream.linear.scatter [tilespmem:s13], [sflag:$0x2], $0x4000, $0x38;
	[tilespmem:$0xC100] =	vst v63  }
0x80: {  	s29 =	sadd.s32 s24, s9;
	s28 =	simm.s32 @!p0 $0x4  }
0x81: {  	[hbm4b:s29+s16] =	stream.strided.scatter [tilespmem:s14], [sflag:$0x2], $0x2000, s13, s16, $0x38;
	[tilespmem:$0xC100] =	vst v63  }
0x82: {  	_ =	swait.ge @!p0 [sflag:s28], $0x4000  }
0x83: {  	[sflag:s28] =	ssyncset.done @!p0 $0x0  }
0x84: {  	[sflag:s28] =	ssyncadd.s32 @!p0 $0xFFFFC000  }
0x85: {  	_ =	swait.ge @!p0 [sflag:s28], $0x2000  }
0x86: {  	[sflag:s28] =	ssyncset.done @!p0 $0x0  }
0x87: {  	s25 =	sadd.s32 $0x20, s25;
	[sflag:s28] =	ssyncadd.s32 @!p0 $0xFFFFE000  }
0x88: {  	[tilespmem:s17], [sflag:$0x5] =	stream.linear.gather [hbm4b:s25+s2], $0x80, $0x38;
	[tilespmem:$0xC100] =	vst v63  }
0x89: {  	_ =	swait.ge [sflag:s12], $0x80  }
0x8a: {  	[sflag:s12] =	ssyncset.done $0x0  }
0x8b: {  	[sflag:s12] =	ssyncadd.s32 $0xFFFFFF80  }
0x8c: {  	[tilespmem:s18], [sflag:$0x3] =	stream.indirect.gather [hbm4b:s3+s13], $0x80, s17, s13, $0xb8;
	[tilespmem:$0xC100] =	vst v63  }
0x8d: {  	_ = 	snop  }
0x8e: {  	[tilespmem:s19], [sflag:$0x3] =	stream.indirect.gather [hbm4b:s4+s13], $0x40, s17, s13, $0xb8;
	[tilespmem:$0xC100] =	vst v63  }
0x8f: {  	_ =	swait.ge [sflag:s20], $0x4000  }
0x90: {  	[sflag:s20] =	ssyncset.done $0x0  }
0x91: {  	[sflag:s20] =	ssyncadd.s32 $0xFFFFC000  }
0x92: {  	_ =	swait.ge [sflag:s20], $0x2000  }
0x93: {  	[sflag:s20] =	ssyncset.done $0x0  }
0x94: {  	s30 =	sadd.s32 s24, s6;
	[sflag:s20] =	ssyncadd.s32 $0xFFFFE000  }
0x95: {  	[hbm4b:s30+s2] =	stream.linear.scatter [tilespmem:s18], [sflag:$0x4], $0x4000, $0x38;
	[tilespmem:$0xC100] =	vst v63  }
0x96: {  	s31 =	sadd.s32 s24, s7  }
0x97: {  	[hbm4b:s31+s16] =	stream.strided.scatter [tilespmem:s19], [sflag:$0x4], $0x2000, s13, s16, $0x38;
	[tilespmem:$0xC100] =	vst v63  }
0x98: {  	_ =	swait.ge [sflag:s21], $0x4000  }
0x99: {  	[sflag:s21] =	ssyncset.done $0x0  }
0x9a: {  	[sflag:s21] =	ssyncadd.s32 $0xFFFFC000  }
0x9b: {  	_ =	swait.ge [sflag:s21], $0x2000  }
0x9c: {  	[sflag:s21] =	ssyncset.done $0x0  }
0x9d: {  	s23 =	sadd.s32 $0x1, s23;
	[sflag:s21] =	ssyncadd.s32 $0xFFFFE000  }
0x9e: {  	p0 =	sne.s32 s23, s5;
	_ =	swait.ge [sflag:s22], $0x4000  }
.Ltmp1:
0x9f: {  	[sflag:s22] =	ssyncset.done $0x0;
	(pc) =	sbr.rel @p0 .LBB2_1-.Ltmp1, $4  }
0xa0: {  	[sflag:s22] =	ssyncadd.s32 $0xFFFFC000  }
0xa1: {  	_ =	swait.ge [sflag:s22], $0x2000  }
0xa2: {  	[sflag:s22] =	ssyncset.done $0x0  }
0xa3: {  	[sflag:s22] =	ssyncadd.s32 $0xFFFFE000  }
0xa4: {  	_ =	sfence.sel $0x180000  }
0xa5: {  	[bflag:$0x0] =	sbarrier.arrive $0xFFFF  }
0xa6: {  	p0 =	sne.s32 s1, $0x0;
	_ =	strace $0x90000050  }
0xa7: {  	s0 =	sadd.s32 @!p0 $0x100000, s0;
	[bflag:$0x2] =	sbarrier.arrive $0xFFFF  }
0xa8: {  	[sflag:s0] =	ssyncadd.tile.s32 @!p0 $0x1;
	_ =	shalt  }
.Lfunc_end2:
_tile_overlayer_lowered:
.L_overlay_start_2:
0xa9: {  	(tag) =	ssettag $0x2  }
0xaa: {  	s0 =	rddreg [dreg:$0x0];
	s2 =	stileid.u32  }
0xab: {  	s1 =	rddreg [dreg:$0x1];
	p0 =	sne.s32 s2, $0x0  }
0xac: {  	s3 =	rddreg [dreg:$0x2];
	[bflag:$0x3] =	sbarrier.arrive $0xFFFF;
	s2 =	simm.s32 @!p0 $0x1C05  }
0xad: {  	[timem:s3], [sflag:s2] =	dma.local @!p0 [hbm:s0], s1  }
0xae: {  	s0 =	simm.s32 @!p0 $0x5  }
0xaf: {  	_ =	swait.ge @!p0 [sflag:s0], s1  }
0xb0: {  	s1 =	ssub.s32 @!p0 $0x0, s1;
	[sflag:s0] =	ssyncset.done @!p0 $0x0  }
0xb1: {  	[sflag:s0] =	ssyncadd.s32 @!p0 s1  }
0xb2: {  	[bflag:$0x3] =	sbarrier.arrive $0xFFFF  }
0xb3: {  	_ =	shalt  }

</sc_bundles>
